<compile_context>
chip_gen: v7x
topology: tpu7x:2x2x1
jax: 0.10.2.dev20260603
libtpu: 0.0.44.dev20260713+nightly
codegen_flags: <defaults>
</compile_context>

<pallas_src>
import jax
import jax.numpy as jnp
from jax import lax
from jax.experimental import pallas as pl
from jax.experimental.pallas import tpu as pltpu
from jax.experimental.pallas import tpu_sc as plsc

_MAXLEN = 8192
_DIM = 64
_BATCH = 64

_NC = 2
_NS = 16
_NW = _NC * _NS

_SLAB = _MAXLEN // _NW
_CP = 128
_CPB = _SLAB // _CP
_NCHUNK = _BATCH * _CPB
_NBUF = 6
_LEAD = 3
_LANES = 16
_VPR = _DIM // _LANES


def _sc_body(x_hbm, pos_hbm, out_hbm,
             bufs, pos_buf,
             lsem0, lsem1, lsem2, lsem3, lsem4, lsem5,
             ssem0, ssem1, ssem2, ssem3, ssem4, ssem5):
    lsems = (lsem0, lsem1, lsem2, lsem3, lsem4, lsem5)
    ssems = (ssem0, ssem1, ssem2, ssem3, ssem4, ssem5)

    wid = lax.axis_index("s") * _NC + lax.axis_index("c")
    base_pos = wid * _SLAB

    pltpu.sync_copy(pos_hbm.at[wid], pos_buf)

    def row0(c):
        return (c // _CPB) * _MAXLEN + base_pos + (c % _CPB) * _CP

    def load(c, k):
        pltpu.async_copy(x_hbm.at[pl.ds(row0(c), _CP)], bufs.at[k],
                         lsems[k])

    def wait_load(c, k):
        pltpu.make_async_copy(x_hbm.at[pl.ds(row0(c), _CP)], bufs.at[k],
                              lsems[k]).wait()

    def store(c, k):
        pltpu.async_copy(bufs.at[k], out_hbm.at[pl.ds(row0(c), _CP)],
                         ssems[k])

    def wait_store(c, k):
        pltpu.make_async_copy(bufs.at[k], out_hbm.at[pl.ds(row0(c), _CP)],
                              ssems[k]).wait()

    def chunk_body(c, k):
        j = k % _CPB
        wait_load(c, k)
        @pl.when(c + _LEAD < _NCHUNK)
        def _():
            @pl.when(c >= _LEAD)
            def _():
                wait_store(c - _LEAD, (k + _LEAD) % _NBUF)

            load(c + _LEAD, (k + _LEAD) % _NBUF)

        @plsc.parallel_loop(0, _CP, unroll=4)
        def _(r):
            for li in range(_VPR):
                plsc.addupdate(bufs.at[k, r, pl.ds(li * _LANES, _LANES)],
                               pos_buf[r, pl.ds(j * _DIM + li * _LANES,
                                                _LANES)])

        store(c, k)

    for c in range(_LEAD):
        load(c, c)

    _NFULL = (_NCHUNK // _NBUF) * _NBUF

    def step(t, carry):
        for k in range(_NBUF):
            chunk_body(t * _NBUF + k, k)
        return carry

    lax.fori_loop(0, _NFULL // _NBUF, step, 0)
    for c in range(_NFULL, _NCHUNK):
        chunk_body(c, c % _NBUF)
    for c in range(_NCHUNK - 2 * _LEAD, _NCHUNK):
        wait_store(c, c % _NBUF)


_sc_call = pl.kernel(
    _sc_body,
    out_type=jax.ShapeDtypeStruct((_BATCH * _MAXLEN, _DIM), jnp.float32),
    mesh=plsc.VectorSubcoreMesh(core_axis_name="c", subcore_axis_name="s"),
    scratch_types=[
        pltpu.VMEM((_NBUF, _CP, _DIM), jnp.float32),
        pltpu.VMEM((_SLAB // 2, 2 * _DIM), jnp.float32),
        pltpu.SemaphoreType.DMA,
        pltpu.SemaphoreType.DMA,
        pltpu.SemaphoreType.DMA,
        pltpu.SemaphoreType.DMA,
        pltpu.SemaphoreType.DMA,
        pltpu.SemaphoreType.DMA,
        pltpu.SemaphoreType.DMA,
        pltpu.SemaphoreType.DMA,
        pltpu.SemaphoreType.DMA,
        pltpu.SemaphoreType.DMA,
        pltpu.SemaphoreType.DMA,
        pltpu.SemaphoreType.DMA,
    ],
)


@jax.jit
def kernel(x, pos_table):
    slabs = pos_table.reshape(_NW, 2, _SLAB // 2, _DIM)
    pos_packed = jnp.concatenate([slabs[:, 0], slabs[:, 1]], axis=-1)
    out = _sc_call(x.reshape(_BATCH * _MAXLEN, _DIM), pos_packed)
    return out.reshape(x.shape)

# --- scband reference (transcript-rebuilt; emitter-appended) ---
"""Pipeline reference for scband-token-and-position-embedding-10514079941009 (READ-ONLY COPY).

The authoritative reference and input builder live on the scoring server;
editing this copy changes nothing except your own understanding.
"""

import jax, jax.numpy as jnp
import numpy as np

MAXLEN = 8192
DIM = 64
BATCH = 64

def setup_inputs(seed: int = 0) -> dict:
    key = jax.random.key(seed)
    k1, k2 = jax.random.split(key)
    x = jax.random.normal(k1, (BATCH, MAXLEN, DIM), dtype=jnp.float32)
    # learned positional embedding table, sized per init_kwargs (len=8192, dim=64)
    pos_table = jax.random.normal(k2, (MAXLEN, DIM), dtype=jnp.float32) * 0.02
    return {"x": x, "pos_table": pos_table}

def reference(x, pos_table):
    # positions = tf.range(0, maxlen); pos = pos_emb(positions); return x + pos
    positions = jnp.arange(MAXLEN)
    pos = jnp.take(pos_table, positions, axis=0)  # embedding gather -> [maxlen, dim]
    return x + pos[None, :, :]

if __name__ == "__main__":
    import jax
    _d = setup_inputs()
    print(jax.jit(kernel)(*tuple(_d.values())))

</pallas_src>

<mosaic_0001>
#map = affine_map<(d0, d1) -> (0, 0)>
#map1 = affine_map<(d0, d1) -> (0, 0, 0)>
module attributes {stable_mosaic.version = 14 : i64} {
  func.func @_sc_body(%arg0: i32, %arg1: i32, %arg2: memref<524288x64xf32, #tpu.memory_space<hbm>>, %arg3: memref<32x128x128xf32, #tpu.memory_space<hbm>>, %arg4: memref<524288x64xf32, #tpu.memory_space<hbm>>, %arg5: memref<6x128x64xf32, #tpu.memory_space<vmem>>, %arg6: memref<128x128xf32, #tpu.memory_space<vmem>>, %arg7: memref<!tpu.dma_semaphore, #tpu.memory_space<semaphore_mem>>, %arg8: memref<!tpu.dma_semaphore, #tpu.memory_space<semaphore_mem>>, %arg9: memref<!tpu.dma_semaphore, #tpu.memory_space<semaphore_mem>>, %arg10: memref<!tpu.dma_semaphore, #tpu.memory_space<semaphore_mem>>, %arg11: memref<!tpu.dma_semaphore, #tpu.memory_space<semaphore_mem>>, %arg12: memref<!tpu.dma_semaphore, #tpu.memory_space<semaphore_mem>>, %arg13: memref<!tpu.dma_semaphore, #tpu.memory_space<semaphore_mem>>, %arg14: memref<!tpu.dma_semaphore, #tpu.memory_space<semaphore_mem>>, %arg15: memref<!tpu.dma_semaphore, #tpu.memory_space<semaphore_mem>>, %arg16: memref<!tpu.dma_semaphore, #tpu.memory_space<semaphore_mem>>, %arg17: memref<!tpu.dma_semaphore, #tpu.memory_space<semaphore_mem>>, %arg18: memref<!tpu.dma_semaphore, #tpu.memory_space<semaphore_mem>>) attributes {dimension_semantics = [#tpu.dimension_semantics<core_parallel>, #tpu.dimension_semantics<subcore_parallel>], iteration_bounds = array<i64: 2, 16>, scalar_prefetch = 0 : i64, scratch_operands = 14 : i64, tpu.core_type = #tpu.core_type<sc_vector_subcore>, window_params = [{transform_indices = #map}, {transform_indices = #map1}, {transform_indices = #map}]} {
    %mul3A = arith.constant 2 : i32
    %mul3A_0 = arith.muli %arg1, %mul3A : i32
    %add3A = arith.addi %mul3A_0, %arg0 : i32
    %mul3A_1 = arith.constant 256 : i32
    %mul3A_2 = arith.muli %add3A, %mul3A_1 : i32
    "tpu.region"() ({
      %run_scoped3A = tpu.sem_alloc : memref<!tpu.dma_semaphore, #tpu.memory_space<semaphore_mem>>
      %dma_start3A_232 = arith.constant 0 : i32
      %dma_start3A_233 = arith.constant 0 : i32
      %dma_start3A_234 = tpu.memref_slice %arg3[%add3A, %dma_start3A_232, %dma_start3A_233] : memref<32x128x128xf32, #tpu.memory_space<hbm>> -> memref<1x128x128xf32, #tpu.memory_space<hbm>>
      %dma_start3A_235 = tpu.memref_squeeze %dma_start3A_234 : memref<1x128x128xf32, #tpu.memory_space<hbm>> -> memref<128x128xf32, #tpu.memory_space<hbm>>
      %dma_start3A_236 = arith.constant 0 : i32
      %dma_start3A_237 = arith.constant 0 : i32
      %dma_start3A_238 = tpu.memref_slice %arg3[%add3A, %dma_start3A_236, %dma_start3A_237] : memref<32x128x128xf32, #tpu.memory_space<hbm>> -> memref<1x128x128xf32, #tpu.memory_space<hbm>>
      %dma_start3A_239 = tpu.memref_squeeze %dma_start3A_238 : memref<1x128x128xf32, #tpu.memory_space<hbm>> -> memref<128x128xf32, #tpu.memory_space<hbm>>
      tpu.enqueue_dma source(%dma_start3A_239 : memref<128x128xf32, #tpu.memory_space<hbm>>) target(%arg6 : memref<128x128xf32, #tpu.memory_space<vmem>>) target_semaphore(%run_scoped3A : memref<!tpu.dma_semaphore, #tpu.memory_space<semaphore_mem>>)
      %dma_wait3A_240 = arith.constant 0 : i32
      %dma_wait3A_241 = arith.constant 0 : i32
      %dma_wait3A_242 = tpu.memref_slice %arg3[%add3A, %dma_wait3A_240, %dma_wait3A_241] : memref<32x128x128xf32, #tpu.memory_space<hbm>> -> memref<1x128x128xf32, #tpu.memory_space<hbm>>
      %dma_wait3A_243 = tpu.memref_squeeze %dma_wait3A_242 : memref<1x128x128xf32, #tpu.memory_space<hbm>> -> memref<128x128xf32, #tpu.memory_space<hbm>>
      %dma_wait3A_244 = arith.constant 0 : i32
      %dma_wait3A_245 = arith.constant 0 : i32
      %dma_wait3A_246 = tpu.memref_slice %arg3[%add3A, %dma_wait3A_244, %dma_wait3A_245] : memref<32x128x128xf32, #tpu.memory_space<hbm>> -> memref<1x128x128xf32, #tpu.memory_space<hbm>>
      %dma_wait3A_247 = tpu.memref_squeeze %dma_wait3A_246 : memref<1x128x128xf32, #tpu.memory_space<hbm>> -> memref<128x128xf32, #tpu.memory_space<hbm>>
      tpu.wait_dma2 semaphore(%run_scoped3A : memref<!tpu.dma_semaphore, #tpu.memory_space<semaphore_mem>>) src(%dma_wait3A_247 : memref<128x128xf32, #tpu.memory_space<hbm>>) dst(%arg6 : memref<128x128xf32, #tpu.memory_space<vmem>>)
      tpu.yield
    }) : () -> ()
    %add3A_3 = arith.constant 0 : i32
    %add3A_4 = arith.addi %add3A_3, %mul3A_2 : i32
    %add3A_5 = arith.constant 0 : i32
    %add3A_6 = arith.addi %add3A_4, %add3A_5 : i32
    %dma_start3A = arith.constant 0 : i32
    %dma_start3A_7 = arith.constant 0 : i32
    %dma_start3A_8 = arith.constant 0 : i32
    %dma_start3A_9 = tpu.memref_slice %arg5[%dma_start3A, %dma_start3A_7, %dma_start3A_8] : memref<6x128x64xf32, #tpu.memory_space<vmem>> -> memref<1x128x64xf32, #tpu.memory_space<vmem>>
    %dma_start3A_10 = tpu.memref_squeeze %dma_start3A_9 : memref<1x128x64xf32, #tpu.memory_space<vmem>> -> memref<128x64xf32, #tpu.memory_space<vmem>>
    %dma_start3A_11 = arith.constant 0 : i32
    %dma_start3A_12 = tpu.memref_slice %arg2[%add3A_6, %dma_start3A_11] : memref<524288x64xf32, #tpu.memory_space<hbm>> -> memref<128x64xf32, #tpu.memory_space<hbm>>
    %dma_start3A_13 = arith.constant 0 : i32
    %dma_start3A_14 = arith.constant 0 : i32
    %dma_start3A_15 = tpu.memref_slice %arg5[%dma_start3A, %dma_start3A_13, %dma_start3A_14] : memref<6x128x64xf32, #tpu.memory_space<vmem>> -> memref<1x128x64xf32, #tpu.memory_space<vmem>>
    %dma_start3A_16 = tpu.memref_squeeze %dma_start3A_15 : memref<1x128x64xf32, #tpu.memory_space<vmem>> -> memref<128x64xf32, #tpu.memory_space<vmem>>
    %dma_start3A_17 = arith.constant 0 : i32
    %dma_start3A_18 = tpu.memref_slice %arg2[%add3A_6, %dma_start3A_17] : memref<524288x64xf32, #tpu.memory_space<hbm>> -> memref<128x64xf32, #tpu.memory_space<hbm>>
    tpu.enqueue_dma source(%dma_start3A_18 : memref<128x64xf32, #tpu.memory_space<hbm>>) target(%dma_start3A_16 : memref<128x64xf32, #tpu.memory_space<vmem>>) target_semaphore(%arg7 : memref<!tpu.dma_semaphore, #tpu.memory_space<semaphore_mem>>)
    %add3A_19 = arith.constant 0 : i32
    %add3A_20 = arith.addi %add3A_19, %mul3A_2 : i32
    %add3A_21 = arith.constant 128 : i32
    %add3A_22 = arith.addi %add3A_20, %add3A_21 : i32
    %dma_start3A_23 = arith.constant 1 : i32
    %dma_start3A_24 = arith.constant 0 : i32
    %dma_start3A_25 = arith.constant 0 : i32
    %dma_start3A_26 = tpu.memref_slice %arg5[%dma_start3A_23, %dma_start3A_24, %dma_start3A_25] : memref<6x128x64xf32, #tpu.memory_space<vmem>> -> memref<1x128x64xf32, #tpu.memory_space<vmem>>
    %dma_start3A_27 = tpu.memref_squeeze %dma_start3A_26 : memref<1x128x64xf32, #tpu.memory_space<vmem>> -> memref<128x64xf32, #tpu.memory_space<vmem>>
    %dma_start3A_28 = arith.constant 0 : i32
    %dma_start3A_29 = tpu.memref_slice %arg2[%add3A_22, %dma_start3A_28] : memref<524288x64xf32, #tpu.memory_space<hbm>> -> memref<128x64xf32, #tpu.memory_space<hbm>>
    %dma_start3A_30 = arith.constant 0 : i32
    %dma_start3A_31 = arith.constant 0 : i32
    %dma_start3A_32 = tpu.memref_slice %arg5[%dma_start3A_23, %dma_start3A_30, %dma_start3A_31] : memref<6x128x64xf32, #tpu.memory_space<vmem>> -> memref<1x128x64xf32, #tpu.memory_space<vmem>>
    %dma_start3A_33 = tpu.memref_squeeze %dma_start3A_32 : memref<1x128x64xf32, #tpu.memory_space<vmem>> -> memref<128x64xf32, #tpu.memory_space<vmem>>
    %dma_start3A_34 = arith.constant 0 : i32
    %dma_start3A_35 = tpu.memref_slice %arg2[%add3A_22, %dma_start3A_34] : memref<524288x64xf32, #tpu.memory_space<hbm>> -> memref<128x64xf32, #tpu.memory_space<hbm>>
    tpu.enqueue_dma source(%dma_start3A_35 : memref<128x64xf32, #tpu.memory_space<hbm>>) target(%dma_start3A_33 : memref<128x64xf32, #tpu.memory_space<vmem>>) target_semaphore(%arg8 : memref<!tpu.dma_semaphore, #tpu.memory_space<semaphore_mem>>)
    %add3A_36 = arith.constant 8192 : i32
    %add3A_37 = arith.addi %add3A_36, %mul3A_2 : i32
    %add3A_38 = arith.constant 0 : i32
    %add3A_39 = arith.addi %add3A_37, %add3A_38 : i32
    %dma_start3A_40 = arith.constant 2 : i32
    %dma_start3A_41 = arith.constant 0 : i32
    %dma_start3A_42 = arith.constant 0 : i32
    %dma_start3A_43 = tpu.memref_slice %arg5[%dma_start3A_40, %dma_start3A_41, %dma_start3A_42] : memref<6x128x64xf32, #tpu.memory_space<vmem>> -> memref<1x128x64xf32, #tpu.memory_space<vmem>>
    %dma_start3A_44 = tpu.memref_squeeze %dma_start3A_43 : memref<1x128x64xf32, #tpu.memory_space<vmem>> -> memref<128x64xf32, #tpu.memory_space<vmem>>
    %dma_start3A_45 = arith.constant 0 : i32
    %dma_start3A_46 = tpu.memref_slice %arg2[%add3A_39, %dma_start3A_45] : memref<524288x64xf32, #tpu.memory_space<hbm>> -> memref<128x64xf32, #tpu.memory_space<hbm>>
    %dma_start3A_47 = arith.constant 0 : i32
    %dma_start3A_48 = arith.constant 0 : i32
    %dma_start3A_49 = tpu.memref_slice %arg5[%dma_start3A_40, %dma_start3A_47, %dma_start3A_48] : memref<6x128x64xf32, #tpu.memory_space<vmem>> -> memref<1x128x64xf32, #tpu.memory_space<vmem>>
    %dma_start3A_50 = tpu.memref_squeeze %dma_start3A_49 : memref<1x128x64xf32, #tpu.memory_space<vmem>> -> memref<128x64xf32, #tpu.memory_space<vmem>>
    %dma_start3A_51 = arith.constant 0 : i32
    %dma_start3A_52 = tpu.memref_slice %arg2[%add3A_39, %dma_start3A_51] : memref<524288x64xf32, #tpu.memory_space<hbm>> -> memref<128x64xf32, #tpu.memory_space<hbm>>
    tpu.enqueue_dma source(%dma_start3A_52 : memref<128x64xf32, #tpu.memory_space<hbm>>) target(%dma_start3A_50 : memref<128x64xf32, #tpu.memory_space<vmem>>) target_semaphore(%arg9 : memref<!tpu.dma_semaphore, #tpu.memory_space<semaphore_mem>>)
    %scan3A = arith.constant 0 : i32
    %scan3A_53 = arith.constant 0 : i32
    %scan3A_54 = arith.constant 21 : i32
    %scan3A_55 = arith.addi %scan3A_53, %scan3A_54 : i32
    %scan3A_56 = arith.constant 1 : i32
    scf.for %scan3A_232 = %scan3A_53 to %scan3A_55 step %scan3A_56  : i32 {
      %mul3A_233 = arith.constant 6 : i32
      %mul3A_234 = arith.muli %scan3A_232, %mul3A_233 : i32
      %add3A_235 = arith.constant 0 : i32
      %add3A_236 = arith.addi %mul3A_234, %add3A_235 : i32
      %jit3A = arith.constant 2 : i32
      %div3A = arith.divsi %add3A_236, %jit3A : i32
      %sign3A = arith.constant 0 : i32
      %sign3A_237 = arith.cmpi sgt, %add3A_236, %sign3A : i32
      %sign3A_238 = arith.extui %sign3A_237 : i1 to i32
      %sign3A_239 = arith.constant 0 : i32
      %sign3A_240 = arith.cmpi slt, %add3A_236, %sign3A_239 : i32
      %sign3A_241 = arith.extui %sign3A_240 : i1 to i32
      %sign3A_242 = arith.subi %sign3A_238, %sign3A_241 : i32
      %sign3A_243 = arith.constant 0 : i32
      %sign3A_244 = arith.cmpi sgt, %jit3A, %sign3A_243 : i32
      %sign3A_245 = arith.extui %sign3A_244 : i1 to i32
      %sign3A_246 = arith.constant 0 : i32
      %sign3A_247 = arith.cmpi slt, %jit3A, %sign3A_246 : i32
      %sign3A_248 = arith.extui %sign3A_247 : i1 to i32
      %sign3A_249 = arith.subi %sign3A_245, %sign3A_248 : i32
      %ne3A = arith.cmpi ne, %sign3A_242, %sign3A_249 : i32
      %rem3A = arith.remsi %add3A_236, %jit3A : i32
      %ne3A_250 = arith.constant 0 : i32
      %ne3A_251 = arith.cmpi ne, %rem3A, %ne3A_250 : i32
      %and3A = arith.andi %ne3A, %ne3A_251 : i1
      %sub3A = arith.constant 1 : i32
      %sub3A_252 = arith.subi %div3A, %sub3A : i32
      %select_n3A = arith.select %and3A, %sub3A_252, %div3A : i32
      %mul3A_253 = arith.constant 8192 : i32
      %mul3A_254 = arith.muli %select_n3A, %mul3A_253 : i32
      %add3A_255 = arith.addi %mul3A_254, %mul3A_2 : i32
      %jit3A_256 = arith.constant 2 : i32
      %eq3A = arith.constant 0 : i32
      %eq3A_257 = arith.cmpi eq, %jit3A_256, %eq3A : i32
      %jit3A_258 = arith.constant 1 : i32
      %select_n3A_259 = arith.select %eq3A_257, %jit3A_258, %jit3A_256 : i32
      %rem3A_260 = arith.remsi %add3A_236, %select_n3A_259 : i32
      %ne3A_261 = arith.constant 0 : i32
      %ne3A_262 = arith.cmpi ne, %rem3A_260, %ne3A_261 : i32
      %lt3A = arith.constant 0 : i32
      %lt3A_263 = arith.cmpi slt, %rem3A_260, %lt3A : i32
      %lt3A_264 = arith.constant 0 : i32
      %lt3A_265 = arith.cmpi slt, %select_n3A_259, %lt3A_264 : i32
      %ne3A_266 = arith.xori %lt3A_263, %lt3A_265 : i1
      %and3A_267 = arith.andi %ne3A_266, %ne3A_262 : i1
      %add3A_268 = arith.addi %rem3A_260, %select_n3A_259 : i32
      %select_n3A_269 = arith.select %and3A_267, %add3A_268, %rem3A_260 : i32
      %mul3A_270 = arith.constant 128 : i32
      %mul3A_271 = arith.muli %select_n3A_269, %mul3A_270 : i32
      %add3A_272 = arith.addi %add3A_255, %mul3A_271 : i32
      %dma_wait3A_273 = arith.constant 0 : i32
      %dma_wait3A_274 = arith.constant 0 : i32
      %dma_wait3A_275 = arith.constant 0 : i32
      %dma_wait3A_276 = tpu.memref_slice %arg5[%dma_wait3A_273, %dma_wait3A_274, %dma_wait3A_275] : memref<6x128x64xf32, #tpu.memory_space<vmem>> -> memref<1x128x64xf32, #tpu.memory_space<vmem>>
      %dma_wait3A_277 = tpu.memref_squeeze %dma_wait3A_276 : memref<1x128x64xf32, #tpu.memory_space<vmem>> -> memref<128x64xf32, #tpu.memory_space<vmem>>
      %dma_wait3A_278 = arith.constant 0 : i32
      %dma_wait3A_279 = tpu.memref_slice %arg2[%add3A_272, %dma_wait3A_278] : memref<524288x64xf32, #tpu.memory_space<hbm>> -> memref<128x64xf32, #tpu.memory_space<hbm>>
      %dma_wait3A_280 = arith.constant 0 : i32
      %dma_wait3A_281 = arith.constant 0 : i32
      %dma_wait3A_282 = tpu.memref_slice %arg5[%dma_wait3A_273, %dma_wait3A_280, %dma_wait3A_281] : memref<6x128x64xf32, #tpu.memory_space<vmem>> -> memref<1x128x64xf32, #tpu.memory_space<vmem>>
      %dma_wait3A_283 = tpu.memref_squeeze %dma_wait3A_282 : memref<1x128x64xf32, #tpu.memory_space<vmem>> -> memref<128x64xf32, #tpu.memory_space<vmem>>
      %dma_wait3A_284 = arith.constant 0 : i32
      %dma_wait3A_285 = tpu.memref_slice %arg2[%add3A_272, %dma_wait3A_284] : memref<524288x64xf32, #tpu.memory_space<hbm>> -> memref<128x64xf32, #tpu.memory_space<hbm>>
      tpu.wait_dma2 semaphore(%arg7 : memref<!tpu.dma_semaphore, #tpu.memory_space<semaphore_mem>>) src(%dma_wait3A_285 : memref<128x64xf32, #tpu.memory_space<hbm>>) dst(%dma_wait3A_283 : memref<128x64xf32, #tpu.memory_space<vmem>>)
      %add3A_286 = arith.constant 3 : i32
      %add3A_287 = arith.addi %add3A_236, %add3A_286 : i32
      %lt3A_288 = arith.constant 128 : i32
      %lt3A_289 = arith.cmpi slt, %add3A_287, %lt3A_288 : i32
      %convert_element_type3A = arith.extui %lt3A_289 : i1 to i32
      %cond3A = arith.constant 0 : i32
      %cond3A_290 = arith.cmpi ne, %convert_element_type3A, %cond3A : i32
      scf.if %cond3A_290 {
        %ge3A = arith.constant 3 : i32
        %ge3A_1013 = arith.cmpi sge, %add3A_236, %ge3A : i32
        %convert_element_type3A_1014 = arith.extui %ge3A_1013 : i1 to i32
        %cond3A_1015 = arith.constant 0 : i32
        %cond3A_1016 = arith.cmpi ne, %convert_element_type3A_1014, %cond3A_1015 : i32
        scf.if %cond3A_1016 {
          %sub3A_1078 = arith.constant 3 : i32
          %sub3A_1079 = arith.subi %add3A_236, %sub3A_1078 : i32
          %jit3A_1080 = arith.constant 2 : i32
          %div3A_1081 = arith.divsi %sub3A_1079, %jit3A_1080 : i32
          %sign3A_1082 = arith.constant 0 : i32
          %sign3A_1083 = arith.cmpi sgt, %sub3A_1079, %sign3A_1082 : i32
          %sign3A_1084 = arith.extui %sign3A_1083 : i1 to i32
          %sign3A_1085 = arith.constant 0 : i32
          %sign3A_1086 = arith.cmpi slt, %sub3A_1079, %sign3A_1085 : i32
          %sign3A_1087 = arith.extui %sign3A_1086 : i1 to i32
          %sign3A_1088 = arith.subi %sign3A_1084, %sign3A_1087 : i32
          %sign3A_1089 = arith.constant 0 : i32
          %sign3A_1090 = arith.cmpi sgt, %jit3A_1080, %sign3A_1089 : i32
          %sign3A_1091 = arith.extui %sign3A_1090 : i1 to i32
          %sign3A_1092 = arith.constant 0 : i32
          %sign3A_1093 = arith.cmpi slt, %jit3A_1080, %sign3A_1092 : i32
          %sign3A_1094 = arith.extui %sign3A_1093 : i1 to i32
          %sign3A_1095 = arith.subi %sign3A_1091, %sign3A_1094 : i32
          %ne3A_1096 = arith.cmpi ne, %sign3A_1088, %sign3A_1095 : i32
          %rem3A_1097 = arith.remsi %sub3A_1079, %jit3A_1080 : i32
          %ne3A_1098 = arith.constant 0 : i32
          %ne3A_1099 = arith.cmpi ne, %rem3A_1097, %ne3A_1098 : i32
          %and3A_1100 = arith.andi %ne3A_1096, %ne3A_1099 : i1
          %sub3A_1101 = arith.constant 1 : i32
          %sub3A_1102 = arith.subi %div3A_1081, %sub3A_1101 : i32
          %select_n3A_1103 = arith.select %and3A_1100, %sub3A_1102, %div3A_1081 : i32
          %mul3A_1104 = arith.constant 8192 : i32
          %mul3A_1105 = arith.muli %select_n3A_1103, %mul3A_1104 : i32
          %add3A_1106 = arith.addi %mul3A_1105, %mul3A_2 : i32
          %jit3A_1107 = arith.constant 2 : i32
          %eq3A_1108 = arith.constant 0 : i32
          %eq3A_1109 = arith.cmpi eq, %jit3A_1107, %eq3A_1108 : i32
          %jit3A_1110 = arith.constant 1 : i32
          %select_n3A_1111 = arith.select %eq3A_1109, %jit3A_1110, %jit3A_1107 : i32
          %rem3A_1112 = arith.remsi %sub3A_1079, %select_n3A_1111 : i32
          %ne3A_1113 = arith.constant 0 : i32
          %ne3A_1114 = arith.cmpi ne, %rem3A_1112, %ne3A_1113 : i32
          %lt3A_1115 = arith.constant 0 : i32
          %lt3A_1116 = arith.cmpi slt, %rem3A_1112, %lt3A_1115 : i32
          %lt3A_1117 = arith.constant 0 : i32
          %lt3A_1118 = arith.cmpi slt, %select_n3A_1111, %lt3A_1117 : i32
          %ne3A_1119 = arith.xori %lt3A_1116, %lt3A_1118 : i1
          %and3A_1120 = arith.andi %ne3A_1119, %ne3A_1114 : i1
          %add3A_1121 = arith.addi %rem3A_1112, %select_n3A_1111 : i32
          %select_n3A_1122 = arith.select %and3A_1120, %add3A_1121, %rem3A_1112 : i32
          %mul3A_1123 = arith.constant 128 : i32
          %mul3A_1124 = arith.muli %select_n3A_1122, %mul3A_1123 : i32
          %add3A_1125 = arith.addi %add3A_1106, %mul3A_1124 : i32
          %dma_wait3A_1126 = arith.constant 3 : i32
          %dma_wait3A_1127 = arith.constant 0 : i32
          %dma_wait3A_1128 = arith.constant 0 : i32
          %dma_wait3A_1129 = tpu.memref_slice %arg5[%dma_wait3A_1126, %dma_wait3A_1127, %dma_wait3A_1128] : memref<6x128x64xf32, #tpu.memory_space<vmem>> -> memref<1x128x64xf32, #tpu.memory_space<vmem>>
          %dma_wait3A_1130 = tpu.memref_squeeze %dma_wait3A_1129 : memref<1x128x64xf32, #tpu.memory_space<vmem>> -> memref<128x64xf32, #tpu.memory_space<vmem>>
          %dma_wait3A_1131 = arith.constant 0 : i32
          %dma_wait3A_1132 = tpu.memref_slice %arg4[%add3A_1125, %dma_wait3A_1131] : memref<524288x64xf32, #tpu.memory_space<hbm>> -> memref<128x64xf32, #tpu.memory_space<hbm>>
          %dma_wait3A_1133 = arith.constant 0 : i32
          %dma_wait3A_1134 = tpu.memref_slice %arg4[%add3A_1125, %dma_wait3A_1133] : memref<524288x64xf32, #tpu.memory_space<hbm>> -> memref<128x64xf32, #tpu.memory_space<hbm>>
          %dma_wait3A_1135 = arith.constant 0 : i32
          %dma_wait3A_1136 = arith.constant 0 : i32
          %dma_wait3A_1137 = tpu.memref_slice %arg5[%dma_wait3A_1126, %dma_wait3A_1135, %dma_wait3A_1136] : memref<6x128x64xf32, #tpu.memory_space<vmem>> -> memref<1x128x64xf32, #tpu.memory_space<vmem>>
          %dma_wait3A_1138 = tpu.memref_squeeze %dma_wait3A_1137 : memref<1x128x64xf32, #tpu.memory_space<vmem>> -> memref<128x64xf32, #tpu.memory_space<vmem>>
          tpu.wait_dma2 semaphore(%arg16 : memref<!tpu.dma_semaphore, #tpu.memory_space<semaphore_mem>>) src(%dma_wait3A_1138 : memref<128x64xf32, #tpu.memory_space<vmem>>) dst(%dma_wait3A_1134 : memref<128x64xf32, #tpu.memory_space<hbm>>)
        } else {
        }
        %add3A_1017 = arith.constant 3 : i32
        %add3A_1018 = arith.addi %add3A_236, %add3A_1017 : i32
        %jit3A_1019 = arith.constant 2 : i32
        %div3A_1020 = arith.divsi %add3A_1018, %jit3A_1019 : i32
        %sign3A_1021 = arith.constant 0 : i32
        %sign3A_1022 = arith.cmpi sgt, %add3A_1018, %sign3A_1021 : i32
        %sign3A_1023 = arith.extui %sign3A_1022 : i1 to i32
        %sign3A_1024 = arith.constant 0 : i32
        %sign3A_1025 = arith.cmpi slt, %add3A_1018, %sign3A_1024 : i32
        %sign3A_1026 = arith.extui %sign3A_1025 : i1 to i32
        %sign3A_1027 = arith.subi %sign3A_1023, %sign3A_1026 : i32
        %sign3A_1028 = arith.constant 0 : i32
        %sign3A_1029 = arith.cmpi sgt, %jit3A_1019, %sign3A_1028 : i32
        %sign3A_1030 = arith.extui %sign3A_1029 : i1 to i32
        %sign3A_1031 = arith.constant 0 : i32
        %sign3A_1032 = arith.cmpi slt, %jit3A_1019, %sign3A_1031 : i32
        %sign3A_1033 = arith.extui %sign3A_1032 : i1 to i32
        %sign3A_1034 = arith.subi %sign3A_1030, %sign3A_1033 : i32
        %ne3A_1035 = arith.cmpi ne, %sign3A_1027, %sign3A_1034 : i32
        %rem3A_1036 = arith.remsi %add3A_1018, %jit3A_1019 : i32
        %ne3A_1037 = arith.constant 0 : i32
        %ne3A_1038 = arith.cmpi ne, %rem3A_1036, %ne3A_1037 : i32
        %and3A_1039 = arith.andi %ne3A_1035, %ne3A_1038 : i1
        %sub3A_1040 = arith.constant 1 : i32
        %sub3A_1041 = arith.subi %div3A_1020, %sub3A_1040 : i32
        %select_n3A_1042 = arith.select %and3A_1039, %sub3A_1041, %div3A_1020 : i32
        %mul3A_1043 = arith.constant 8192 : i32
        %mul3A_1044 = arith.muli %select_n3A_1042, %mul3A_1043 : i32
        %add3A_1045 = arith.addi %mul3A_1044, %mul3A_2 : i32
        %jit3A_1046 = arith.constant 2 : i32
        %eq3A_1047 = arith.constant 0 : i32
        %eq3A_1048 = arith.cmpi eq, %jit3A_1046, %eq3A_1047 : i32
        %jit3A_1049 = arith.constant 1 : i32
        %select_n3A_1050 = arith.select %eq3A_1048, %jit3A_1049, %jit3A_1046 : i32
        %rem3A_1051 = arith.remsi %add3A_1018, %select_n3A_1050 : i32
        %ne3A_1052 = arith.constant 0 : i32
        %ne3A_1053 = arith.cmpi ne, %rem3A_1051, %ne3A_1052 : i32
        %lt3A_1054 = arith.constant 0 : i32
        %lt3A_1055 = arith.cmpi slt, %rem3A_1051, %lt3A_1054 : i32
        %lt3A_1056 = arith.constant 0 : i32
        %lt3A_1057 = arith.cmpi slt, %select_n3A_1050, %lt3A_1056 : i32
        %ne3A_1058 = arith.xori %lt3A_1055, %lt3A_1057 : i1
        %and3A_1059 = arith.andi %ne3A_1058, %ne3A_1053 : i1
        %add3A_1060 = arith.addi %rem3A_1051, %select_n3A_1050 : i32
        %select_n3A_1061 = arith.select %and3A_1059, %add3A_1060, %rem3A_1051 : i32
        %mul3A_1062 = arith.constant 128 : i32
        %mul3A_1063 = arith.muli %select_n3A_1061, %mul3A_1062 : i32
        %add3A_1064 = arith.addi %add3A_1045, %mul3A_1063 : i32
        %dma_start3A_1065 = arith.constant 3 : i32
        %dma_start3A_1066 = arith.constant 0 : i32
        %dma_start3A_1067 = arith.constant 0 : i32
        %dma_start3A_1068 = tpu.memref_slice %arg5[%dma_start3A_1065, %dma_start3A_1066, %dma_start3A_1067] : memref<6x128x64xf32, #tpu.memory_space<vmem>> -> memref<1x128x64xf32, #tpu.memory_space<vmem>>
        %dma_start3A_1069 = tpu.memref_squeeze %dma_start3A_1068 : memref<1x128x64xf32, #tpu.memory_space<vmem>> -> memref<128x64xf32, #tpu.memory_space<vmem>>
        %dma_start3A_1070 = arith.constant 0 : i32
        %dma_start3A_1071 = tpu.memref_slice %arg2[%add3A_1064, %dma_start3A_1070] : memref<524288x64xf32, #tpu.memory_space<hbm>> -> memref<128x64xf32, #tpu.memory_space<hbm>>
        %dma_start3A_1072 = arith.constant 0 : i32
        %dma_start3A_1073 = arith.constant 0 : i32
        %dma_start3A_1074 = tpu.memref_slice %arg5[%dma_start3A_1065, %dma_start3A_1072, %dma_start3A_1073] : memref<6x128x64xf32, #tpu.memory_space<vmem>> -> memref<1x128x64xf32, #tpu.memory_space<vmem>>
        %dma_start3A_1075 = tpu.memref_squeeze %dma_start3A_1074 : memref<1x128x64xf32, #tpu.memory_space<vmem>> -> memref<128x64xf32, #tpu.memory_space<vmem>>
        %dma_start3A_1076 = arith.constant 0 : i32
        %dma_start3A_1077 = tpu.memref_slice %arg2[%add3A_1064, %dma_start3A_1076] : memref<524288x64xf32, #tpu.memory_space<hbm>> -> memref<128x64xf32, #tpu.memory_space<hbm>>
        tpu.enqueue_dma source(%dma_start3A_1077 : memref<128x64xf32, #tpu.memory_space<hbm>>) target(%dma_start3A_1075 : memref<128x64xf32, #tpu.memory_space<vmem>>) target_semaphore(%arg10 : memref<!tpu.dma_semaphore, #tpu.memory_space<semaphore_mem>>)
      } else {
      }
      %parallel_loop3A_291 = arith.constant 0 : i32
      %parallel_loop3A_292 = arith.constant 128 : i32
      %parallel_loop3A_293 = arith.constant 1 : i32
      scf.for %parallel_loop3A_1013 = %parallel_loop3A_291 to %parallel_loop3A_292 step %parallel_loop3A_293  : i32 {
        %parallel_loop3A_1014 = arith.index_cast %parallel_loop3A_1013 : i32 to index
        %parallel_loop3A_1015 = arith.constant 0 : index
        %parallel_loop3A_1016 = tpu.vector_load %arg6[%parallel_loop3A_1014, %parallel_loop3A_1015] {strides = array<i32>} : memref<128x128xf32, #tpu.memory_space<vmem>>, vector<1x16xf32>,
        %parallel_loop3A_1017 = vector.shape_cast %parallel_loop3A_1016 : vector<1x16xf32> to vector<16xf32>
        %parallel_loop3A_1018 = arith.constant 0 : i32
        %parallel_loop3A_1019 = arith.index_cast %parallel_loop3A_1018 : i32 to index
        %parallel_loop3A_1020 = arith.index_cast %parallel_loop3A_1013 : i32 to index
        %parallel_loop3A_1021 = arith.constant 0 : index
        %parallel_loop3A_1022 = tpu.vector_load %arg5[%parallel_loop3A_1019, %parallel_loop3A_1020, %parallel_loop3A_1021] {strides = array<i32>} : memref<6x128x64xf32, #tpu.memory_space<vmem>>, vector<1x1x16xf32>,
        %parallel_loop3A_1023 = vector.shape_cast %parallel_loop3A_1022 : vector<1x1x16xf32> to vector<16xf32>
        %parallel_loop3A_1024 = vector.shape_cast %parallel_loop3A_1017 : vector<16xf32> to vector<1x1x16xf32>
        tpu.vector_store %arg5[%parallel_loop3A_1019, %parallel_loop3A_1020, %parallel_loop3A_1021], %parallel_loop3A_1024 {add = true, strides = array<i32>} : memref<6x128x64xf32, #tpu.memory_space<vmem>>, vector<1x1x16xf32>,
        %parallel_loop3A_1025 = arith.index_cast %parallel_loop3A_1013 : i32 to index
        %parallel_loop3A_1026 = arith.constant 16 : index
        %parallel_loop3A_1027 = tpu.vector_load %arg6[%parallel_loop3A_1025, %parallel_loop3A_1026] {strides = array<i32>} : memref<128x128xf32, #tpu.memory_space<vmem>>, vector<1x16xf32>,
        %parallel_loop3A_1028 = vector.shape_cast %parallel_loop3A_1027 : vector<1x16xf32> to vector<16xf32>
        %parallel_loop3A_1029 = arith.constant 0 : i32
        %parallel_loop3A_1030 = arith.index_cast %parallel_loop3A_1029 : i32 to index
        %parallel_loop3A_1031 = arith.index_cast %parallel_loop3A_1013 : i32 to index
        %parallel_loop3A_1032 = arith.constant 16 : index
        %parallel_loop3A_1033 = tpu.vector_load %arg5[%parallel_loop3A_1030, %parallel_loop3A_1031, %parallel_loop3A_1032] {strides = array<i32>} : memref<6x128x64xf32, #tpu.memory_space<vmem>>, vector<1x1x16xf32>,
        %parallel_loop3A_1034 = vector.shape_cast %parallel_loop3A_1033 : vector<1x1x16xf32> to vector<16xf32>
        %parallel_loop3A_1035 = vector.shape_cast %parallel_loop3A_1028 : vector<16xf32> to vector<1x1x16xf32>
        tpu.vector_store %arg5[%parallel_loop3A_1030, %parallel_loop3A_1031, %parallel_loop3A_1032], %parallel_loop3A_1035 {add = true, strides = array<i32>} : memref<6x128x64xf32, #tpu.memory_space<vmem>>, vector<1x1x16xf32>,
        %parallel_loop3A_1036 = arith.index_cast %parallel_loop3A_1013 : i32 to index
        %parallel_loop3A_1037 = arith.constant 32 : index
        %parallel_loop3A_1038 = tpu.vector_load %arg6[%parallel_loop3A_1036, %parallel_loop3A_1037] {strides = array<i32>} : memref<128x128xf32, #tpu.memory_space<vmem>>, vector<1x16xf32>,
        %parallel_loop3A_1039 = vector.shape_cast %parallel_loop3A_1038 : vector<1x16xf32> to vector<16xf32>
        %parallel_loop3A_1040 = arith.constant 0 : i32
        %parallel_loop3A_1041 = arith.index_cast %parallel_loop3A_1040 : i32 to index
        %parallel_loop3A_1042 = arith.index_cast %parallel_loop3A_1013 : i32 to index
        %parallel_loop3A_1043 = arith.constant 32 : index
        %parallel_loop3A_1044 = tpu.vector_load %arg5[%parallel_loop3A_1041, %parallel_loop3A_1042, %parallel_loop3A_1043] {strides = array<i32>} : memref<6x128x64xf32, #tpu.memory_space<vmem>>, vector<1x1x16xf32>,
        %parallel_loop3A_1045 = vector.shape_cast %parallel_loop3A_1044 : vector<1x1x16xf32> to vector<16xf32>
        %parallel_loop3A_1046 = vector.shape_cast %parallel_loop3A_1039 : vector<16xf32> to vector<1x1x16xf32>
        tpu.vector_store %arg5[%parallel_loop3A_1041, %parallel_loop3A_1042, %parallel_loop3A_1043], %parallel_loop3A_1046 {add = true, strides = array<i32>} : memref<6x128x64xf32, #tpu.memory_space<vmem>>, vector<1x1x16xf32>,
        %parallel_loop3A_1047 = arith.index_cast %parallel_loop3A_1013 : i32 to index
        %parallel_loop3A_1048 = arith.constant 48 : index
        %parallel_loop3A_1049 = tpu.vector_load %arg6[%parallel_loop3A_1047, %parallel_loop3A_1048] {strides = array<i32>} : memref<128x128xf32, #tpu.memory_space<vmem>>, vector<1x16xf32>,
        %parallel_loop3A_1050 = vector.shape_cast %parallel_loop3A_1049 : vector<1x16xf32> to vector<16xf32>
        %parallel_loop3A_1051 = arith.constant 0 : i32
        %parallel_loop3A_1052 = arith.index_cast %parallel_loop3A_1051 : i32 to index
        %parallel_loop3A_1053 = arith.index_cast %parallel_loop3A_1013 : i32 to index
        %parallel_loop3A_1054 = arith.constant 48 : index
        %parallel_loop3A_1055 = tpu.vector_load %arg5[%parallel_loop3A_1052, %parallel_loop3A_1053, %parallel_loop3A_1054] {strides = array<i32>} : memref<6x128x64xf32, #tpu.memory_space<vmem>>, vector<1x1x16xf32>,
        %parallel_loop3A_1056 = vector.shape_cast %parallel_loop3A_1055 : vector<1x1x16xf32> to vector<16xf32>
        %parallel_loop3A_1057 = vector.shape_cast %parallel_loop3A_1050 : vector<16xf32> to vector<1x1x16xf32>
        tpu.vector_store %arg5[%parallel_loop3A_1052, %parallel_loop3A_1053, %parallel_loop3A_1054], %parallel_loop3A_1057 {add = true, strides = array<i32>} : memref<6x128x64xf32, #tpu.memory_space<vmem>>, vector<1x1x16xf32>,
      } {sc.loop_unroll_factor = 4 : i64, sc.parallel_access}
      %jit3A_294 = arith.constant 2 : i32
      %div3A_295 = arith.divsi %add3A_236, %jit3A_294 : i32
      %sign3A_296 = arith.constant 0 : i32
      %sign3A_297 = arith.cmpi sgt, %add3A_236, %sign3A_296 : i32
      %sign3A_298 = arith.extui %sign3A_297 : i1 to i32
      %sign3A_299 = arith.constant 0 : i32
      %sign3A_300 = arith.cmpi slt, %add3A_236, %sign3A_299 : i32
      %sign3A_301 = arith.extui %sign3A_300 : i1 to i32
      %sign3A_302 = arith.subi %sign3A_298, %sign3A_301 : i32
      %sign3A_303 = arith.constant 0 : i32
      %sign3A_304 = arith.cmpi sgt, %jit3A_294, %sign3A_303 : i32
      %sign3A_305 = arith.extui %sign3A_304 : i1 to i32
      %sign3A_306 = arith.constant 0 : i32
      %sign3A_307 = arith.cmpi slt, %jit3A_294, %sign3A_306 : i32
      %sign3A_308 = arith.extui %sign3A_307 : i1 to i32
      %sign3A_309 = arith.subi %sign3A_305, %sign3A_308 : i32
      %ne3A_310 = arith.cmpi ne, %sign3A_302, %sign3A_309 : i32
      %rem3A_311 = arith.remsi %add3A_236, %jit3A_294 : i32
      %ne3A_312 = arith.constant 0 : i32
      %ne3A_313 = arith.cmpi ne, %rem3A_311, %ne3A_312 : i32
      %and3A_314 = arith.andi %ne3A_310, %ne3A_313 : i1
      %sub3A_315 = arith.constant 1 : i32
      %sub3A_316 = arith.subi %div3A_295, %sub3A_315 : i32
      %select_n3A_317 = arith.select %and3A_314, %sub3A_316, %div3A_295 : i32
      %mul3A_318 = arith.constant 8192 : i32
      %mul3A_319 = arith.muli %select_n3A_317, %mul3A_318 : i32
      %add3A_320 = arith.addi %mul3A_319, %mul3A_2 : i32
      %jit3A_321 = arith.constant 2 : i32
      %eq3A_322 = arith.constant 0 : i32
      %eq3A_323 = arith.cmpi eq, %jit3A_321, %eq3A_322 : i32
      %jit3A_324 = arith.constant 1 : i32
      %select_n3A_325 = arith.select %eq3A_323, %jit3A_324, %jit3A_321 : i32
      %rem3A_326 = arith.remsi %add3A_236, %select_n3A_325 : i32
      %ne3A_327 = arith.constant 0 : i32
      %ne3A_328 = arith.cmpi ne, %rem3A_326, %ne3A_327 : i32
      %lt3A_329 = arith.constant 0 : i32
      %lt3A_330 = arith.cmpi slt, %rem3A_326, %lt3A_329 : i32
      %lt3A_331 = arith.constant 0 : i32
      %lt3A_332 = arith.cmpi slt, %select_n3A_325, %lt3A_331 : i32
      %ne3A_333 = arith.xori %lt3A_330, %lt3A_332 : i1
      %and3A_334 = arith.andi %ne3A_333, %ne3A_328 : i1
      %add3A_335 = arith.addi %rem3A_326, %select_n3A_325 : i32
      %select_n3A_336 = arith.select %and3A_334, %add3A_335, %rem3A_326 : i32
      %mul3A_337 = arith.constant 128 : i32
      %mul3A_338 = arith.muli %select_n3A_336, %mul3A_337 : i32
      %add3A_339 = arith.addi %add3A_320, %mul3A_338 : i32
      %dma_start3A_340 = arith.constant 0 : i32
      %dma_start3A_341 = arith.constant 0 : i32
      %dma_start3A_342 = arith.constant 0 : i32
      %dma_start3A_343 = tpu.memref_slice %arg5[%dma_start3A_340, %dma_start3A_341, %dma_start3A_342] : memref<6x128x64xf32, #tpu.memory_space<vmem>> -> memref<1x128x64xf32, #tpu.memory_space<vmem>>
      %dma_start3A_344 = tpu.memref_squeeze %dma_start3A_343 : memref<1x128x64xf32, #tpu.memory_space<vmem>> -> memref<128x64xf32, #tpu.memory_space<vmem>>
      %dma_start3A_345 = arith.constant 0 : i32
      %dma_start3A_346 = tpu.memref_slice %arg4[%add3A_339, %dma_start3A_345] : memref<524288x64xf32, #tpu.memory_space<hbm>> -> memref<128x64xf32, #tpu.memory_space<hbm>>
      %dma_start3A_347 = arith.constant 0 : i32
      %dma_start3A_348 = tpu.memref_slice %arg4[%add3A_339, %dma_start3A_347] : memref<524288x64xf32, #tpu.memory_space<hbm>> -> memref<128x64xf32, #tpu.memory_space<hbm>>
      %dma_start3A_349 = arith.constant 0 : i32
      %dma_start3A_350 = arith.constant 0 : i32
      %dma_start3A_351 = tpu.memref_slice %arg5[%dma_start3A_340, %dma_start3A_349, %dma_start3A_350] : memref<6x128x64xf32, #tpu.memory_space<vmem>> -> memref<1x128x64xf32, #tpu.memory_space<vmem>>
      %dma_start3A_352 = tpu.memref_squeeze %dma_start3A_351 : memref<1x128x64xf32, #tpu.memory_space<vmem>> -> memref<128x64xf32, #tpu.memory_space<vmem>>
      tpu.enqueue_dma source(%dma_start3A_352 : memref<128x64xf32, #tpu.memory_space<vmem>>) target(%dma_start3A_348 : memref<128x64xf32, #tpu.memory_space<hbm>>) target_semaphore(%arg13 : memref<!tpu.dma_semaphore, #tpu.memory_space<semaphore_mem>>)
      %mul3A_353 = arith.constant 6 : i32
      %mul3A_354 = arith.muli %scan3A_232, %mul3A_353 : i32
      %add3A_355 = arith.constant 1 : i32
      %add3A_356 = arith.addi %mul3A_354, %add3A_355 : i32
      %jit3A_357 = arith.constant 2 : i32
      %div3A_358 = arith.divsi %add3A_356, %jit3A_357 : i32
      %sign3A_359 = arith.constant 0 : i32
      %sign3A_360 = arith.cmpi sgt, %add3A_356, %sign3A_359 : i32
      %sign3A_361 = arith.extui %sign3A_360 : i1 to i32
      %sign3A_362 = arith.constant 0 : i32
      %sign3A_363 = arith.cmpi slt, %add3A_356, %sign3A_362 : i32
      %sign3A_364 = arith.extui %sign3A_363 : i1 to i32
      %sign3A_365 = arith.subi %sign3A_361, %sign3A_364 : i32
      %sign3A_366 = arith.constant 0 : i32
      %sign3A_367 = arith.cmpi sgt, %jit3A_357, %sign3A_366 : i32
      %sign3A_368 = arith.extui %sign3A_367 : i1 to i32
      %sign3A_369 = arith.constant 0 : i32
      %sign3A_370 = arith.cmpi slt, %jit3A_357, %sign3A_369 : i32
      %sign3A_371 = arith.extui %sign3A_370 : i1 to i32
      %sign3A_372 = arith.subi %sign3A_368, %sign3A_371 : i32
      %ne3A_373 = arith.cmpi ne, %sign3A_365, %sign3A_372 : i32
      %rem3A_374 = arith.remsi %add3A_356, %jit3A_357 : i32
      %ne3A_375 = arith.constant 0 : i32
      %ne3A_376 = arith.cmpi ne, %rem3A_374, %ne3A_375 : i32
      %and3A_377 = arith.andi %ne3A_373, %ne3A_376 : i1
      %sub3A_378 = arith.constant 1 : i32
      %sub3A_379 = arith.subi %div3A_358, %sub3A_378 : i32
      %select_n3A_380 = arith.select %and3A_377, %sub3A_379, %div3A_358 : i32
      %mul3A_381 = arith.constant 8192 : i32
      %mul3A_382 = arith.muli %select_n3A_380, %mul3A_381 : i32
      %add3A_383 = arith.addi %mul3A_382, %mul3A_2 : i32
      %jit3A_384 = arith.constant 2 : i32
      %eq3A_385 = arith.constant 0 : i32
      %eq3A_386 = arith.cmpi eq, %jit3A_384, %eq3A_385 : i32
      %jit3A_387 = arith.constant 1 : i32
      %select_n3A_388 = arith.select %eq3A_386, %jit3A_387, %jit3A_384 : i32
      %rem3A_389 = arith.remsi %add3A_356, %select_n3A_388 : i32
      %ne3A_390 = arith.constant 0 : i32
      %ne3A_391 = arith.cmpi ne, %rem3A_389, %ne3A_390 : i32
      %lt3A_392 = arith.constant 0 : i32
      %lt3A_393 = arith.cmpi slt, %rem3A_389, %lt3A_392 : i32
      %lt3A_394 = arith.constant 0 : i32
      %lt3A_395 = arith.cmpi slt, %select_n3A_388, %lt3A_394 : i32
      %ne3A_396 = arith.xori %lt3A_393, %lt3A_395 : i1
      %and3A_397 = arith.andi %ne3A_396, %ne3A_391 : i1
      %add3A_398 = arith.addi %rem3A_389, %select_n3A_388 : i32
      %select_n3A_399 = arith.select %and3A_397, %add3A_398, %rem3A_389 : i32
      %mul3A_400 = arith.constant 128 : i32
      %mul3A_401 = arith.muli %select_n3A_399, %mul3A_400 : i32
      %add3A_402 = arith.addi %add3A_383, %mul3A_401 : i32
      %dma_wait3A_403 = arith.constant 1 : i32
      %dma_wait3A_404 = arith.constant 0 : i32
      %dma_wait3A_405 = arith.constant 0 : i32
      %dma_wait3A_406 = tpu.memref_slice %arg5[%dma_wait3A_403, %dma_wait3A_404, %dma_wait3A_405] : memref<6x128x64xf32, #tpu.memory_space<vmem>> -> memref<1x128x64xf32, #tpu.memory_space<vmem>>
      %dma_wait3A_407 = tpu.memref_squeeze %dma_wait3A_406 : memref<1x128x64xf32, #tpu.memory_space<vmem>> -> memref<128x64xf32, #tpu.memory_space<vmem>>
      %dma_wait3A_408 = arith.constant 0 : i32
      %dma_wait3A_409 = tpu.memref_slice %arg2[%add3A_402, %dma_wait3A_408] : memref<524288x64xf32, #tpu.memory_space<hbm>> -> memref<128x64xf32, #tpu.memory_space<hbm>>
      %dma_wait3A_410 = arith.constant 0 : i32
      %dma_wait3A_411 = arith.constant 0 : i32
      %dma_wait3A_412 = tpu.memref_slice %arg5[%dma_wait3A_403, %dma_wait3A_410, %dma_wait3A_411] : memref<6x128x64xf32, #tpu.memory_space<vmem>> -> memref<1x128x64xf32, #tpu.memory_space<vmem>>
      %dma_wait3A_413 = tpu.memref_squeeze %dma_wait3A_412 : memref<1x128x64xf32, #tpu.memory_space<vmem>> -> memref<128x64xf32, #tpu.memory_space<vmem>>
      %dma_wait3A_414 = arith.constant 0 : i32
      %dma_wait3A_415 = tpu.memref_slice %arg2[%add3A_402, %dma_wait3A_414] : memref<524288x64xf32, #tpu.memory_space<hbm>> -> memref<128x64xf32, #tpu.memory_space<hbm>>
      tpu.wait_dma2 semaphore(%arg8 : memref<!tpu.dma_semaphore, #tpu.memory_space<semaphore_mem>>) src(%dma_wait3A_415 : memref<128x64xf32, #tpu.memory_space<hbm>>) dst(%dma_wait3A_413 : memref<128x64xf32, #tpu.memory_space<vmem>>)
      %add3A_416 = arith.constant 3 : i32
      %add3A_417 = arith.addi %add3A_356, %add3A_416 : i32
      %lt3A_418 = arith.constant 128 : i32
      %lt3A_419 = arith.cmpi slt, %add3A_417, %lt3A_418 : i32
      %convert_element_type3A_420 = arith.extui %lt3A_419 : i1 to i32
      %cond3A_421 = arith.constant 0 : i32
      %cond3A_422 = arith.cmpi ne, %convert_element_type3A_420, %cond3A_421 : i32
      scf.if %cond3A_422 {
        %ge3A = arith.constant 3 : i32
        %ge3A_1013 = arith.cmpi sge, %add3A_356, %ge3A : i32
        %convert_element_type3A_1014 = arith.extui %ge3A_1013 : i1 to i32
        %cond3A_1015 = arith.constant 0 : i32
        %cond3A_1016 = arith.cmpi ne, %convert_element_type3A_1014, %cond3A_1015 : i32
        scf.if %cond3A_1016 {
          %sub3A_1078 = arith.constant 3 : i32
          %sub3A_1079 = arith.subi %add3A_356, %sub3A_1078 : i32
          %jit3A_1080 = arith.constant 2 : i32
          %div3A_1081 = arith.divsi %sub3A_1079, %jit3A_1080 : i32
          %sign3A_1082 = arith.constant 0 : i32
          %sign3A_1083 = arith.cmpi sgt, %sub3A_1079, %sign3A_1082 : i32
          %sign3A_1084 = arith.extui %sign3A_1083 : i1 to i32
          %sign3A_1085 = arith.constant 0 : i32
          %sign3A_1086 = arith.cmpi slt, %sub3A_1079, %sign3A_1085 : i32
          %sign3A_1087 = arith.extui %sign3A_1086 : i1 to i32
          %sign3A_1088 = arith.subi %sign3A_1084, %sign3A_1087 : i32
          %sign3A_1089 = arith.constant 0 : i32
          %sign3A_1090 = arith.cmpi sgt, %jit3A_1080, %sign3A_1089 : i32
          %sign3A_1091 = arith.extui %sign3A_1090 : i1 to i32
          %sign3A_1092 = arith.constant 0 : i32
          %sign3A_1093 = arith.cmpi slt, %jit3A_1080, %sign3A_1092 : i32
          %sign3A_1094 = arith.extui %sign3A_1093 : i1 to i32
          %sign3A_1095 = arith.subi %sign3A_1091, %sign3A_1094 : i32
          %ne3A_1096 = arith.cmpi ne, %sign3A_1088, %sign3A_1095 : i32
          %rem3A_1097 = arith.remsi %sub3A_1079, %jit3A_1080 : i32
          %ne3A_1098 = arith.constant 0 : i32
          %ne3A_1099 = arith.cmpi ne, %rem3A_1097, %ne3A_1098 : i32
          %and3A_1100 = arith.andi %ne3A_1096, %ne3A_1099 : i1
          %sub3A_1101 = arith.constant 1 : i32
          %sub3A_1102 = arith.subi %div3A_1081, %sub3A_1101 : i32
          %select_n3A_1103 = arith.select %and3A_1100, %sub3A_1102, %div3A_1081 : i32
          %mul3A_1104 = arith.constant 8192 : i32
          %mul3A_1105 = arith.muli %select_n3A_1103, %mul3A_1104 : i32
          %add3A_1106 = arith.addi %mul3A_1105, %mul3A_2 : i32
          %jit3A_1107 = arith.constant 2 : i32
          %eq3A_1108 = arith.constant 0 : i32
          %eq3A_1109 = arith.cmpi eq, %jit3A_1107, %eq3A_1108 : i32
          %jit3A_1110 = arith.constant 1 : i32
          %select_n3A_1111 = arith.select %eq3A_1109, %jit3A_1110, %jit3A_1107 : i32
          %rem3A_1112 = arith.remsi %sub3A_1079, %select_n3A_1111 : i32
          %ne3A_1113 = arith.constant 0 : i32
          %ne3A_1114 = arith.cmpi ne, %rem3A_1112, %ne3A_1113 : i32
          %lt3A_1115 = arith.constant 0 : i32
          %lt3A_1116 = arith.cmpi slt, %rem3A_1112, %lt3A_1115 : i32
          %lt3A_1117 = arith.constant 0 : i32
          %lt3A_1118 = arith.cmpi slt, %select_n3A_1111, %lt3A_1117 : i32
          %ne3A_1119 = arith.xori %lt3A_1116, %lt3A_1118 : i1
          %and3A_1120 = arith.andi %ne3A_1119, %ne3A_1114 : i1
          %add3A_1121 = arith.addi %rem3A_1112, %select_n3A_1111 : i32
          %select_n3A_1122 = arith.select %and3A_1120, %add3A_1121, %rem3A_1112 : i32
          %mul3A_1123 = arith.constant 128 : i32
          %mul3A_1124 = arith.muli %select_n3A_1122, %mul3A_1123 : i32
          %add3A_1125 = arith.addi %add3A_1106, %mul3A_1124 : i32
          %dma_wait3A_1126 = arith.constant 4 : i32
          %dma_wait3A_1127 = arith.constant 0 : i32
          %dma_wait3A_1128 = arith.constant 0 : i32
          %dma_wait3A_1129 = tpu.memref_slice %arg5[%dma_wait3A_1126, %dma_wait3A_1127, %dma_wait3A_1128] : memref<6x128x64xf32, #tpu.memory_space<vmem>> -> memref<1x128x64xf32, #tpu.memory_space<vmem>>
          %dma_wait3A_1130 = tpu.memref_squeeze %dma_wait3A_1129 : memref<1x128x64xf32, #tpu.memory_space<vmem>> -> memref<128x64xf32, #tpu.memory_space<vmem>>
          %dma_wait3A_1131 = arith.constant 0 : i32
          %dma_wait3A_1132 = tpu.memref_slice %arg4[%add3A_1125, %dma_wait3A_1131] : memref<524288x64xf32, #tpu.memory_space<hbm>> -> memref<128x64xf32, #tpu.memory_space<hbm>>
          %dma_wait3A_1133 = arith.constant 0 : i32
          %dma_wait3A_1134 = tpu.memref_slice %arg4[%add3A_1125, %dma_wait3A_1133] : memref<524288x64xf32, #tpu.memory_space<hbm>> -> memref<128x64xf32, #tpu.memory_space<hbm>>
          %dma_wait3A_1135 = arith.constant 0 : i32
          %dma_wait3A_1136 = arith.constant 0 : i32
          %dma_wait3A_1137 = tpu.memref_slice %arg5[%dma_wait3A_1126, %dma_wait3A_1135, %dma_wait3A_1136] : memref<6x128x64xf32, #tpu.memory_space<vmem>> -> memref<1x128x64xf32, #tpu.memory_space<vmem>>
          %dma_wait3A_1138 = tpu.memref_squeeze %dma_wait3A_1137 : memref<1x128x64xf32, #tpu.memory_space<vmem>> -> memref<128x64xf32, #tpu.memory_space<vmem>>
          tpu.wait_dma2 semaphore(%arg17 : memref<!tpu.dma_semaphore, #tpu.memory_space<semaphore_mem>>) src(%dma_wait3A_1138 : memref<128x64xf32, #tpu.memory_space<vmem>>) dst(%dma_wait3A_1134 : memref<128x64xf32, #tpu.memory_space<hbm>>)
        } else {
        }
        %add3A_1017 = arith.constant 3 : i32
        %add3A_1018 = arith.addi %add3A_356, %add3A_1017 : i32
        %jit3A_1019 = arith.constant 2 : i32
        %div3A_1020 = arith.divsi %add3A_1018, %jit3A_1019 : i32
        %sign3A_1021 = arith.constant 0 : i32
        %sign3A_1022 = arith.cmpi sgt, %add3A_1018, %sign3A_1021 : i32
        %sign3A_1023 = arith.extui %sign3A_1022 : i1 to i32
        %sign3A_1024 = arith.constant 0 : i32
        %sign3A_1025 = arith.cmpi slt, %add3A_1018, %sign3A_1024 : i32
        %sign3A_1026 = arith.extui %sign3A_1025 : i1 to i32
        %sign3A_1027 = arith.subi %sign3A_1023, %sign3A_1026 : i32
        %sign3A_1028 = arith.constant 0 : i32
        %sign3A_1029 = arith.cmpi sgt, %jit3A_1019, %sign3A_1028 : i32
        %sign3A_1030 = arith.extui %sign3A_1029 : i1 to i32
        %sign3A_1031 = arith.constant 0 : i32
        %sign3A_1032 = arith.cmpi slt, %jit3A_1019, %sign3A_1031 : i32
        %sign3A_1033 = arith.extui %sign3A_1032 : i1 to i32
        %sign3A_1034 = arith.subi %sign3A_1030, %sign3A_1033 : i32
        %ne3A_1035 = arith.cmpi ne, %sign3A_1027, %sign3A_1034 : i32
        %rem3A_1036 = arith.remsi %add3A_1018, %jit3A_1019 : i32
        %ne3A_1037 = arith.constant 0 : i32
        %ne3A_1038 = arith.cmpi ne, %rem3A_1036, %ne3A_1037 : i32
        %and3A_1039 = arith.andi %ne3A_1035, %ne3A_1038 : i1
        %sub3A_1040 = arith.constant 1 : i32
        %sub3A_1041 = arith.subi %div3A_1020, %sub3A_1040 : i32
        %select_n3A_1042 = arith.select %and3A_1039, %sub3A_1041, %div3A_1020 : i32
        %mul3A_1043 = arith.constant 8192 : i32
        %mul3A_1044 = arith.muli %select_n3A_1042, %mul3A_1043 : i32
        %add3A_1045 = arith.addi %mul3A_1044, %mul3A_2 : i32
        %jit3A_1046 = arith.constant 2 : i32
        %eq3A_1047 = arith.constant 0 : i32
        %eq3A_1048 = arith.cmpi eq, %jit3A_1046, %eq3A_1047 : i32
        %jit3A_1049 = arith.constant 1 : i32
        %select_n3A_1050 = arith.select %eq3A_1048, %jit3A_1049, %jit3A_1046 : i32
        %rem3A_1051 = arith.remsi %add3A_1018, %select_n3A_1050 : i32
        %ne3A_1052 = arith.constant 0 : i32
        %ne3A_1053 = arith.cmpi ne, %rem3A_1051, %ne3A_1052 : i32
        %lt3A_1054 = arith.constant 0 : i32
        %lt3A_1055 = arith.cmpi slt, %rem3A_1051, %lt3A_1054 : i32
        %lt3A_1056 = arith.constant 0 : i32
        %lt3A_1057 = arith.cmpi slt, %select_n3A_1050, %lt3A_1056 : i32
        %ne3A_1058 = arith.xori %lt3A_1055, %lt3A_1057 : i1
        %and3A_1059 = arith.andi %ne3A_1058, %ne3A_1053 : i1
        %add3A_1060 = arith.addi %rem3A_1051, %select_n3A_1050 : i32
        %select_n3A_1061 = arith.select %and3A_1059, %add3A_1060, %rem3A_1051 : i32
        %mul3A_1062 = arith.constant 128 : i32
        %mul3A_1063 = arith.muli %select_n3A_1061, %mul3A_1062 : i32
        %add3A_1064 = arith.addi %add3A_1045, %mul3A_1063 : i32
        %dma_start3A_1065 = arith.constant 4 : i32
        %dma_start3A_1066 = arith.constant 0 : i32
        %dma_start3A_1067 = arith.constant 0 : i32
        %dma_start3A_1068 = tpu.memref_slice %arg5[%dma_start3A_1065, %dma_start3A_1066, %dma_start3A_1067] : memref<6x128x64xf32, #tpu.memory_space<vmem>> -> memref<1x128x64xf32, #tpu.memory_space<vmem>>
        %dma_start3A_1069 = tpu.memref_squeeze %dma_start3A_1068 : memref<1x128x64xf32, #tpu.memory_space<vmem>> -> memref<128x64xf32, #tpu.memory_space<vmem>>
        %dma_start3A_1070 = arith.constant 0 : i32
        %dma_start3A_1071 = tpu.memref_slice %arg2[%add3A_1064, %dma_start3A_1070] : memref<524288x64xf32, #tpu.memory_space<hbm>> -> memref<128x64xf32, #tpu.memory_space<hbm>>
        %dma_start3A_1072 = arith.constant 0 : i32
        %dma_start3A_1073 = arith.constant 0 : i32
        %dma_start3A_1074 = tpu.memref_slice %arg5[%dma_start3A_1065, %dma_start3A_1072, %dma_start3A_1073] : memref<6x128x64xf32, #tpu.memory_space<vmem>> -> memref<1x128x64xf32, #tpu.memory_space<vmem>>
        %dma_start3A_1075 = tpu.memref_squeeze %dma_start3A_1074 : memref<1x128x64xf32, #tpu.memory_space<vmem>> -> memref<128x64xf32, #tpu.memory_space<vmem>>
        %dma_start3A_1076 = arith.constant 0 : i32
        %dma_start3A_1077 = tpu.memref_slice %arg2[%add3A_1064, %dma_start3A_1076] : memref<524288x64xf32, #tpu.memory_space<hbm>> -> memref<128x64xf32, #tpu.memory_space<hbm>>
        tpu.enqueue_dma source(%dma_start3A_1077 : memref<128x64xf32, #tpu.memory_space<hbm>>) target(%dma_start3A_1075 : memref<128x64xf32, #tpu.memory_space<vmem>>) target_semaphore(%arg11 : memref<!tpu.dma_semaphore, #tpu.memory_space<semaphore_mem>>)
      } else {
      }
      %parallel_loop3A_423 = arith.constant 0 : i32
      %parallel_loop3A_424 = arith.constant 128 : i32
      %parallel_loop3A_425 = arith.constant 1 : i32
      scf.for %parallel_loop3A_1013 = %parallel_loop3A_423 to %parallel_loop3A_424 step %parallel_loop3A_425  : i32 {
        %parallel_loop3A_1014 = arith.index_cast %parallel_loop3A_1013 : i32 to index
        %parallel_loop3A_1015 = arith.constant 64 : index
        %parallel_loop3A_1016 = tpu.vector_load %arg6[%parallel_loop3A_1014, %parallel_loop3A_1015] {strides = array<i32>} : memref<128x128xf32, #tpu.memory_space<vmem>>, vector<1x16xf32>,
        %parallel_loop3A_1017 = vector.shape_cast %parallel_loop3A_1016 : vector<1x16xf32> to vector<16xf32>
        %parallel_loop3A_1018 = arith.constant 1 : i32
        %parallel_loop3A_1019 = arith.index_cast %parallel_loop3A_1018 : i32 to index
        %parallel_loop3A_1020 = arith.index_cast %parallel_loop3A_1013 : i32 to index
        %parallel_loop3A_1021 = arith.constant 0 : index
        %parallel_loop3A_1022 = tpu.vector_load %arg5[%parallel_loop3A_1019, %parallel_loop3A_1020, %parallel_loop3A_1021] {strides = array<i32>} : memref<6x128x64xf32, #tpu.memory_space<vmem>>, vector<1x1x16xf32>,
        %parallel_loop3A_1023 = vector.shape_cast %parallel_loop3A_1022 : vector<1x1x16xf32> to vector<16xf32>
        %parallel_loop3A_1024 = vector.shape_cast %parallel_loop3A_1017 : vector<16xf32> to vector<1x1x16xf32>
        tpu.vector_store %arg5[%parallel_loop3A_1019, %parallel_loop3A_1020, %parallel_loop3A_1021], %parallel_loop3A_1024 {add = true, strides = array<i32>} : memref<6x128x64xf32, #tpu.memory_space<vmem>>, vector<1x1x16xf32>,
        %parallel_loop3A_1025 = arith.index_cast %parallel_loop3A_1013 : i32 to index
        %parallel_loop3A_1026 = arith.constant 80 : index
        %parallel_loop3A_1027 = tpu.vector_load %arg6[%parallel_loop3A_1025, %parallel_loop3A_1026] {strides = array<i32>} : memref<128x128xf32, #tpu.memory_space<vmem>>, vector<1x16xf32>,
        %parallel_loop3A_1028 = vector.shape_cast %parallel_loop3A_1027 : vector<1x16xf32> to vector<16xf32>
        %parallel_loop3A_1029 = arith.constant 1 : i32
        %parallel_loop3A_1030 = arith.index_cast %parallel_loop3A_1029 : i32 to index
        %parallel_loop3A_1031 = arith.index_cast %parallel_loop3A_1013 : i32 to index
        %parallel_loop3A_1032 = arith.constant 16 : index
        %parallel_loop3A_1033 = tpu.vector_load %arg5[%parallel_loop3A_1030, %parallel_loop3A_1031, %parallel_loop3A_1032] {strides = array<i32>} : memref<6x128x64xf32, #tpu.memory_space<vmem>>, vector<1x1x16xf32>,
        %parallel_loop3A_1034 = vector.shape_cast %parallel_loop3A_1033 : vector<1x1x16xf32> to vector<16xf32>
        %parallel_loop3A_1035 = vector.shape_cast %parallel_loop3A_1028 : vector<16xf32> to vector<1x1x16xf32>
        tpu.vector_store %arg5[%parallel_loop3A_1030, %parallel_loop3A_1031, %parallel_loop3A_1032], %parallel_loop3A_1035 {add = true, strides = array<i32>} : memref<6x128x64xf32, #tpu.memory_space<vmem>>, vector<1x1x16xf32>,
        %parallel_loop3A_1036 = arith.index_cast %parallel_loop3A_1013 : i32 to index
        %parallel_loop3A_1037 = arith.constant 96 : index
        %parallel_loop3A_1038 = tpu.vector_load %arg6[%parallel_loop3A_1036, %parallel_loop3A_1037] {strides = array<i32>} : memref<128x128xf32, #tpu.memory_space<vmem>>, vector<1x16xf32>,
        %parallel_loop3A_1039 = vector.shape_cast %parallel_loop3A_1038 : vector<1x16xf32> to vector<16xf32>
        %parallel_loop3A_1040 = arith.constant 1 : i32
        %parallel_loop3A_1041 = arith.index_cast %parallel_loop3A_1040 : i32 to index
        %parallel_loop3A_1042 = arith.index_cast %parallel_loop3A_1013 : i32 to index
        %parallel_loop3A_1043 = arith.constant 32 : index
        %parallel_loop3A_1044 = tpu.vector_load %arg5[%parallel_loop3A_1041, %parallel_loop3A_1042, %parallel_loop3A_1043] {strides = array<i32>} : memref<6x128x64xf32, #tpu.memory_space<vmem>>, vector<1x1x16xf32>,
        %parallel_loop3A_1045 = vector.shape_cast %parallel_loop3A_1044 : vector<1x1x16xf32> to vector<16xf32>
        %parallel_loop3A_1046 = vector.shape_cast %parallel_loop3A_1039 : vector<16xf32> to vector<1x1x16xf32>
        tpu.vector_store %arg5[%parallel_loop3A_1041, %parallel_loop3A_1042, %parallel_loop3A_1043], %parallel_loop3A_1046 {add = true, strides = array<i32>} : memref<6x128x64xf32, #tpu.memory_space<vmem>>, vector<1x1x16xf32>,
        %parallel_loop3A_1047 = arith.index_cast %parallel_loop3A_1013 : i32 to index
        %parallel_loop3A_1048 = arith.constant 112 : index
        %parallel_loop3A_1049 = tpu.vector_load %arg6[%parallel_loop3A_1047, %parallel_loop3A_1048] {strides = array<i32>} : memref<128x128xf32, #tpu.memory_space<vmem>>, vector<1x16xf32>,
        %parallel_loop3A_1050 = vector.shape_cast %parallel_loop3A_1049 : vector<1x16xf32> to vector<16xf32>
        %parallel_loop3A_1051 = arith.constant 1 : i32
        %parallel_loop3A_1052 = arith.index_cast %parallel_loop3A_1051 : i32 to index
        %parallel_loop3A_1053 = arith.index_cast %parallel_loop3A_1013 : i32 to index
        %parallel_loop3A_1054 = arith.constant 48 : index
        %parallel_loop3A_1055 = tpu.vector_load %arg5[%parallel_loop3A_1052, %parallel_loop3A_1053, %parallel_loop3A_1054] {strides = array<i32>} : memref<6x128x64xf32, #tpu.memory_space<vmem>>, vector<1x1x16xf32>,
        %parallel_loop3A_1056 = vector.shape_cast %parallel_loop3A_1055 : vector<1x1x16xf32> to vector<16xf32>
        %parallel_loop3A_1057 = vector.shape_cast %parallel_loop3A_1050 : vector<16xf32> to vector<1x1x16xf32>
        tpu.vector_store %arg5[%parallel_loop3A_1052, %parallel_loop3A_1053, %parallel_loop3A_1054], %parallel_loop3A_1057 {add = true, strides = array<i32>} : memref<6x128x64xf32, #tpu.memory_space<vmem>>, vector<1x1x16xf32>,
      } {sc.loop_unroll_factor = 4 : i64, sc.parallel_access}
      %jit3A_426 = arith.constant 2 : i32
      %div3A_427 = arith.divsi %add3A_356, %jit3A_426 : i32
      %sign3A_428 = arith.constant 0 : i32
      %sign3A_429 = arith.cmpi sgt, %add3A_356, %sign3A_428 : i32
      %sign3A_430 = arith.extui %sign3A_429 : i1 to i32
      %sign3A_431 = arith.constant 0 : i32
      %sign3A_432 = arith.cmpi slt, %add3A_356, %sign3A_431 : i32
      %sign3A_433 = arith.extui %sign3A_432 : i1 to i32
      %sign3A_434 = arith.subi %sign3A_430, %sign3A_433 : i32
      %sign3A_435 = arith.constant 0 : i32
      %sign3A_436 = arith.cmpi sgt, %jit3A_426, %sign3A_435 : i32
      %sign3A_437 = arith.extui %sign3A_436 : i1 to i32
      %sign3A_438 = arith.constant 0 : i32
      %sign3A_439 = arith.cmpi slt, %jit3A_426, %sign3A_438 : i32
      %sign3A_440 = arith.extui %sign3A_439 : i1 to i32
      %sign3A_441 = arith.subi %sign3A_437, %sign3A_440 : i32
      %ne3A_442 = arith.cmpi ne, %sign3A_434, %sign3A_441 : i32
      %rem3A_443 = arith.remsi %add3A_356, %jit3A_426 : i32
      %ne3A_444 = arith.constant 0 : i32
      %ne3A_445 = arith.cmpi ne, %rem3A_443, %ne3A_444 : i32
      %and3A_446 = arith.andi %ne3A_442, %ne3A_445 : i1
      %sub3A_447 = arith.constant 1 : i32
      %sub3A_448 = arith.subi %div3A_427, %sub3A_447 : i32
      %select_n3A_449 = arith.select %and3A_446, %sub3A_448, %div3A_427 : i32
      %mul3A_450 = arith.constant 8192 : i32
      %mul3A_451 = arith.muli %select_n3A_449, %mul3A_450 : i32
      %add3A_452 = arith.addi %mul3A_451, %mul3A_2 : i32
      %jit3A_453 = arith.constant 2 : i32
      %eq3A_454 = arith.constant 0 : i32
      %eq3A_455 = arith.cmpi eq, %jit3A_453, %eq3A_454 : i32
      %jit3A_456 = arith.constant 1 : i32
      %select_n3A_457 = arith.select %eq3A_455, %jit3A_456, %jit3A_453 : i32
      %rem3A_458 = arith.remsi %add3A_356, %select_n3A_457 : i32
      %ne3A_459 = arith.constant 0 : i32
      %ne3A_460 = arith.cmpi ne, %rem3A_458, %ne3A_459 : i32
      %lt3A_461 = arith.constant 0 : i32
      %lt3A_462 = arith.cmpi slt, %rem3A_458, %lt3A_461 : i32
      %lt3A_463 = arith.constant 0 : i32
      %lt3A_464 = arith.cmpi slt, %select_n3A_457, %lt3A_463 : i32
      %ne3A_465 = arith.xori %lt3A_462, %lt3A_464 : i1
      %and3A_466 = arith.andi %ne3A_465, %ne3A_460 : i1
      %add3A_467 = arith.addi %rem3A_458, %select_n3A_457 : i32
      %select_n3A_468 = arith.select %and3A_466, %add3A_467, %rem3A_458 : i32
      %mul3A_469 = arith.constant 128 : i32
      %mul3A_470 = arith.muli %select_n3A_468, %mul3A_469 : i32
      %add3A_471 = arith.addi %add3A_452, %mul3A_470 : i32
      %dma_start3A_472 = arith.constant 1 : i32
      %dma_start3A_473 = arith.constant 0 : i32
      %dma_start3A_474 = arith.constant 0 : i32
      %dma_start3A_475 = tpu.memref_slice %arg5[%dma_start3A_472, %dma_start3A_473, %dma_start3A_474] : memref<6x128x64xf32, #tpu.memory_space<vmem>> -> memref<1x128x64xf32, #tpu.memory_space<vmem>>
      %dma_start3A_476 = tpu.memref_squeeze %dma_start3A_475 : memref<1x128x64xf32, #tpu.memory_space<vmem>> -> memref<128x64xf32, #tpu.memory_space<vmem>>
      %dma_start3A_477 = arith.constant 0 : i32
      %dma_start3A_478 = tpu.memref_slice %arg4[%add3A_471, %dma_start3A_477] : memref<524288x64xf32, #tpu.memory_space<hbm>> -> memref<128x64xf32, #tpu.memory_space<hbm>>
      %dma_start3A_479 = arith.constant 0 : i32
      %dma_start3A_480 = tpu.memref_slice %arg4[%add3A_471, %dma_start3A_479] : memref<524288x64xf32, #tpu.memory_space<hbm>> -> memref<128x64xf32, #tpu.memory_space<hbm>>
      %dma_start3A_481 = arith.constant 0 : i32
      %dma_start3A_482 = arith.constant 0 : i32
      %dma_start3A_483 = tpu.memref_slice %arg5[%dma_start3A_472, %dma_start3A_481, %dma_start3A_482] : memref<6x128x64xf32, #tpu.memory_space<vmem>> -> memref<1x128x64xf32, #tpu.memory_space<vmem>>
      %dma_start3A_484 = tpu.memref_squeeze %dma_start3A_483 : memref<1x128x64xf32, #tpu.memory_space<vmem>> -> memref<128x64xf32, #tpu.memory_space<vmem>>
      tpu.enqueue_dma source(%dma_start3A_484 : memref<128x64xf32, #tpu.memory_space<vmem>>) target(%dma_start3A_480 : memref<128x64xf32, #tpu.memory_space<hbm>>) target_semaphore(%arg14 : memref<!tpu.dma_semaphore, #tpu.memory_space<semaphore_mem>>)
      %mul3A_485 = arith.constant 6 : i32
      %mul3A_486 = arith.muli %scan3A_232, %mul3A_485 : i32
      %add3A_487 = arith.constant 2 : i32
      %add3A_488 = arith.addi %mul3A_486, %add3A_487 : i32
      %jit3A_489 = arith.constant 2 : i32
      %div3A_490 = arith.divsi %add3A_488, %jit3A_489 : i32
      %sign3A_491 = arith.constant 0 : i32
      %sign3A_492 = arith.cmpi sgt, %add3A_488, %sign3A_491 : i32
      %sign3A_493 = arith.extui %sign3A_492 : i1 to i32
      %sign3A_494 = arith.constant 0 : i32
      %sign3A_495 = arith.cmpi slt, %add3A_488, %sign3A_494 : i32
      %sign3A_496 = arith.extui %sign3A_495 : i1 to i32
      %sign3A_497 = arith.subi %sign3A_493, %sign3A_496 : i32
      %sign3A_498 = arith.constant 0 : i32
      %sign3A_499 = arith.cmpi sgt, %jit3A_489, %sign3A_498 : i32
      %sign3A_500 = arith.extui %sign3A_499 : i1 to i32
      %sign3A_501 = arith.constant 0 : i32
      %sign3A_502 = arith.cmpi slt, %jit3A_489, %sign3A_501 : i32
      %sign3A_503 = arith.extui %sign3A_502 : i1 to i32
      %sign3A_504 = arith.subi %sign3A_500, %sign3A_503 : i32
      %ne3A_505 = arith.cmpi ne, %sign3A_497, %sign3A_504 : i32
      %rem3A_506 = arith.remsi %add3A_488, %jit3A_489 : i32
      %ne3A_507 = arith.constant 0 : i32
      %ne3A_508 = arith.cmpi ne, %rem3A_506, %ne3A_507 : i32
      %and3A_509 = arith.andi %ne3A_505, %ne3A_508 : i1
      %sub3A_510 = arith.constant 1 : i32
      %sub3A_511 = arith.subi %div3A_490, %sub3A_510 : i32
      %select_n3A_512 = arith.select %and3A_509, %sub3A_511, %div3A_490 : i32
      %mul3A_513 = arith.constant 8192 : i32
      %mul3A_514 = arith.muli %select_n3A_512, %mul3A_513 : i32
      %add3A_515 = arith.addi %mul3A_514, %mul3A_2 : i32
      %jit3A_516 = arith.constant 2 : i32
      %eq3A_517 = arith.constant 0 : i32
      %eq3A_518 = arith.cmpi eq, %jit3A_516, %eq3A_517 : i32
      %jit3A_519 = arith.constant 1 : i32
      %select_n3A_520 = arith.select %eq3A_518, %jit3A_519, %jit3A_516 : i32
      %rem3A_521 = arith.remsi %add3A_488, %select_n3A_520 : i32
      %ne3A_522 = arith.constant 0 : i32
      %ne3A_523 = arith.cmpi ne, %rem3A_521, %ne3A_522 : i32
      %lt3A_524 = arith.constant 0 : i32
      %lt3A_525 = arith.cmpi slt, %rem3A_521, %lt3A_524 : i32
      %lt3A_526 = arith.constant 0 : i32
      %lt3A_527 = arith.cmpi slt, %select_n3A_520, %lt3A_526 : i32
      %ne3A_528 = arith.xori %lt3A_525, %lt3A_527 : i1
      %and3A_529 = arith.andi %ne3A_528, %ne3A_523 : i1
      %add3A_530 = arith.addi %rem3A_521, %select_n3A_520 : i32
      %select_n3A_531 = arith.select %and3A_529, %add3A_530, %rem3A_521 : i32
      %mul3A_532 = arith.constant 128 : i32
      %mul3A_533 = arith.muli %select_n3A_531, %mul3A_532 : i32
      %add3A_534 = arith.addi %add3A_515, %mul3A_533 : i32
      %dma_wait3A_535 = arith.constant 2 : i32
      %dma_wait3A_536 = arith.constant 0 : i32
      %dma_wait3A_537 = arith.constant 0 : i32
      %dma_wait3A_538 = tpu.memref_slice %arg5[%dma_wait3A_535, %dma_wait3A_536, %dma_wait3A_537] : memref<6x128x64xf32, #tpu.memory_space<vmem>> -> memref<1x128x64xf32, #tpu.memory_space<vmem>>
      %dma_wait3A_539 = tpu.memref_squeeze %dma_wait3A_538 : memref<1x128x64xf32, #tpu.memory_space<vmem>> -> memref<128x64xf32, #tpu.memory_space<vmem>>
      %dma_wait3A_540 = arith.constant 0 : i32
      %dma_wait3A_541 = tpu.memref_slice %arg2[%add3A_534, %dma_wait3A_540] : memref<524288x64xf32, #tpu.memory_space<hbm>> -> memref<128x64xf32, #tpu.memory_space<hbm>>
      %dma_wait3A_542 = arith.constant 0 : i32
      %dma_wait3A_543 = arith.constant 0 : i32
      %dma_wait3A_544 = tpu.memref_slice %arg5[%dma_wait3A_535, %dma_wait3A_542, %dma_wait3A_543] : memref<6x128x64xf32, #tpu.memory_space<vmem>> -> memref<1x128x64xf32, #tpu.memory_space<vmem>>
      %dma_wait3A_545 = tpu.memref_squeeze %dma_wait3A_544 : memref<1x128x64xf32, #tpu.memory_space<vmem>> -> memref<128x64xf32, #tpu.memory_space<vmem>>
      %dma_wait3A_546 = arith.constant 0 : i32
      %dma_wait3A_547 = tpu.memref_slice %arg2[%add3A_534, %dma_wait3A_546] : memref<524288x64xf32, #tpu.memory_space<hbm>> -> memref<128x64xf32, #tpu.memory_space<hbm>>
      tpu.wait_dma2 semaphore(%arg9 : memref<!tpu.dma_semaphore, #tpu.memory_space<semaphore_mem>>) src(%dma_wait3A_547 : memref<128x64xf32, #tpu.memory_space<hbm>>) dst(%dma_wait3A_545 : memref<128x64xf32, #tpu.memory_space<vmem>>)
      %add3A_548 = arith.constant 3 : i32
      %add3A_549 = arith.addi %add3A_488, %add3A_548 : i32
      %lt3A_550 = arith.constant 128 : i32
      %lt3A_551 = arith.cmpi slt, %add3A_549, %lt3A_550 : i32
      %convert_element_type3A_552 = arith.extui %lt3A_551 : i1 to i32
      %cond3A_553 = arith.constant 0 : i32
      %cond3A_554 = arith.cmpi ne, %convert_element_type3A_552, %cond3A_553 : i32
      scf.if %cond3A_554 {
        %ge3A = arith.constant 3 : i32
        %ge3A_1013 = arith.cmpi sge, %add3A_488, %ge3A : i32
        %convert_element_type3A_1014 = arith.extui %ge3A_1013 : i1 to i32
        %cond3A_1015 = arith.constant 0 : i32
        %cond3A_1016 = arith.cmpi ne, %convert_element_type3A_1014, %cond3A_1015 : i32
        scf.if %cond3A_1016 {
          %sub3A_1078 = arith.constant 3 : i32
          %sub3A_1079 = arith.subi %add3A_488, %sub3A_1078 : i32
          %jit3A_1080 = arith.constant 2 : i32
          %div3A_1081 = arith.divsi %sub3A_1079, %jit3A_1080 : i32
          %sign3A_1082 = arith.constant 0 : i32
          %sign3A_1083 = arith.cmpi sgt, %sub3A_1079, %sign3A_1082 : i32
          %sign3A_1084 = arith.extui %sign3A_1083 : i1 to i32
          %sign3A_1085 = arith.constant 0 : i32
          %sign3A_1086 = arith.cmpi slt, %sub3A_1079, %sign3A_1085 : i32
          %sign3A_1087 = arith.extui %sign3A_1086 : i1 to i32
          %sign3A_1088 = arith.subi %sign3A_1084, %sign3A_1087 : i32
          %sign3A_1089 = arith.constant 0 : i32
          %sign3A_1090 = arith.cmpi sgt, %jit3A_1080, %sign3A_1089 : i32
          %sign3A_1091 = arith.extui %sign3A_1090 : i1 to i32
          %sign3A_1092 = arith.constant 0 : i32
          %sign3A_1093 = arith.cmpi slt, %jit3A_1080, %sign3A_1092 : i32
          %sign3A_1094 = arith.extui %sign3A_1093 : i1 to i32
          %sign3A_1095 = arith.subi %sign3A_1091, %sign3A_1094 : i32
          %ne3A_1096 = arith.cmpi ne, %sign3A_1088, %sign3A_1095 : i32
          %rem3A_1097 = arith.remsi %sub3A_1079, %jit3A_1080 : i32
          %ne3A_1098 = arith.constant 0 : i32
          %ne3A_1099 = arith.cmpi ne, %rem3A_1097, %ne3A_1098 : i32
          %and3A_1100 = arith.andi %ne3A_1096, %ne3A_1099 : i1
          %sub3A_1101 = arith.constant 1 : i32
          %sub3A_1102 = arith.subi %div3A_1081, %sub3A_1101 : i32
          %select_n3A_1103 = arith.select %and3A_1100, %sub3A_1102, %div3A_1081 : i32
          %mul3A_1104 = arith.constant 8192 : i32
          %mul3A_1105 = arith.muli %select_n3A_1103, %mul3A_1104 : i32
          %add3A_1106 = arith.addi %mul3A_1105, %mul3A_2 : i32
          %jit3A_1107 = arith.constant 2 : i32
          %eq3A_1108 = arith.constant 0 : i32
          %eq3A_1109 = arith.cmpi eq, %jit3A_1107, %eq3A_1108 : i32
          %jit3A_1110 = arith.constant 1 : i32
          %select_n3A_1111 = arith.select %eq3A_1109, %jit3A_1110, %jit3A_1107 : i32
          %rem3A_1112 = arith.remsi %sub3A_1079, %select_n3A_1111 : i32
          %ne3A_1113 = arith.constant 0 : i32
          %ne3A_1114 = arith.cmpi ne, %rem3A_1112, %ne3A_1113 : i32
          %lt3A_1115 = arith.constant 0 : i32
          %lt3A_1116 = arith.cmpi slt, %rem3A_1112, %lt3A_1115 : i32
          %lt3A_1117 = arith.constant 0 : i32
          %lt3A_1118 = arith.cmpi slt, %select_n3A_1111, %lt3A_1117 : i32
          %ne3A_1119 = arith.xori %lt3A_1116, %lt3A_1118 : i1
          %and3A_1120 = arith.andi %ne3A_1119, %ne3A_1114 : i1
          %add3A_1121 = arith.addi %rem3A_1112, %select_n3A_1111 : i32
          %select_n3A_1122 = arith.select %and3A_1120, %add3A_1121, %rem3A_1112 : i32
          %mul3A_1123 = arith.constant 128 : i32
          %mul3A_1124 = arith.muli %select_n3A_1122, %mul3A_1123 : i32
          %add3A_1125 = arith.addi %add3A_1106, %mul3A_1124 : i32
          %dma_wait3A_1126 = arith.constant 5 : i32
          %dma_wait3A_1127 = arith.constant 0 : i32
          %dma_wait3A_1128 = arith.constant 0 : i32
          %dma_wait3A_1129 = tpu.memref_slice %arg5[%dma_wait3A_1126, %dma_wait3A_1127, %dma_wait3A_1128] : memref<6x128x64xf32, #tpu.memory_space<vmem>> -> memref<1x128x64xf32, #tpu.memory_space<vmem>>
          %dma_wait3A_1130 = tpu.memref_squeeze %dma_wait3A_1129 : memref<1x128x64xf32, #tpu.memory_space<vmem>> -> memref<128x64xf32, #tpu.memory_space<vmem>>
          %dma_wait3A_1131 = arith.constant 0 : i32
          %dma_wait3A_1132 = tpu.memref_slice %arg4[%add3A_1125, %dma_wait3A_1131] : memref<524288x64xf32, #tpu.memory_space<hbm>> -> memref<128x64xf32, #tpu.memory_space<hbm>>
          %dma_wait3A_1133 = arith.constant 0 : i32
          %dma_wait3A_1134 = tpu.memref_slice %arg4[%add3A_1125, %dma_wait3A_1133] : memref<524288x64xf32, #tpu.memory_space<hbm>> -> memref<128x64xf32, #tpu.memory_space<hbm>>
          %dma_wait3A_1135 = arith.constant 0 : i32
          %dma_wait3A_1136 = arith.constant 0 : i32
          %dma_wait3A_1137 = tpu.memref_slice %arg5[%dma_wait3A_1126, %dma_wait3A_1135, %dma_wait3A_1136] : memref<6x128x64xf32, #tpu.memory_space<vmem>> -> memref<1x128x64xf32, #tpu.memory_space<vmem>>
          %dma_wait3A_1138 = tpu.memref_squeeze %dma_wait3A_1137 : memref<1x128x64xf32, #tpu.memory_space<vmem>> -> memref<128x64xf32, #tpu.memory_space<vmem>>
          tpu.wait_dma2 semaphore(%arg18 : memref<!tpu.dma_semaphore, #tpu.memory_space<semaphore_mem>>) src(%dma_wait3A_1138 : memref<128x64xf32, #tpu.memory_space<vmem>>) dst(%dma_wait3A_1134 : memref<128x64xf32, #tpu.memory_space<hbm>>)
        } else {
        }
        %add3A_1017 = arith.constant 3 : i32
        %add3A_1018 = arith.addi %add3A_488, %add3A_1017 : i32
        %jit3A_1019 = arith.constant 2 : i32
        %div3A_1020 = arith.divsi %add3A_1018, %jit3A_1019 : i32
        %sign3A_1021 = arith.constant 0 : i32
        %sign3A_1022 = arith.cmpi sgt, %add3A_1018, %sign3A_1021 : i32
        %sign3A_1023 = arith.extui %sign3A_1022 : i1 to i32
        %sign3A_1024 = arith.constant 0 : i32
        %sign3A_1025 = arith.cmpi slt, %add3A_1018, %sign3A_1024 : i32
        %sign3A_1026 = arith.extui %sign3A_1025 : i1 to i32
        %sign3A_1027 = arith.subi %sign3A_1023, %sign3A_1026 : i32
        %sign3A_1028 = arith.constant 0 : i32
        %sign3A_1029 = arith.cmpi sgt, %jit3A_1019, %sign3A_1028 : i32
        %sign3A_1030 = arith.extui %sign3A_1029 : i1 to i32
        %sign3A_1031 = arith.constant 0 : i32
        %sign3A_1032 = arith.cmpi slt, %jit3A_1019, %sign3A_1031 : i32
        %sign3A_1033 = arith.extui %sign3A_1032 : i1 to i32
        %sign3A_1034 = arith.subi %sign3A_1030, %sign3A_1033 : i32
        %ne3A_1035 = arith.cmpi ne, %sign3A_1027, %sign3A_1034 : i32
        %rem3A_1036 = arith.remsi %add3A_1018, %jit3A_1019 : i32
        %ne3A_1037 = arith.constant 0 : i32
        %ne3A_1038 = arith.cmpi ne, %rem3A_1036, %ne3A_1037 : i32
        %and3A_1039 = arith.andi %ne3A_1035, %ne3A_1038 : i1
        %sub3A_1040 = arith.constant 1 : i32
        %sub3A_1041 = arith.subi %div3A_1020, %sub3A_1040 : i32
        %select_n3A_1042 = arith.select %and3A_1039, %sub3A_1041, %div3A_1020 : i32
        %mul3A_1043 = arith.constant 8192 : i32
        %mul3A_1044 = arith.muli %select_n3A_1042, %mul3A_1043 : i32
        %add3A_1045 = arith.addi %mul3A_1044, %mul3A_2 : i32
        %jit3A_1046 = arith.constant 2 : i32
        %eq3A_1047 = arith.constant 0 : i32
        %eq3A_1048 = arith.cmpi eq, %jit3A_1046, %eq3A_1047 : i32
        %jit3A_1049 = arith.constant 1 : i32
        %select_n3A_1050 = arith.select %eq3A_1048, %jit3A_1049, %jit3A_1046 : i32
        %rem3A_1051 = arith.remsi %add3A_1018, %select_n3A_1050 : i32
        %ne3A_1052 = arith.constant 0 : i32
        %ne3A_1053 = arith.cmpi ne, %rem3A_1051, %ne3A_1052 : i32
        %lt3A_1054 = arith.constant 0 : i32
        %lt3A_1055 = arith.cmpi slt, %rem3A_1051, %lt3A_1054 : i32
        %lt3A_1056 = arith.constant 0 : i32
        %lt3A_1057 = arith.cmpi slt, %select_n3A_1050, %lt3A_1056 : i32
        %ne3A_1058 = arith.xori %lt3A_1055, %lt3A_1057 : i1
        %and3A_1059 = arith.andi %ne3A_1058, %ne3A_1053 : i1
        %add3A_1060 = arith.addi %rem3A_1051, %select_n3A_1050 : i32
        %select_n3A_1061 = arith.select %and3A_1059, %add3A_1060, %rem3A_1051 : i32
        %mul3A_1062 = arith.constant 128 : i32
        %mul3A_1063 = arith.muli %select_n3A_1061, %mul3A_1062 : i32
        %add3A_1064 = arith.addi %add3A_1045, %mul3A_1063 : i32
        %dma_start3A_1065 = arith.constant 5 : i32
        %dma_start3A_1066 = arith.constant 0 : i32
        %dma_start3A_1067 = arith.constant 0 : i32
        %dma_start3A_1068 = tpu.memref_slice %arg5[%dma_start3A_1065, %dma_start3A_1066, %dma_start3A_1067] : memref<6x128x64xf32, #tpu.memory_space<vmem>> -> memref<1x128x64xf32, #tpu.memory_space<vmem>>
        %dma_start3A_1069 = tpu.memref_squeeze %dma_start3A_1068 : memref<1x128x64xf32, #tpu.memory_space<vmem>> -> memref<128x64xf32, #tpu.memory_space<vmem>>
        %dma_start3A_1070 = arith.constant 0 : i32
        %dma_start3A_1071 = tpu.memref_slice %arg2[%add3A_1064, %dma_start3A_1070] : memref<524288x64xf32, #tpu.memory_space<hbm>> -> memref<128x64xf32, #tpu.memory_space<hbm>>
        %dma_start3A_1072 = arith.constant 0 : i32
        %dma_start3A_1073 = arith.constant 0 : i32
        %dma_start3A_1074 = tpu.memref_slice %arg5[%dma_start3A_1065, %dma_start3A_1072, %dma_start3A_1073] : memref<6x128x64xf32, #tpu.memory_space<vmem>> -> memref<1x128x64xf32, #tpu.memory_space<vmem>>
        %dma_start3A_1075 = tpu.memref_squeeze %dma_start3A_1074 : memref<1x128x64xf32, #tpu.memory_space<vmem>> -> memref<128x64xf32, #tpu.memory_space<vmem>>
        %dma_start3A_1076 = arith.constant 0 : i32
        %dma_start3A_1077 = tpu.memref_slice %arg2[%add3A_1064, %dma_start3A_1076] : memref<524288x64xf32, #tpu.memory_space<hbm>> -> memref<128x64xf32, #tpu.memory_space<hbm>>
        tpu.enqueue_dma source(%dma_start3A_1077 : memref<128x64xf32, #tpu.memory_space<hbm>>) target(%dma_start3A_1075 : memref<128x64xf32, #tpu.memory_space<vmem>>) target_semaphore(%arg12 : memref<!tpu.dma_semaphore, #tpu.memory_space<semaphore_mem>>)
      } else {
      }
      %parallel_loop3A_555 = arith.constant 0 : i32
      %parallel_loop3A_556 = arith.constant 128 : i32
      %parallel_loop3A_557 = arith.constant 1 : i32
      scf.for %parallel_loop3A_1013 = %parallel_loop3A_555 to %parallel_loop3A_556 step %parallel_loop3A_557  : i32 {
        %parallel_loop3A_1014 = arith.index_cast %parallel_loop3A_1013 : i32 to index
        %parallel_loop3A_1015 = arith.constant 0 : index
        %parallel_loop3A_1016 = tpu.vector_load %arg6[%parallel_loop3A_1014, %parallel_loop3A_1015] {strides = array<i32>} : memref<128x128xf32, #tpu.memory_space<vmem>>, vector<1x16xf32>,
        %parallel_loop3A_1017 = vector.shape_cast %parallel_loop3A_1016 : vector<1x16xf32> to vector<16xf32>
        %parallel_loop3A_1018 = arith.constant 2 : i32
        %parallel_loop3A_1019 = arith.index_cast %parallel_loop3A_1018 : i32 to index
        %parallel_loop3A_1020 = arith.index_cast %parallel_loop3A_1013 : i32 to index
        %parallel_loop3A_1021 = arith.constant 0 : index
        %parallel_loop3A_1022 = tpu.vector_load %arg5[%parallel_loop3A_1019, %parallel_loop3A_1020, %parallel_loop3A_1021] {strides = array<i32>} : memref<6x128x64xf32, #tpu.memory_space<vmem>>, vector<1x1x16xf32>,
        %parallel_loop3A_1023 = vector.shape_cast %parallel_loop3A_1022 : vector<1x1x16xf32> to vector<16xf32>
        %parallel_loop3A_1024 = vector.shape_cast %parallel_loop3A_1017 : vector<16xf32> to vector<1x1x16xf32>
        tpu.vector_store %arg5[%parallel_loop3A_1019, %parallel_loop3A_1020, %parallel_loop3A_1021], %parallel_loop3A_1024 {add = true, strides = array<i32>} : memref<6x128x64xf32, #tpu.memory_space<vmem>>, vector<1x1x16xf32>,
        %parallel_loop3A_1025 = arith.index_cast %parallel_loop3A_1013 : i32 to index
        %parallel_loop3A_1026 = arith.constant 16 : index
        %parallel_loop3A_1027 = tpu.vector_load %arg6[%parallel_loop3A_1025, %parallel_loop3A_1026] {strides = array<i32>} : memref<128x128xf32, #tpu.memory_space<vmem>>, vector<1x16xf32>,
        %parallel_loop3A_1028 = vector.shape_cast %parallel_loop3A_1027 : vector<1x16xf32> to vector<16xf32>
        %parallel_loop3A_1029 = arith.constant 2 : i32
        %parallel_loop3A_1030 = arith.index_cast %parallel_loop3A_1029 : i32 to index
        %parallel_loop3A_1031 = arith.index_cast %parallel_loop3A_1013 : i32 to index
        %parallel_loop3A_1032 = arith.constant 16 : index
        %parallel_loop3A_1033 = tpu.vector_load %arg5[%parallel_loop3A_1030, %parallel_loop3A_1031, %parallel_loop3A_1032] {strides = array<i32>} : memref<6x128x64xf32, #tpu.memory_space<vmem>>, vector<1x1x16xf32>,
        %parallel_loop3A_1034 = vector.shape_cast %parallel_loop3A_1033 : vector<1x1x16xf32> to vector<16xf32>
        %parallel_loop3A_1035 = vector.shape_cast %parallel_loop3A_1028 : vector<16xf32> to vector<1x1x16xf32>
        tpu.vector_store %arg5[%parallel_loop3A_1030, %parallel_loop3A_1031, %parallel_loop3A_1032], %parallel_loop3A_1035 {add = true, strides = array<i32>} : memref<6x128x64xf32, #tpu.memory_space<vmem>>, vector<1x1x16xf32>,
        %parallel_loop3A_1036 = arith.index_cast %parallel_loop3A_1013 : i32 to index
        %parallel_loop3A_1037 = arith.constant 32 : index
        %parallel_loop3A_1038 = tpu.vector_load %arg6[%parallel_loop3A_1036, %parallel_loop3A_1037] {strides = array<i32>} : memref<128x128xf32, #tpu.memory_space<vmem>>, vector<1x16xf32>,
        %parallel_loop3A_1039 = vector.shape_cast %parallel_loop3A_1038 : vector<1x16xf32> to vector<16xf32>
        %parallel_loop3A_1040 = arith.constant 2 : i32
        %parallel_loop3A_1041 = arith.index_cast %parallel_loop3A_1040 : i32 to index
        %parallel_loop3A_1042 = arith.index_cast %parallel_loop3A_1013 : i32 to index
        %parallel_loop3A_1043 = arith.constant 32 : index
        %parallel_loop3A_1044 = tpu.vector_load %arg5[%parallel_loop3A_1041, %parallel_loop3A_1042, %parallel_loop3A_1043] {strides = array<i32>} : memref<6x128x64xf32, #tpu.memory_space<vmem>>, vector<1x1x16xf32>,
        %parallel_loop3A_1045 = vector.shape_cast %parallel_loop3A_1044 : vector<1x1x16xf32> to vector<16xf32>
        %parallel_loop3A_1046 = vector.shape_cast %parallel_loop3A_1039 : vector<16xf32> to vector<1x1x16xf32>
        tpu.vector_store %arg5[%parallel_loop3A_1041, %parallel_loop3A_1042, %parallel_loop3A_1043], %parallel_loop3A_1046 {add = true, strides = array<i32>} : memref<6x128x64xf32, #tpu.memory_space<vmem>>, vector<1x1x16xf32>,
        %parallel_loop3A_1047 = arith.index_cast %parallel_loop3A_1013 : i32 to index
        %parallel_loop3A_1048 = arith.constant 48 : index
        %parallel_loop3A_1049 = tpu.vector_load %arg6[%parallel_loop3A_1047, %parallel_loop3A_1048] {strides = array<i32>} : memref<128x128xf32, #tpu.memory_space<vmem>>, vector<1x16xf32>,
        %parallel_loop3A_1050 = vector.shape_cast %parallel_loop3A_1049 : vector<1x16xf32> to vector<16xf32>
        %parallel_loop3A_1051 = arith.constant 2 : i32
        %parallel_loop3A_1052 = arith.index_cast %parallel_loop3A_1051 : i32 to index
        %parallel_loop3A_1053 = arith.index_cast %parallel_loop3A_1013 : i32 to index
        %parallel_loop3A_1054 = arith.constant 48 : index
        %parallel_loop3A_1055 = tpu.vector_load %arg5[%parallel_loop3A_1052, %parallel_loop3A_1053, %parallel_loop3A_1054] {strides = array<i32>} : memref<6x128x64xf32, #tpu.memory_space<vmem>>, vector<1x1x16xf32>,
        %parallel_loop3A_1056 = vector.shape_cast %parallel_loop3A_1055 : vector<1x1x16xf32> to vector<16xf32>
        %parallel_loop3A_1057 = vector.shape_cast %parallel_loop3A_1050 : vector<16xf32> to vector<1x1x16xf32>
        tpu.vector_store %arg5[%parallel_loop3A_1052, %parallel_loop3A_1053, %parallel_loop3A_1054], %parallel_loop3A_1057 {add = true, strides = array<i32>} : memref<6x128x64xf32, #tpu.memory_space<vmem>>, vector<1x1x16xf32>,
      } {sc.loop_unroll_factor = 4 : i64, sc.parallel_access}
      %jit3A_558 = arith.constant 2 : i32
      %div3A_559 = arith.divsi %add3A_488, %jit3A_558 : i32
      %sign3A_560 = arith.constant 0 : i32
      %sign3A_561 = arith.cmpi sgt, %add3A_488, %sign3A_560 : i32
      %sign3A_562 = arith.extui %sign3A_561 : i1 to i32
      %sign3A_563 = arith.constant 0 : i32
      %sign3A_564 = arith.cmpi slt, %add3A_488, %sign3A_563 : i32
      %sign3A_565 = arith.extui %sign3A_564 : i1 to i32
      %sign3A_566 = arith.subi %sign3A_562, %sign3A_565 : i32
      %sign3A_567 = arith.constant 0 : i32
      %sign3A_568 = arith.cmpi sgt, %jit3A_558, %sign3A_567 : i32
      %sign3A_569 = arith.extui %sign3A_568 : i1 to i32
      %sign3A_570 = arith.constant 0 : i32
      %sign3A_571 = arith.cmpi slt, %jit3A_558, %sign3A_570 : i32
      %sign3A_572 = arith.extui %sign3A_571 : i1 to i32
      %sign3A_573 = arith.subi %sign3A_569, %sign3A_572 : i32
      %ne3A_574 = arith.cmpi ne, %sign3A_566, %sign3A_573 : i32
      %rem3A_575 = arith.remsi %add3A_488, %jit3A_558 : i32
      %ne3A_576 = arith.constant 0 : i32
      %ne3A_577 = arith.cmpi ne, %rem3A_575, %ne3A_576 : i32
      %and3A_578 = arith.andi %ne3A_574, %ne3A_577 : i1
      %sub3A_579 = arith.constant 1 : i32
      %sub3A_580 = arith.subi %div3A_559, %sub3A_579 : i32
      %select_n3A_581 = arith.select %and3A_578, %sub3A_580, %div3A_559 : i32
      %mul3A_582 = arith.constant 8192 : i32
      %mul3A_583 = arith.muli %select_n3A_581, %mul3A_582 : i32
      %add3A_584 = arith.addi %mul3A_583, %mul3A_2 : i32
      %jit3A_585 = arith.constant 2 : i32
      %eq3A_586 = arith.constant 0 : i32
      %eq3A_587 = arith.cmpi eq, %jit3A_585, %eq3A_586 : i32
      %jit3A_588 = arith.constant 1 : i32
      %select_n3A_589 = arith.select %eq3A_587, %jit3A_588, %jit3A_585 : i32
      %rem3A_590 = arith.remsi %add3A_488, %select_n3A_589 : i32
      %ne3A_591 = arith.constant 0 : i32
      %ne3A_592 = arith.cmpi ne, %rem3A_590, %ne3A_591 : i32
      %lt3A_593 = arith.constant 0 : i32
      %lt3A_594 = arith.cmpi slt, %rem3A_590, %lt3A_593 : i32
      %lt3A_595 = arith.constant 0 : i32
      %lt3A_596 = arith.cmpi slt, %select_n3A_589, %lt3A_595 : i32
      %ne3A_597 = arith.xori %lt3A_594, %lt3A_596 : i1
      %and3A_598 = arith.andi %ne3A_597, %ne3A_592 : i1
      %add3A_599 = arith.addi %rem3A_590, %select_n3A_589 : i32
      %select_n3A_600 = arith.select %and3A_598, %add3A_599, %rem3A_590 : i32
      %mul3A_601 = arith.constant 128 : i32
      %mul3A_602 = arith.muli %select_n3A_600, %mul3A_601 : i32
      %add3A_603 = arith.addi %add3A_584, %mul3A_602 : i32
      %dma_start3A_604 = arith.constant 2 : i32
      %dma_start3A_605 = arith.constant 0 : i32
      %dma_start3A_606 = arith.constant 0 : i32
      %dma_start3A_607 = tpu.memref_slice %arg5[%dma_start3A_604, %dma_start3A_605, %dma_start3A_606] : memref<6x128x64xf32, #tpu.memory_space<vmem>> -> memref<1x128x64xf32, #tpu.memory_space<vmem>>
      %dma_start3A_608 = tpu.memref_squeeze %dma_start3A_607 : memref<1x128x64xf32, #tpu.memory_space<vmem>> -> memref<128x64xf32, #tpu.memory_space<vmem>>
      %dma_start3A_609 = arith.constant 0 : i32
      %dma_start3A_610 = tpu.memref_slice %arg4[%add3A_603, %dma_start3A_609] : memref<524288x64xf32, #tpu.memory_space<hbm>> -> memref<128x64xf32, #tpu.memory_space<hbm>>
      %dma_start3A_611 = arith.constant 0 : i32
      %dma_start3A_612 = tpu.memref_slice %arg4[%add3A_603, %dma_start3A_611] : memref<524288x64xf32, #tpu.memory_space<hbm>> -> memref<128x64xf32, #tpu.memory_space<hbm>>
      %dma_start3A_613 = arith.constant 0 : i32
      %dma_start3A_614 = arith.constant 0 : i32
      %dma_start3A_615 = tpu.memref_slice %arg5[%dma_start3A_604, %dma_start3A_613, %dma_start3A_614] : memref<6x128x64xf32, #tpu.memory_space<vmem>> -> memref<1x128x64xf32, #tpu.memory_space<vmem>>
      %dma_start3A_616 = tpu.memref_squeeze %dma_start3A_615 : memref<1x128x64xf32, #tpu.memory_space<vmem>> -> memref<128x64xf32, #tpu.memory_space<vmem>>
      tpu.enqueue_dma source(%dma_start3A_616 : memref<128x64xf32, #tpu.memory_space<vmem>>) target(%dma_start3A_612 : memref<128x64xf32, #tpu.memory_space<hbm>>) target_semaphore(%arg15 : memref<!tpu.dma_semaphore, #tpu.memory_space<semaphore_mem>>)
      %mul3A_617 = arith.constant 6 : i32
      %mul3A_618 = arith.muli %scan3A_232, %mul3A_617 : i32
      %add3A_619 = arith.constant 3 : i32
      %add3A_620 = arith.addi %mul3A_618, %add3A_619 : i32
      %jit3A_621 = arith.constant 2 : i32
      %div3A_622 = arith.divsi %add3A_620, %jit3A_621 : i32
      %sign3A_623 = arith.constant 0 : i32
      %sign3A_624 = arith.cmpi sgt, %add3A_620, %sign3A_623 : i32
      %sign3A_625 = arith.extui %sign3A_624 : i1 to i32
      %sign3A_626 = arith.constant 0 : i32
      %sign3A_627 = arith.cmpi slt, %add3A_620, %sign3A_626 : i32
      %sign3A_628 = arith.extui %sign3A_627 : i1 to i32
      %sign3A_629 = arith.subi %sign3A_625, %sign3A_628 : i32
      %sign3A_630 = arith.constant 0 : i32
      %sign3A_631 = arith.cmpi sgt, %jit3A_621, %sign3A_630 : i32
      %sign3A_632 = arith.extui %sign3A_631 : i1 to i32
      %sign3A_633 = arith.constant 0 : i32
      %sign3A_634 = arith.cmpi slt, %jit3A_621, %sign3A_633 : i32
      %sign3A_635 = arith.extui %sign3A_634 : i1 to i32
      %sign3A_636 = arith.subi %sign3A_632, %sign3A_635 : i32
      %ne3A_637 = arith.cmpi ne, %sign3A_629, %sign3A_636 : i32
      %rem3A_638 = arith.remsi %add3A_620, %jit3A_621 : i32
      %ne3A_639 = arith.constant 0 : i32
      %ne3A_640 = arith.cmpi ne, %rem3A_638, %ne3A_639 : i32
      %and3A_641 = arith.andi %ne3A_637, %ne3A_640 : i1
      %sub3A_642 = arith.constant 1 : i32
      %sub3A_643 = arith.subi %div3A_622, %sub3A_642 : i32
      %select_n3A_644 = arith.select %and3A_641, %sub3A_643, %div3A_622 : i32
      %mul3A_645 = arith.constant 8192 : i32
      %mul3A_646 = arith.muli %select_n3A_644, %mul3A_645 : i32
      %add3A_647 = arith.addi %mul3A_646, %mul3A_2 : i32
      %jit3A_648 = arith.constant 2 : i32
      %eq3A_649 = arith.constant 0 : i32
      %eq3A_650 = arith.cmpi eq, %jit3A_648, %eq3A_649 : i32
      %jit3A_651 = arith.constant 1 : i32
      %select_n3A_652 = arith.select %eq3A_650, %jit3A_651, %jit3A_648 : i32
      %rem3A_653 = arith.remsi %add3A_620, %select_n3A_652 : i32
      %ne3A_654 = arith.constant 0 : i32
      %ne3A_655 = arith.cmpi ne, %rem3A_653, %ne3A_654 : i32
      %lt3A_656 = arith.constant 0 : i32
      %lt3A_657 = arith.cmpi slt, %rem3A_653, %lt3A_656 : i32
      %lt3A_658 = arith.constant 0 : i32
      %lt3A_659 = arith.cmpi slt, %select_n3A_652, %lt3A_658 : i32
      %ne3A_660 = arith.xori %lt3A_657, %lt3A_659 : i1
      %and3A_661 = arith.andi %ne3A_660, %ne3A_655 : i1
      %add3A_662 = arith.addi %rem3A_653, %select_n3A_652 : i32
      %select_n3A_663 = arith.select %and3A_661, %add3A_662, %rem3A_653 : i32
      %mul3A_664 = arith.constant 128 : i32
      %mul3A_665 = arith.muli %select_n3A_663, %mul3A_664 : i32
      %add3A_666 = arith.addi %add3A_647, %mul3A_665 : i32
      %dma_wait3A_667 = arith.constant 3 : i32
      %dma_wait3A_668 = arith.constant 0 : i32
      %dma_wait3A_669 = arith.constant 0 : i32
      %dma_wait3A_670 = tpu.memref_slice %arg5[%dma_wait3A_667, %dma_wait3A_668, %dma_wait3A_669] : memref<6x128x64xf32, #tpu.memory_space<vmem>> -> memref<1x128x64xf32, #tpu.memory_space<vmem>>
      %dma_wait3A_671 = tpu.memref_squeeze %dma_wait3A_670 : memref<1x128x64xf32, #tpu.memory_space<vmem>> -> memref<128x64xf32, #tpu.memory_space<vmem>>
      %dma_wait3A_672 = arith.constant 0 : i32
      %dma_wait3A_673 = tpu.memref_slice %arg2[%add3A_666, %dma_wait3A_672] : memref<524288x64xf32, #tpu.memory_space<hbm>> -> memref<128x64xf32, #tpu.memory_space<hbm>>
      %dma_wait3A_674 = arith.constant 0 : i32
      %dma_wait3A_675 = arith.constant 0 : i32
      %dma_wait3A_676 = tpu.memref_slice %arg5[%dma_wait3A_667, %dma_wait3A_674, %dma_wait3A_675] : memref<6x128x64xf32, #tpu.memory_space<vmem>> -> memref<1x128x64xf32, #tpu.memory_space<vmem>>
      %dma_wait3A_677 = tpu.memref_squeeze %dma_wait3A_676 : memref<1x128x64xf32, #tpu.memory_space<vmem>> -> memref<128x64xf32, #tpu.memory_space<vmem>>
      %dma_wait3A_678 = arith.constant 0 : i32
      %dma_wait3A_679 = tpu.memref_slice %arg2[%add3A_666, %dma_wait3A_678] : memref<524288x64xf32, #tpu.memory_space<hbm>> -> memref<128x64xf32, #tpu.memory_space<hbm>>
      tpu.wait_dma2 semaphore(%arg10 : memref<!tpu.dma_semaphore, #tpu.memory_space<semaphore_mem>>) src(%dma_wait3A_679 : memref<128x64xf32, #tpu.memory_space<hbm>>) dst(%dma_wait3A_677 : memref<128x64xf32, #tpu.memory_space<vmem>>)
      %add3A_680 = arith.constant 3 : i32
      %add3A_681 = arith.addi %add3A_620, %add3A_680 : i32
      %lt3A_682 = arith.constant 128 : i32
      %lt3A_683 = arith.cmpi slt, %add3A_681, %lt3A_682 : i32
      %convert_element_type3A_684 = arith.extui %lt3A_683 : i1 to i32
      %cond3A_685 = arith.constant 0 : i32
      %cond3A_686 = arith.cmpi ne, %convert_element_type3A_684, %cond3A_685 : i32
      scf.if %cond3A_686 {
        %ge3A = arith.constant 3 : i32
        %ge3A_1013 = arith.cmpi sge, %add3A_620, %ge3A : i32
        %convert_element_type3A_1014 = arith.extui %ge3A_1013 : i1 to i32
        %cond3A_1015 = arith.constant 0 : i32
        %cond3A_1016 = arith.cmpi ne, %convert_element_type3A_1014, %cond3A_1015 : i32
        scf.if %cond3A_1016 {
          %sub3A_1078 = arith.constant 3 : i32
          %sub3A_1079 = arith.subi %add3A_620, %sub3A_1078 : i32
          %jit3A_1080 = arith.constant 2 : i32
          %div3A_1081 = arith.divsi %sub3A_1079, %jit3A_1080 : i32
          %sign3A_1082 = arith.constant 0 : i32
          %sign3A_1083 = arith.cmpi sgt, %sub3A_1079, %sign3A_1082 : i32
          %sign3A_1084 = arith.extui %sign3A_1083 : i1 to i32
          %sign3A_1085 = arith.constant 0 : i32
          %sign3A_1086 = arith.cmpi slt, %sub3A_1079, %sign3A_1085 : i32
          %sign3A_1087 = arith.extui %sign3A_1086 : i1 to i32
          %sign3A_1088 = arith.subi %sign3A_1084, %sign3A_1087 : i32
          %sign3A_1089 = arith.constant 0 : i32
          %sign3A_1090 = arith.cmpi sgt, %jit3A_1080, %sign3A_1089 : i32
          %sign3A_1091 = arith.extui %sign3A_1090 : i1 to i32
          %sign3A_1092 = arith.constant 0 : i32
          %sign3A_1093 = arith.cmpi slt, %jit3A_1080, %sign3A_1092 : i32
          %sign3A_1094 = arith.extui %sign3A_1093 : i1 to i32
          %sign3A_1095 = arith.subi %sign3A_1091, %sign3A_1094 : i32
          %ne3A_1096 = arith.cmpi ne, %sign3A_1088, %sign3A_1095 : i32
          %rem3A_1097 = arith.remsi %sub3A_1079, %jit3A_1080 : i32
          %ne3A_1098 = arith.constant 0 : i32
          %ne3A_1099 = arith.cmpi ne, %rem3A_1097, %ne3A_1098 : i32
          %and3A_1100 = arith.andi %ne3A_1096, %ne3A_1099 : i1
          %sub3A_1101 = arith.constant 1 : i32
          %sub3A_1102 = arith.subi %div3A_1081, %sub3A_1101 : i32
          %select_n3A_1103 = arith.select %and3A_1100, %sub3A_1102, %div3A_1081 : i32
          %mul3A_1104 = arith.constant 8192 : i32
          %mul3A_1105 = arith.muli %select_n3A_1103, %mul3A_1104 : i32
          %add3A_1106 = arith.addi %mul3A_1105, %mul3A_2 : i32
          %jit3A_1107 = arith.constant 2 : i32
          %eq3A_1108 = arith.constant 0 : i32
          %eq3A_1109 = arith.cmpi eq, %jit3A_1107, %eq3A_1108 : i32
          %jit3A_1110 = arith.constant 1 : i32
          %select_n3A_1111 = arith.select %eq3A_1109, %jit3A_1110, %jit3A_1107 : i32
          %rem3A_1112 = arith.remsi %sub3A_1079, %select_n3A_1111 : i32
          %ne3A_1113 = arith.constant 0 : i32
          %ne3A_1114 = arith.cmpi ne, %rem3A_1112, %ne3A_1113 : i32
          %lt3A_1115 = arith.constant 0 : i32
          %lt3A_1116 = arith.cmpi slt, %rem3A_1112, %lt3A_1115 : i32
          %lt3A_1117 = arith.constant 0 : i32
          %lt3A_1118 = arith.cmpi slt, %select_n3A_1111, %lt3A_1117 : i32
          %ne3A_1119 = arith.xori %lt3A_1116, %lt3A_1118 : i1
          %and3A_1120 = arith.andi %ne3A_1119, %ne3A_1114 : i1
          %add3A_1121 = arith.addi %rem3A_1112, %select_n3A_1111 : i32
          %select_n3A_1122 = arith.select %and3A_1120, %add3A_1121, %rem3A_1112 : i32
          %mul3A_1123 = arith.constant 128 : i32
          %mul3A_1124 = arith.muli %select_n3A_1122, %mul3A_1123 : i32
          %add3A_1125 = arith.addi %add3A_1106, %mul3A_1124 : i32
          %dma_wait3A_1126 = arith.constant 0 : i32
          %dma_wait3A_1127 = arith.constant 0 : i32
          %dma_wait3A_1128 = arith.constant 0 : i32
          %dma_wait3A_1129 = tpu.memref_slice %arg5[%dma_wait3A_1126, %dma_wait3A_1127, %dma_wait3A_1128] : memref<6x128x64xf32, #tpu.memory_space<vmem>> -> memref<1x128x64xf32, #tpu.memory_space<vmem>>
          %dma_wait3A_1130 = tpu.memref_squeeze %dma_wait3A_1129 : memref<1x128x64xf32, #tpu.memory_space<vmem>> -> memref<128x64xf32, #tpu.memory_space<vmem>>
          %dma_wait3A_1131 = arith.constant 0 : i32
          %dma_wait3A_1132 = tpu.memref_slice %arg4[%add3A_1125, %dma_wait3A_1131] : memref<524288x64xf32, #tpu.memory_space<hbm>> -> memref<128x64xf32, #tpu.memory_space<hbm>>
          %dma_wait3A_1133 = arith.constant 0 : i32
          %dma_wait3A_1134 = tpu.memref_slice %arg4[%add3A_1125, %dma_wait3A_1133] : memref<524288x64xf32, #tpu.memory_space<hbm>> -> memref<128x64xf32, #tpu.memory_space<hbm>>
          %dma_wait3A_1135 = arith.constant 0 : i32
          %dma_wait3A_1136 = arith.constant 0 : i32
          %dma_wait3A_1137 = tpu.memref_slice %arg5[%dma_wait3A_1126, %dma_wait3A_1135, %dma_wait3A_1136] : memref<6x128x64xf32, #tpu.memory_space<vmem>> -> memref<1x128x64xf32, #tpu.memory_space<vmem>>
          %dma_wait3A_1138 = tpu.memref_squeeze %dma_wait3A_1137 : memref<1x128x64xf32, #tpu.memory_space<vmem>> -> memref<128x64xf32, #tpu.memory_space<vmem>>
          tpu.wait_dma2 semaphore(%arg13 : memref<!tpu.dma_semaphore, #tpu.memory_space<semaphore_mem>>) src(%dma_wait3A_1138 : memref<128x64xf32, #tpu.memory_space<vmem>>) dst(%dma_wait3A_1134 : memref<128x64xf32, #tpu.memory_space<hbm>>)
        } else {
        }
        %add3A_1017 = arith.constant 3 : i32
        %add3A_1018 = arith.addi %add3A_620, %add3A_1017 : i32
        %jit3A_1019 = arith.constant 2 : i32
        %div3A_1020 = arith.divsi %add3A_1018, %jit3A_1019 : i32
        %sign3A_1021 = arith.constant 0 : i32
        %sign3A_1022 = arith.cmpi sgt, %add3A_1018, %sign3A_1021 : i32
        %sign3A_1023 = arith.extui %sign3A_1022 : i1 to i32
        %sign3A_1024 = arith.constant 0 : i32
        %sign3A_1025 = arith.cmpi slt, %add3A_1018, %sign3A_1024 : i32
        %sign3A_1026 = arith.extui %sign3A_1025 : i1 to i32
        %sign3A_1027 = arith.subi %sign3A_1023, %sign3A_1026 : i32
        %sign3A_1028 = arith.constant 0 : i32
        %sign3A_1029 = arith.cmpi sgt, %jit3A_1019, %sign3A_1028 : i32
        %sign3A_1030 = arith.extui %sign3A_1029 : i1 to i32
        %sign3A_1031 = arith.constant 0 : i32
        %sign3A_1032 = arith.cmpi slt, %jit3A_1019, %sign3A_1031 : i32
        %sign3A_1033 = arith.extui %sign3A_1032 : i1 to i32
        %sign3A_1034 = arith.subi %sign3A_1030, %sign3A_1033 : i32
        %ne3A_1035 = arith.cmpi ne, %sign3A_1027, %sign3A_1034 : i32
        %rem3A_1036 = arith.remsi %add3A_1018, %jit3A_1019 : i32
        %ne3A_1037 = arith.constant 0 : i32
        %ne3A_1038 = arith.cmpi ne, %rem3A_1036, %ne3A_1037 : i32
        %and3A_1039 = arith.andi %ne3A_1035, %ne3A_1038 : i1
        %sub3A_1040 = arith.constant 1 : i32
        %sub3A_1041 = arith.subi %div3A_1020, %sub3A_1040 : i32
        %select_n3A_1042 = arith.select %and3A_1039, %sub3A_1041, %div3A_1020 : i32
        %mul3A_1043 = arith.constant 8192 : i32
        %mul3A_1044 = arith.muli %select_n3A_1042, %mul3A_1043 : i32
        %add3A_1045 = arith.addi %mul3A_1044, %mul3A_2 : i32
        %jit3A_1046 = arith.constant 2 : i32
        %eq3A_1047 = arith.constant 0 : i32
        %eq3A_1048 = arith.cmpi eq, %jit3A_1046, %eq3A_1047 : i32
        %jit3A_1049 = arith.constant 1 : i32
        %select_n3A_1050 = arith.select %eq3A_1048, %jit3A_1049, %jit3A_1046 : i32
        %rem3A_1051 = arith.remsi %add3A_1018, %select_n3A_1050 : i32
        %ne3A_1052 = arith.constant 0 : i32
        %ne3A_1053 = arith.cmpi ne, %rem3A_1051, %ne3A_1052 : i32
        %lt3A_1054 = arith.constant 0 : i32
        %lt3A_1055 = arith.cmpi slt, %rem3A_1051, %lt3A_1054 : i32
        %lt3A_1056 = arith.constant 0 : i32
        %lt3A_1057 = arith.cmpi slt, %select_n3A_1050, %lt3A_1056 : i32
        %ne3A_1058 = arith.xori %lt3A_1055, %lt3A_1057 : i1
        %and3A_1059 = arith.andi %ne3A_1058, %ne3A_1053 : i1
        %add3A_1060 = arith.addi %rem3A_1051, %select_n3A_1050 : i32
        %select_n3A_1061 = arith.select %and3A_1059, %add3A_1060, %rem3A_1051 : i32
        %mul3A_1062 = arith.constant 128 : i32
        %mul3A_1063 = arith.muli %select_n3A_1061, %mul3A_1062 : i32
        %add3A_1064 = arith.addi %add3A_1045, %mul3A_1063 : i32
        %dma_start3A_1065 = arith.constant 0 : i32
        %dma_start3A_1066 = arith.constant 0 : i32
        %dma_start3A_1067 = arith.constant 0 : i32
        %dma_start3A_1068 = tpu.memref_slice %arg5[%dma_start3A_1065, %dma_start3A_1066, %dma_start3A_1067] : memref<6x128x64xf32, #tpu.memory_space<vmem>> -> memref<1x128x64xf32, #tpu.memory_space<vmem>>
        %dma_start3A_1069 = tpu.memref_squeeze %dma_start3A_1068 : memref<1x128x64xf32, #tpu.memory_space<vmem>> -> memref<128x64xf32, #tpu.memory_space<vmem>>
        %dma_start3A_1070 = arith.constant 0 : i32
        %dma_start3A_1071 = tpu.memref_slice %arg2[%add3A_1064, %dma_start3A_1070] : memref<524288x64xf32, #tpu.memory_space<hbm>> -> memref<128x64xf32, #tpu.memory_space<hbm>>
        %dma_start3A_1072 = arith.constant 0 : i32
        %dma_start3A_1073 = arith.constant 0 : i32
        %dma_start3A_1074 = tpu.memref_slice %arg5[%dma_start3A_1065, %dma_start3A_1072, %dma_start3A_1073] : memref<6x128x64xf32, #tpu.memory_space<vmem>> -> memref<1x128x64xf32, #tpu.memory_space<vmem>>
        %dma_start3A_1075 = tpu.memref_squeeze %dma_start3A_1074 : memref<1x128x64xf32, #tpu.memory_space<vmem>> -> memref<128x64xf32, #tpu.memory_space<vmem>>
        %dma_start3A_1076 = arith.constant 0 : i32
        %dma_start3A_1077 = tpu.memref_slice %arg2[%add3A_1064, %dma_start3A_1076] : memref<524288x64xf32, #tpu.memory_space<hbm>> -> memref<128x64xf32, #tpu.memory_space<hbm>>
        tpu.enqueue_dma source(%dma_start3A_1077 : memref<128x64xf32, #tpu.memory_space<hbm>>) target(%dma_start3A_1075 : memref<128x64xf32, #tpu.memory_space<vmem>>) target_semaphore(%arg7 : memref<!tpu.dma_semaphore, #tpu.memory_space<semaphore_mem>>)
      } else {
      }
      %parallel_loop3A_687 = arith.constant 0 : i32
      %parallel_loop3A_688 = arith.constant 128 : i32
      %parallel_loop3A_689 = arith.constant 1 : i32
      scf.for %parallel_loop3A_1013 = %parallel_loop3A_687 to %parallel_loop3A_688 step %parallel_loop3A_689  : i32 {
        %parallel_loop3A_1014 = arith.index_cast %parallel_loop3A_1013 : i32 to index
        %parallel_loop3A_1015 = arith.constant 64 : index
        %parallel_loop3A_1016 = tpu.vector_load %arg6[%parallel_loop3A_1014, %parallel_loop3A_1015] {strides = array<i32>} : memref<128x128xf32, #tpu.memory_space<vmem>>, vector<1x16xf32>,
        %parallel_loop3A_1017 = vector.shape_cast %parallel_loop3A_1016 : vector<1x16xf32> to vector<16xf32>
        %parallel_loop3A_1018 = arith.constant 3 : i32
        %parallel_loop3A_1019 = arith.index_cast %parallel_loop3A_1018 : i32 to index
        %parallel_loop3A_1020 = arith.index_cast %parallel_loop3A_1013 : i32 to index
        %parallel_loop3A_1021 = arith.constant 0 : index
        %parallel_loop3A_1022 = tpu.vector_load %arg5[%parallel_loop3A_1019, %parallel_loop3A_1020, %parallel_loop3A_1021] {strides = array<i32>} : memref<6x128x64xf32, #tpu.memory_space<vmem>>, vector<1x1x16xf32>,
        %parallel_loop3A_1023 = vector.shape_cast %parallel_loop3A_1022 : vector<1x1x16xf32> to vector<16xf32>
        %parallel_loop3A_1024 = vector.shape_cast %parallel_loop3A_1017 : vector<16xf32> to vector<1x1x16xf32>
        tpu.vector_store %arg5[%parallel_loop3A_1019, %parallel_loop3A_1020, %parallel_loop3A_1021], %parallel_loop3A_1024 {add = true, strides = array<i32>} : memref<6x128x64xf32, #tpu.memory_space<vmem>>, vector<1x1x16xf32>,
        %parallel_loop3A_1025 = arith.index_cast %parallel_loop3A_1013 : i32 to index
        %parallel_loop3A_1026 = arith.constant 80 : index
        %parallel_loop3A_1027 = tpu.vector_load %arg6[%parallel_loop3A_1025, %parallel_loop3A_1026] {strides = array<i32>} : memref<128x128xf32, #tpu.memory_space<vmem>>, vector<1x16xf32>,
        %parallel_loop3A_1028 = vector.shape_cast %parallel_loop3A_1027 : vector<1x16xf32> to vector<16xf32>
        %parallel_loop3A_1029 = arith.constant 3 : i32
        %parallel_loop3A_1030 = arith.index_cast %parallel_loop3A_1029 : i32 to index
        %parallel_loop3A_1031 = arith.index_cast %parallel_loop3A_1013 : i32 to index
        %parallel_loop3A_1032 = arith.constant 16 : index
        %parallel_loop3A_1033 = tpu.vector_load %arg5[%parallel_loop3A_1030, %parallel_loop3A_1031, %parallel_loop3A_1032] {strides = array<i32>} : memref<6x128x64xf32, #tpu.memory_space<vmem>>, vector<1x1x16xf32>,
        %parallel_loop3A_1034 = vector.shape_cast %parallel_loop3A_1033 : vector<1x1x16xf32> to vector<16xf32>
        %parallel_loop3A_1035 = vector.shape_cast %parallel_loop3A_1028 : vector<16xf32> to vector<1x1x16xf32>
        tpu.vector_store %arg5[%parallel_loop3A_1030, %parallel_loop3A_1031, %parallel_loop3A_1032], %parallel_loop3A_1035 {add = true, strides = array<i32>} : memref<6x128x64xf32, #tpu.memory_space<vmem>>, vector<1x1x16xf32>,
        %parallel_loop3A_1036 = arith.index_cast %parallel_loop3A_1013 : i32 to index
        %parallel_loop3A_1037 = arith.constant 96 : index
        %parallel_loop3A_1038 = tpu.vector_load %arg6[%parallel_loop3A_1036, %parallel_loop3A_1037] {strides = array<i32>} : memref<128x128xf32, #tpu.memory_space<vmem>>, vector<1x16xf32>,
        %parallel_loop3A_1039 = vector.shape_cast %parallel_loop3A_1038 : vector<1x16xf32> to vector<16xf32>
        %parallel_loop3A_1040 = arith.constant 3 : i32
        %parallel_loop3A_1041 = arith.index_cast %parallel_loop3A_1040 : i32 to index
        %parallel_loop3A_1042 = arith.index_cast %parallel_loop3A_1013 : i32 to index
        %parallel_loop3A_1043 = arith.constant 32 : index
        %parallel_loop3A_1044 = tpu.vector_load %arg5[%parallel_loop3A_1041, %parallel_loop3A_1042, %parallel_loop3A_1043] {strides = array<i32>} : memref<6x128x64xf32, #tpu.memory_space<vmem>>, vector<1x1x16xf32>,
        %parallel_loop3A_1045 = vector.shape_cast %parallel_loop3A_1044 : vector<1x1x16xf32> to vector<16xf32>
        %parallel_loop3A_1046 = vector.shape_cast %parallel_loop3A_1039 : vector<16xf32> to vector<1x1x16xf32>
        tpu.vector_store %arg5[%parallel_loop3A_1041, %parallel_loop3A_1042, %parallel_loop3A_1043], %parallel_loop3A_1046 {add = true, strides = array<i32>} : memref<6x128x64xf32, #tpu.memory_space<vmem>>, vector<1x1x16xf32>,
        %parallel_loop3A_1047 = arith.index_cast %parallel_loop3A_1013 : i32 to index
        %parallel_loop3A_1048 = arith.constant 112 : index
        %parallel_loop3A_1049 = tpu.vector_load %arg6[%parallel_loop3A_1047, %parallel_loop3A_1048] {strides = array<i32>} : memref<128x128xf32, #tpu.memory_space<vmem>>, vector<1x16xf32>,
        %parallel_loop3A_1050 = vector.shape_cast %parallel_loop3A_1049 : vector<1x16xf32> to vector<16xf32>
        %parallel_loop3A_1051 = arith.constant 3 : i32
        %parallel_loop3A_1052 = arith.index_cast %parallel_loop3A_1051 : i32 to index
        %parallel_loop3A_1053 = arith.index_cast %parallel_loop3A_1013 : i32 to index
        %parallel_loop3A_1054 = arith.constant 48 : index
        %parallel_loop3A_1055 = tpu.vector_load %arg5[%parallel_loop3A_1052, %parallel_loop3A_1053, %parallel_loop3A_1054] {strides = array<i32>} : memref<6x128x64xf32, #tpu.memory_space<vmem>>, vector<1x1x16xf32>,
        %parallel_loop3A_1056 = vector.shape_cast %parallel_loop3A_1055 : vector<1x1x16xf32> to vector<16xf32>
        %parallel_loop3A_1057 = vector.shape_cast %parallel_loop3A_1050 : vector<16xf32> to vector<1x1x16xf32>
        tpu.vector_store %arg5[%parallel_loop3A_1052, %parallel_loop3A_1053, %parallel_loop3A_1054], %parallel_loop3A_1057 {add = true, strides = array<i32>} : memref<6x128x64xf32, #tpu.memory_space<vmem>>, vector<1x1x16xf32>,
      } {sc.loop_unroll_factor = 4 : i64, sc.parallel_access}
      %jit3A_690 = arith.constant 2 : i32
      %div3A_691 = arith.divsi %add3A_620, %jit3A_690 : i32
      %sign3A_692 = arith.constant 0 : i32
      %sign3A_693 = arith.cmpi sgt, %add3A_620, %sign3A_692 : i32
      %sign3A_694 = arith.extui %sign3A_693 : i1 to i32
      %sign3A_695 = arith.constant 0 : i32
      %sign3A_696 = arith.cmpi slt, %add3A_620, %sign3A_695 : i32
      %sign3A_697 = arith.extui %sign3A_696 : i1 to i32
      %sign3A_698 = arith.subi %sign3A_694, %sign3A_697 : i32
      %sign3A_699 = arith.constant 0 : i32
      %sign3A_700 = arith.cmpi sgt, %jit3A_690, %sign3A_699 : i32
      %sign3A_701 = arith.extui %sign3A_700 : i1 to i32
      %sign3A_702 = arith.constant 0 : i32
      %sign3A_703 = arith.cmpi slt, %jit3A_690, %sign3A_702 : i32
      %sign3A_704 = arith.extui %sign3A_703 : i1 to i32
      %sign3A_705 = arith.subi %sign3A_701, %sign3A_704 : i32
      %ne3A_706 = arith.cmpi ne, %sign3A_698, %sign3A_705 : i32
      %rem3A_707 = arith.remsi %add3A_620, %jit3A_690 : i32
      %ne3A_708 = arith.constant 0 : i32
      %ne3A_709 = arith.cmpi ne, %rem3A_707, %ne3A_708 : i32
      %and3A_710 = arith.andi %ne3A_706, %ne3A_709 : i1
      %sub3A_711 = arith.constant 1 : i32
      %sub3A_712 = arith.subi %div3A_691, %sub3A_711 : i32
      %select_n3A_713 = arith.select %and3A_710, %sub3A_712, %div3A_691 : i32
      %mul3A_714 = arith.constant 8192 : i32
      %mul3A_715 = arith.muli %select_n3A_713, %mul3A_714 : i32
      %add3A_716 = arith.addi %mul3A_715, %mul3A_2 : i32
      %jit3A_717 = arith.constant 2 : i32
      %eq3A_718 = arith.constant 0 : i32
      %eq3A_719 = arith.cmpi eq, %jit3A_717, %eq3A_718 : i32
      %jit3A_720 = arith.constant 1 : i32
      %select_n3A_721 = arith.select %eq3A_719, %jit3A_720, %jit3A_717 : i32
      %rem3A_722 = arith.remsi %add3A_620, %select_n3A_721 : i32
      %ne3A_723 = arith.constant 0 : i32
      %ne3A_724 = arith.cmpi ne, %rem3A_722, %ne3A_723 : i32
      %lt3A_725 = arith.constant 0 : i32
      %lt3A_726 = arith.cmpi slt, %rem3A_722, %lt3A_725 : i32
      %lt3A_727 = arith.constant 0 : i32
      %lt3A_728 = arith.cmpi slt, %select_n3A_721, %lt3A_727 : i32
      %ne3A_729 = arith.xori %lt3A_726, %lt3A_728 : i1
      %and3A_730 = arith.andi %ne3A_729, %ne3A_724 : i1
      %add3A_731 = arith.addi %rem3A_722, %select_n3A_721 : i32
      %select_n3A_732 = arith.select %and3A_730, %add3A_731, %rem3A_722 : i32
      %mul3A_733 = arith.constant 128 : i32
      %mul3A_734 = arith.muli %select_n3A_732, %mul3A_733 : i32
      %add3A_735 = arith.addi %add3A_716, %mul3A_734 : i32
      %dma_start3A_736 = arith.constant 3 : i32
      %dma_start3A_737 = arith.constant 0 : i32
      %dma_start3A_738 = arith.constant 0 : i32
      %dma_start3A_739 = tpu.memref_slice %arg5[%dma_start3A_736, %dma_start3A_737, %dma_start3A_738] : memref<6x128x64xf32, #tpu.memory_space<vmem>> -> memref<1x128x64xf32, #tpu.memory_space<vmem>>
      %dma_start3A_740 = tpu.memref_squeeze %dma_start3A_739 : memref<1x128x64xf32, #tpu.memory_space<vmem>> -> memref<128x64xf32, #tpu.memory_space<vmem>>
      %dma_start3A_741 = arith.constant 0 : i32
      %dma_start3A_742 = tpu.memref_slice %arg4[%add3A_735, %dma_start3A_741] : memref<524288x64xf32, #tpu.memory_space<hbm>> -> memref<128x64xf32, #tpu.memory_space<hbm>>
      %dma_start3A_743 = arith.constant 0 : i32
      %dma_start3A_744 = tpu.memref_slice %arg4[%add3A_735, %dma_start3A_743] : memref<524288x64xf32, #tpu.memory_space<hbm>> -> memref<128x64xf32, #tpu.memory_space<hbm>>
      %dma_start3A_745 = arith.constant 0 : i32
      %dma_start3A_746 = arith.constant 0 : i32
      %dma_start3A_747 = tpu.memref_slice %arg5[%dma_start3A_736, %dma_start3A_745, %dma_start3A_746] : memref<6x128x64xf32, #tpu.memory_space<vmem>> -> memref<1x128x64xf32, #tpu.memory_space<vmem>>
      %dma_start3A_748 = tpu.memref_squeeze %dma_start3A_747 : memref<1x128x64xf32, #tpu.memory_space<vmem>> -> memref<128x64xf32, #tpu.memory_space<vmem>>
      tpu.enqueue_dma source(%dma_start3A_748 : memref<128x64xf32, #tpu.memory_space<vmem>>) target(%dma_start3A_744 : memref<128x64xf32, #tpu.memory_space<hbm>>) target_semaphore(%arg16 : memref<!tpu.dma_semaphore, #tpu.memory_space<semaphore_mem>>)
      %mul3A_749 = arith.constant 6 : i32
      %mul3A_750 = arith.muli %scan3A_232, %mul3A_749 : i32
      %add3A_751 = arith.constant 4 : i32
      %add3A_752 = arith.addi %mul3A_750, %add3A_751 : i32
      %jit3A_753 = arith.constant 2 : i32
      %div3A_754 = arith.divsi %add3A_752, %jit3A_753 : i32
      %sign3A_755 = arith.constant 0 : i32
      %sign3A_756 = arith.cmpi sgt, %add3A_752, %sign3A_755 : i32
      %sign3A_757 = arith.extui %sign3A_756 : i1 to i32
      %sign3A_758 = arith.constant 0 : i32
      %sign3A_759 = arith.cmpi slt, %add3A_752, %sign3A_758 : i32
      %sign3A_760 = arith.extui %sign3A_759 : i1 to i32
      %sign3A_761 = arith.subi %sign3A_757, %sign3A_760 : i32
      %sign3A_762 = arith.constant 0 : i32
      %sign3A_763 = arith.cmpi sgt, %jit3A_753, %sign3A_762 : i32
      %sign3A_764 = arith.extui %sign3A_763 : i1 to i32
      %sign3A_765 = arith.constant 0 : i32
      %sign3A_766 = arith.cmpi slt, %jit3A_753, %sign3A_765 : i32
      %sign3A_767 = arith.extui %sign3A_766 : i1 to i32
      %sign3A_768 = arith.subi %sign3A_764, %sign3A_767 : i32
      %ne3A_769 = arith.cmpi ne, %sign3A_761, %sign3A_768 : i32
      %rem3A_770 = arith.remsi %add3A_752, %jit3A_753 : i32
      %ne3A_771 = arith.constant 0 : i32
      %ne3A_772 = arith.cmpi ne, %rem3A_770, %ne3A_771 : i32
      %and3A_773 = arith.andi %ne3A_769, %ne3A_772 : i1
      %sub3A_774 = arith.constant 1 : i32
      %sub3A_775 = arith.subi %div3A_754, %sub3A_774 : i32
      %select_n3A_776 = arith.select %and3A_773, %sub3A_775, %div3A_754 : i32
      %mul3A_777 = arith.constant 8192 : i32
      %mul3A_778 = arith.muli %select_n3A_776, %mul3A_777 : i32
      %add3A_779 = arith.addi %mul3A_778, %mul3A_2 : i32
      %jit3A_780 = arith.constant 2 : i32
      %eq3A_781 = arith.constant 0 : i32
      %eq3A_782 = arith.cmpi eq, %jit3A_780, %eq3A_781 : i32
      %jit3A_783 = arith.constant 1 : i32
      %select_n3A_784 = arith.select %eq3A_782, %jit3A_783, %jit3A_780 : i32
      %rem3A_785 = arith.remsi %add3A_752, %select_n3A_784 : i32
      %ne3A_786 = arith.constant 0 : i32
      %ne3A_787 = arith.cmpi ne, %rem3A_785, %ne3A_786 : i32
      %lt3A_788 = arith.constant 0 : i32
      %lt3A_789 = arith.cmpi slt, %rem3A_785, %lt3A_788 : i32
      %lt3A_790 = arith.constant 0 : i32
      %lt3A_791 = arith.cmpi slt, %select_n3A_784, %lt3A_790 : i32
      %ne3A_792 = arith.xori %lt3A_789, %lt3A_791 : i1
      %and3A_793 = arith.andi %ne3A_792, %ne3A_787 : i1
      %add3A_794 = arith.addi %rem3A_785, %select_n3A_784 : i32
      %select_n3A_795 = arith.select %and3A_793, %add3A_794, %rem3A_785 : i32
      %mul3A_796 = arith.constant 128 : i32
      %mul3A_797 = arith.muli %select_n3A_795, %mul3A_796 : i32
      %add3A_798 = arith.addi %add3A_779, %mul3A_797 : i32
      %dma_wait3A_799 = arith.constant 4 : i32
      %dma_wait3A_800 = arith.constant 0 : i32
      %dma_wait3A_801 = arith.constant 0 : i32
      %dma_wait3A_802 = tpu.memref_slice %arg5[%dma_wait3A_799, %dma_wait3A_800, %dma_wait3A_801] : memref<6x128x64xf32, #tpu.memory_space<vmem>> -> memref<1x128x64xf32, #tpu.memory_space<vmem>>
      %dma_wait3A_803 = tpu.memref_squeeze %dma_wait3A_802 : memref<1x128x64xf32, #tpu.memory_space<vmem>> -> memref<128x64xf32, #tpu.memory_space<vmem>>
      %dma_wait3A_804 = arith.constant 0 : i32
      %dma_wait3A_805 = tpu.memref_slice %arg2[%add3A_798, %dma_wait3A_804] : memref<524288x64xf32, #tpu.memory_space<hbm>> -> memref<128x64xf32, #tpu.memory_space<hbm>>
      %dma_wait3A_806 = arith.constant 0 : i32
      %dma_wait3A_807 = arith.constant 0 : i32
      %dma_wait3A_808 = tpu.memref_slice %arg5[%dma_wait3A_799, %dma_wait3A_806, %dma_wait3A_807] : memref<6x128x64xf32, #tpu.memory_space<vmem>> -> memref<1x128x64xf32, #tpu.memory_space<vmem>>
      %dma_wait3A_809 = tpu.memref_squeeze %dma_wait3A_808 : memref<1x128x64xf32, #tpu.memory_space<vmem>> -> memref<128x64xf32, #tpu.memory_space<vmem>>
      %dma_wait3A_810 = arith.constant 0 : i32
      %dma_wait3A_811 = tpu.memref_slice %arg2[%add3A_798, %dma_wait3A_810] : memref<524288x64xf32, #tpu.memory_space<hbm>> -> memref<128x64xf32, #tpu.memory_space<hbm>>
      tpu.wait_dma2 semaphore(%arg11 : memref<!tpu.dma_semaphore, #tpu.memory_space<semaphore_mem>>) src(%dma_wait3A_811 : memref<128x64xf32, #tpu.memory_space<hbm>>) dst(%dma_wait3A_809 : memref<128x64xf32, #tpu.memory_space<vmem>>)
      %add3A_812 = arith.constant 3 : i32
      %add3A_813 = arith.addi %add3A_752, %add3A_812 : i32
      %lt3A_814 = arith.constant 128 : i32
      %lt3A_815 = arith.cmpi slt, %add3A_813, %lt3A_814 : i32
      %convert_element_type3A_816 = arith.extui %lt3A_815 : i1 to i32
      %cond3A_817 = arith.constant 0 : i32
      %cond3A_818 = arith.cmpi ne, %convert_element_type3A_816, %cond3A_817 : i32
      scf.if %cond3A_818 {
        %ge3A = arith.constant 3 : i32
        %ge3A_1013 = arith.cmpi sge, %add3A_752, %ge3A : i32
        %convert_element_type3A_1014 = arith.extui %ge3A_1013 : i1 to i32
        %cond3A_1015 = arith.constant 0 : i32
        %cond3A_1016 = arith.cmpi ne, %convert_element_type3A_1014, %cond3A_1015 : i32
        scf.if %cond3A_1016 {
          %sub3A_1078 = arith.constant 3 : i32
          %sub3A_1079 = arith.subi %add3A_752, %sub3A_1078 : i32
          %jit3A_1080 = arith.constant 2 : i32
          %div3A_1081 = arith.divsi %sub3A_1079, %jit3A_1080 : i32
          %sign3A_1082 = arith.constant 0 : i32
          %sign3A_1083 = arith.cmpi sgt, %sub3A_1079, %sign3A_1082 : i32
          %sign3A_1084 = arith.extui %sign3A_1083 : i1 to i32
          %sign3A_1085 = arith.constant 0 : i32
          %sign3A_1086 = arith.cmpi slt, %sub3A_1079, %sign3A_1085 : i32
          %sign3A_1087 = arith.extui %sign3A_1086 : i1 to i32
          %sign3A_1088 = arith.subi %sign3A_1084, %sign3A_1087 : i32
          %sign3A_1089 = arith.constant 0 : i32
          %sign3A_1090 = arith.cmpi sgt, %jit3A_1080, %sign3A_1089 : i32
          %sign3A_1091 = arith.extui %sign3A_1090 : i1 to i32
          %sign3A_1092 = arith.constant 0 : i32
          %sign3A_1093 = arith.cmpi slt, %jit3A_1080, %sign3A_1092 : i32
          %sign3A_1094 = arith.extui %sign3A_1093 : i1 to i32
          %sign3A_1095 = arith.subi %sign3A_1091, %sign3A_1094 : i32
          %ne3A_1096 = arith.cmpi ne, %sign3A_1088, %sign3A_1095 : i32
          %rem3A_1097 = arith.remsi %sub3A_1079, %jit3A_1080 : i32
          %ne3A_1098 = arith.constant 0 : i32
          %ne3A_1099 = arith.cmpi ne, %rem3A_1097, %ne3A_1098 : i32
          %and3A_1100 = arith.andi %ne3A_1096, %ne3A_1099 : i1
          %sub3A_1101 = arith.constant 1 : i32
          %sub3A_1102 = arith.subi %div3A_1081, %sub3A_1101 : i32
          %select_n3A_1103 = arith.select %and3A_1100, %sub3A_1102, %div3A_1081 : i32
          %mul3A_1104 = arith.constant 8192 : i32
          %mul3A_1105 = arith.muli %select_n3A_1103, %mul3A_1104 : i32
          %add3A_1106 = arith.addi %mul3A_1105, %mul3A_2 : i32
          %jit3A_1107 = arith.constant 2 : i32
          %eq3A_1108 = arith.constant 0 : i32
          %eq3A_1109 = arith.cmpi eq, %jit3A_1107, %eq3A_1108 : i32
          %jit3A_1110 = arith.constant 1 : i32
          %select_n3A_1111 = arith.select %eq3A_1109, %jit3A_1110, %jit3A_1107 : i32
          %rem3A_1112 = arith.remsi %sub3A_1079, %select_n3A_1111 : i32
          %ne3A_1113 = arith.constant 0 : i32
          %ne3A_1114 = arith.cmpi ne, %rem3A_1112, %ne3A_1113 : i32
          %lt3A_1115 = arith.constant 0 : i32
          %lt3A_1116 = arith.cmpi slt, %rem3A_1112, %lt3A_1115 : i32
          %lt3A_1117 = arith.constant 0 : i32
          %lt3A_1118 = arith.cmpi slt, %select_n3A_1111, %lt3A_1117 : i32
          %ne3A_1119 = arith.xori %lt3A_1116, %lt3A_1118 : i1
          %and3A_1120 = arith.andi %ne3A_1119, %ne3A_1114 : i1
          %add3A_1121 = arith.addi %rem3A_1112, %select_n3A_1111 : i32
          %select_n3A_1122 = arith.select %and3A_1120, %add3A_1121, %rem3A_1112 : i32
          %mul3A_1123 = arith.constant 128 : i32
          %mul3A_1124 = arith.muli %select_n3A_1122, %mul3A_1123 : i32
          %add3A_1125 = arith.addi %add3A_1106, %mul3A_1124 : i32
          %dma_wait3A_1126 = arith.constant 1 : i32
          %dma_wait3A_1127 = arith.constant 0 : i32
          %dma_wait3A_1128 = arith.constant 0 : i32
          %dma_wait3A_1129 = tpu.memref_slice %arg5[%dma_wait3A_1126, %dma_wait3A_1127, %dma_wait3A_1128] : memref<6x128x64xf32, #tpu.memory_space<vmem>> -> memref<1x128x64xf32, #tpu.memory_space<vmem>>
          %dma_wait3A_1130 = tpu.memref_squeeze %dma_wait3A_1129 : memref<1x128x64xf32, #tpu.memory_space<vmem>> -> memref<128x64xf32, #tpu.memory_space<vmem>>
          %dma_wait3A_1131 = arith.constant 0 : i32
          %dma_wait3A_1132 = tpu.memref_slice %arg4[%add3A_1125, %dma_wait3A_1131] : memref<524288x64xf32, #tpu.memory_space<hbm>> -> memref<128x64xf32, #tpu.memory_space<hbm>>
          %dma_wait3A_1133 = arith.constant 0 : i32
          %dma_wait3A_1134 = tpu.memref_slice %arg4[%add3A_1125, %dma_wait3A_1133] : memref<524288x64xf32, #tpu.memory_space<hbm>> -> memref<128x64xf32, #tpu.memory_space<hbm>>
          %dma_wait3A_1135 = arith.constant 0 : i32
          %dma_wait3A_1136 = arith.constant 0 : i32
          %dma_wait3A_1137 = tpu.memref_slice %arg5[%dma_wait3A_1126, %dma_wait3A_1135, %dma_wait3A_1136] : memref<6x128x64xf32, #tpu.memory_space<vmem>> -> memref<1x128x64xf32, #tpu.memory_space<vmem>>
          %dma_wait3A_1138 = tpu.memref_squeeze %dma_wait3A_1137 : memref<1x128x64xf32, #tpu.memory_space<vmem>> -> memref<128x64xf32, #tpu.memory_space<vmem>>
          tpu.wait_dma2 semaphore(%arg14 : memref<!tpu.dma_semaphore, #tpu.memory_space<semaphore_mem>>) src(%dma_wait3A_1138 : memref<128x64xf32, #tpu.memory_space<vmem>>) dst(%dma_wait3A_1134 : memref<128x64xf32, #tpu.memory_space<hbm>>)
        } else {
        }
        %add3A_1017 = arith.constant 3 : i32
        %add3A_1018 = arith.addi %add3A_752, %add3A_1017 : i32
        %jit3A_1019 = arith.constant 2 : i32
        %div3A_1020 = arith.divsi %add3A_1018, %jit3A_1019 : i32
        %sign3A_1021 = arith.constant 0 : i32
        %sign3A_1022 = arith.cmpi sgt, %add3A_1018, %sign3A_1021 : i32
        %sign3A_1023 = arith.extui %sign3A_1022 : i1 to i32
        %sign3A_1024 = arith.constant 0 : i32
        %sign3A_1025 = arith.cmpi slt, %add3A_1018, %sign3A_1024 : i32
        %sign3A_1026 = arith.extui %sign3A_1025 : i1 to i32
        %sign3A_1027 = arith.subi %sign3A_1023, %sign3A_1026 : i32
        %sign3A_1028 = arith.constant 0 : i32
        %sign3A_1029 = arith.cmpi sgt, %jit3A_1019, %sign3A_1028 : i32
        %sign3A_1030 = arith.extui %sign3A_1029 : i1 to i32
        %sign3A_1031 = arith.constant 0 : i32
        %sign3A_1032 = arith.cmpi slt, %jit3A_1019, %sign3A_1031 : i32
        %sign3A_1033 = arith.extui %sign3A_1032 : i1 to i32
        %sign3A_1034 = arith.subi %sign3A_1030, %sign3A_1033 : i32
        %ne3A_1035 = arith.cmpi ne, %sign3A_1027, %sign3A_1034 : i32
        %rem3A_1036 = arith.remsi %add3A_1018, %jit3A_1019 : i32
        %ne3A_1037 = arith.constant 0 : i32
        %ne3A_1038 = arith.cmpi ne, %rem3A_1036, %ne3A_1037 : i32
        %and3A_1039 = arith.andi %ne3A_1035, %ne3A_1038 : i1
        %sub3A_1040 = arith.constant 1 : i32
        %sub3A_1041 = arith.subi %div3A_1020, %sub3A_1040 : i32
        %select_n3A_1042 = arith.select %and3A_1039, %sub3A_1041, %div3A_1020 : i32
        %mul3A_1043 = arith.constant 8192 : i32
        %mul3A_1044 = arith.muli %select_n3A_1042, %mul3A_1043 : i32
        %add3A_1045 = arith.addi %mul3A_1044, %mul3A_2 : i32
        %jit3A_1046 = arith.constant 2 : i32
        %eq3A_1047 = arith.constant 0 : i32
        %eq3A_1048 = arith.cmpi eq, %jit3A_1046, %eq3A_1047 : i32
        %jit3A_1049 = arith.constant 1 : i32
        %select_n3A_1050 = arith.select %eq3A_1048, %jit3A_1049, %jit3A_1046 : i32
        %rem3A_1051 = arith.remsi %add3A_1018, %select_n3A_1050 : i32
        %ne3A_1052 = arith.constant 0 : i32
        %ne3A_1053 = arith.cmpi ne, %rem3A_1051, %ne3A_1052 : i32
        %lt3A_1054 = arith.constant 0 : i32
        %lt3A_1055 = arith.cmpi slt, %rem3A_1051, %lt3A_1054 : i32
        %lt3A_1056 = arith.constant 0 : i32
        %lt3A_1057 = arith.cmpi slt, %select_n3A_1050, %lt3A_1056 : i32
        %ne3A_1058 = arith.xori %lt3A_1055, %lt3A_1057 : i1
        %and3A_1059 = arith.andi %ne3A_1058, %ne3A_1053 : i1
        %add3A_1060 = arith.addi %rem3A_1051, %select_n3A_1050 : i32
        %select_n3A_1061 = arith.select %and3A_1059, %add3A_1060, %rem3A_1051 : i32
        %mul3A_1062 = arith.constant 128 : i32
        %mul3A_1063 = arith.muli %select_n3A_1061, %mul3A_1062 : i32
        %add3A_1064 = arith.addi %add3A_1045, %mul3A_1063 : i32
        %dma_start3A_1065 = arith.constant 1 : i32
        %dma_start3A_1066 = arith.constant 0 : i32
        %dma_start3A_1067 = arith.constant 0 : i32
        %dma_start3A_1068 = tpu.memref_slice %arg5[%dma_start3A_1065, %dma_start3A_1066, %dma_start3A_1067] : memref<6x128x64xf32, #tpu.memory_space<vmem>> -> memref<1x128x64xf32, #tpu.memory_space<vmem>>
        %dma_start3A_1069 = tpu.memref_squeeze %dma_start3A_1068 : memref<1x128x64xf32, #tpu.memory_space<vmem>> -> memref<128x64xf32, #tpu.memory_space<vmem>>
        %dma_start3A_1070 = arith.constant 0 : i32
        %dma_start3A_1071 = tpu.memref_slice %arg2[%add3A_1064, %dma_start3A_1070] : memref<524288x64xf32, #tpu.memory_space<hbm>> -> memref<128x64xf32, #tpu.memory_space<hbm>>
        %dma_start3A_1072 = arith.constant 0 : i32
        %dma_start3A_1073 = arith.constant 0 : i32
        %dma_start3A_1074 = tpu.memref_slice %arg5[%dma_start3A_1065, %dma_start3A_1072, %dma_start3A_1073] : memref<6x128x64xf32, #tpu.memory_space<vmem>> -> memref<1x128x64xf32, #tpu.memory_space<vmem>>
        %dma_start3A_1075 = tpu.memref_squeeze %dma_start3A_1074 : memref<1x128x64xf32, #tpu.memory_space<vmem>> -> memref<128x64xf32, #tpu.memory_space<vmem>>
        %dma_start3A_1076 = arith.constant 0 : i32
        %dma_start3A_1077 = tpu.memref_slice %arg2[%add3A_1064, %dma_start3A_1076] : memref<524288x64xf32, #tpu.memory_space<hbm>> -> memref<128x64xf32, #tpu.memory_space<hbm>>
        tpu.enqueue_dma source(%dma_start3A_1077 : memref<128x64xf32, #tpu.memory_space<hbm>>) target(%dma_start3A_1075 : memref<128x64xf32, #tpu.memory_space<vmem>>) target_semaphore(%arg8 : memref<!tpu.dma_semaphore, #tpu.memory_space<semaphore_mem>>)
      } else {
      }
      %parallel_loop3A_819 = arith.constant 0 : i32
      %parallel_loop3A_820 = arith.constant 128 : i32
      %parallel_loop3A_821 = arith.constant 1 : i32
      scf.for %parallel_loop3A_1013 = %parallel_loop3A_819 to %parallel_loop3A_820 step %parallel_loop3A_821  : i32 {
        %parallel_loop3A_1014 = arith.index_cast %parallel_loop3A_1013 : i32 to index
        %parallel_loop3A_1015 = arith.constant 0 : index
        %parallel_loop3A_1016 = tpu.vector_load %arg6[%parallel_loop3A_1014, %parallel_loop3A_1015] {strides = array<i32>} : memref<128x128xf32, #tpu.memory_space<vmem>>, vector<1x16xf32>,
        %parallel_loop3A_1017 = vector.shape_cast %parallel_loop3A_1016 : vector<1x16xf32> to vector<16xf32>
        %parallel_loop3A_1018 = arith.constant 4 : i32
        %parallel_loop3A_1019 = arith.index_cast %parallel_loop3A_1018 : i32 to index
        %parallel_loop3A_1020 = arith.index_cast %parallel_loop3A_1013 : i32 to index
        %parallel_loop3A_1021 = arith.constant 0 : index
        %parallel_loop3A_1022 = tpu.vector_load %arg5[%parallel_loop3A_1019, %parallel_loop3A_1020, %parallel_loop3A_1021] {strides = array<i32>} : memref<6x128x64xf32, #tpu.memory_space<vmem>>, vector<1x1x16xf32>,
        %parallel_loop3A_1023 = vector.shape_cast %parallel_loop3A_1022 : vector<1x1x16xf32> to vector<16xf32>
        %parallel_loop3A_1024 = vector.shape_cast %parallel_loop3A_1017 : vector<16xf32> to vector<1x1x16xf32>
        tpu.vector_store %arg5[%parallel_loop3A_1019, %parallel_loop3A_1020, %parallel_loop3A_1021], %parallel_loop3A_1024 {add = true, strides = array<i32>} : memref<6x128x64xf32, #tpu.memory_space<vmem>>, vector<1x1x16xf32>,
        %parallel_loop3A_1025 = arith.index_cast %parallel_loop3A_1013 : i32 to index
        %parallel_loop3A_1026 = arith.constant 16 : index
        %parallel_loop3A_1027 = tpu.vector_load %arg6[%parallel_loop3A_1025, %parallel_loop3A_1026] {strides = array<i32>} : memref<128x128xf32, #tpu.memory_space<vmem>>, vector<1x16xf32>,
        %parallel_loop3A_1028 = vector.shape_cast %parallel_loop3A_1027 : vector<1x16xf32> to vector<16xf32>
        %parallel_loop3A_1029 = arith.constant 4 : i32
        %parallel_loop3A_1030 = arith.index_cast %parallel_loop3A_1029 : i32 to index
        %parallel_loop3A_1031 = arith.index_cast %parallel_loop3A_1013 : i32 to index
        %parallel_loop3A_1032 = arith.constant 16 : index
        %parallel_loop3A_1033 = tpu.vector_load %arg5[%parallel_loop3A_1030, %parallel_loop3A_1031, %parallel_loop3A_1032] {strides = array<i32>} : memref<6x128x64xf32, #tpu.memory_space<vmem>>, vector<1x1x16xf32>,
        %parallel_loop3A_1034 = vector.shape_cast %parallel_loop3A_1033 : vector<1x1x16xf32> to vector<16xf32>
        %parallel_loop3A_1035 = vector.shape_cast %parallel_loop3A_1028 : vector<16xf32> to vector<1x1x16xf32>
        tpu.vector_store %arg5[%parallel_loop3A_1030, %parallel_loop3A_1031, %parallel_loop3A_1032], %parallel_loop3A_1035 {add = true, strides = array<i32>} : memref<6x128x64xf32, #tpu.memory_space<vmem>>, vector<1x1x16xf32>,
        %parallel_loop3A_1036 = arith.index_cast %parallel_loop3A_1013 : i32 to index
        %parallel_loop3A_1037 = arith.constant 32 : index
        %parallel_loop3A_1038 = tpu.vector_load %arg6[%parallel_loop3A_1036, %parallel_loop3A_1037] {strides = array<i32>} : memref<128x128xf32, #tpu.memory_space<vmem>>, vector<1x16xf32>,
        %parallel_loop3A_1039 = vector.shape_cast %parallel_loop3A_1038 : vector<1x16xf32> to vector<16xf32>
        %parallel_loop3A_1040 = arith.constant 4 : i32
        %parallel_loop3A_1041 = arith.index_cast %parallel_loop3A_1040 : i32 to index
        %parallel_loop3A_1042 = arith.index_cast %parallel_loop3A_1013 : i32 to index
        %parallel_loop3A_1043 = arith.constant 32 : index
        %parallel_loop3A_1044 = tpu.vector_load %arg5[%parallel_loop3A_1041, %parallel_loop3A_1042, %parallel_loop3A_1043] {strides = array<i32>} : memref<6x128x64xf32, #tpu.memory_space<vmem>>, vector<1x1x16xf32>,
        %parallel_loop3A_1045 = vector.shape_cast %parallel_loop3A_1044 : vector<1x1x16xf32> to vector<16xf32>
        %parallel_loop3A_1046 = vector.shape_cast %parallel_loop3A_1039 : vector<16xf32> to vector<1x1x16xf32>
        tpu.vector_store %arg5[%parallel_loop3A_1041, %parallel_loop3A_1042, %parallel_loop3A_1043], %parallel_loop3A_1046 {add = true, strides = array<i32>} : memref<6x128x64xf32, #tpu.memory_space<vmem>>, vector<1x1x16xf32>,
        %parallel_loop3A_1047 = arith.index_cast %parallel_loop3A_1013 : i32 to index
        %parallel_loop3A_1048 = arith.constant 48 : index
        %parallel_loop3A_1049 = tpu.vector_load %arg6[%parallel_loop3A_1047, %parallel_loop3A_1048] {strides = array<i32>} : memref<128x128xf32, #tpu.memory_space<vmem>>, vector<1x16xf32>,
        %parallel_loop3A_1050 = vector.shape_cast %parallel_loop3A_1049 : vector<1x16xf32> to vector<16xf32>
        %parallel_loop3A_1051 = arith.constant 4 : i32
        %parallel_loop3A_1052 = arith.index_cast %parallel_loop3A_1051 : i32 to index
        %parallel_loop3A_1053 = arith.index_cast %parallel_loop3A_1013 : i32 to index
        %parallel_loop3A_1054 = arith.constant 48 : index
        %parallel_loop3A_1055 = tpu.vector_load %arg5[%parallel_loop3A_1052, %parallel_loop3A_1053, %parallel_loop3A_1054] {strides = array<i32>} : memref<6x128x64xf32, #tpu.memory_space<vmem>>, vector<1x1x16xf32>,
        %parallel_loop3A_1056 = vector.shape_cast %parallel_loop3A_1055 : vector<1x1x16xf32> to vector<16xf32>
        %parallel_loop3A_1057 = vector.shape_cast %parallel_loop3A_1050 : vector<16xf32> to vector<1x1x16xf32>
        tpu.vector_store %arg5[%parallel_loop3A_1052, %parallel_loop3A_1053, %parallel_loop3A_1054], %parallel_loop3A_1057 {add = true, strides = array<i32>} : memref<6x128x64xf32, #tpu.memory_space<vmem>>, vector<1x1x16xf32>,
      } {sc.loop_unroll_factor = 4 : i64, sc.parallel_access}
      %jit3A_822 = arith.constant 2 : i32
      %div3A_823 = arith.divsi %add3A_752, %jit3A_822 : i32
      %sign3A_824 = arith.constant 0 : i32
      %sign3A_825 = arith.cmpi sgt, %add3A_752, %sign3A_824 : i32
      %sign3A_826 = arith.extui %sign3A_825 : i1 to i32
      %sign3A_827 = arith.constant 0 : i32
      %sign3A_828 = arith.cmpi slt, %add3A_752, %sign3A_827 : i32
      %sign3A_829 = arith.extui %sign3A_828 : i1 to i32
      %sign3A_830 = arith.subi %sign3A_826, %sign3A_829 : i32
      %sign3A_831 = arith.constant 0 : i32
      %sign3A_832 = arith.cmpi sgt, %jit3A_822, %sign3A_831 : i32
      %sign3A_833 = arith.extui %sign3A_832 : i1 to i32
      %sign3A_834 = arith.constant 0 : i32
      %sign3A_835 = arith.cmpi slt, %jit3A_822, %sign3A_834 : i32
      %sign3A_836 = arith.extui %sign3A_835 : i1 to i32
      %sign3A_837 = arith.subi %sign3A_833, %sign3A_836 : i32
      %ne3A_838 = arith.cmpi ne, %sign3A_830, %sign3A_837 : i32
      %rem3A_839 = arith.remsi %add3A_752, %jit3A_822 : i32
      %ne3A_840 = arith.constant 0 : i32
      %ne3A_841 = arith.cmpi ne, %rem3A_839, %ne3A_840 : i32
      %and3A_842 = arith.andi %ne3A_838, %ne3A_841 : i1
      %sub3A_843 = arith.constant 1 : i32
      %sub3A_844 = arith.subi %div3A_823, %sub3A_843 : i32
      %select_n3A_845 = arith.select %and3A_842, %sub3A_844, %div3A_823 : i32
      %mul3A_846 = arith.constant 8192 : i32
      %mul3A_847 = arith.muli %select_n3A_845, %mul3A_846 : i32
      %add3A_848 = arith.addi %mul3A_847, %mul3A_2 : i32
      %jit3A_849 = arith.constant 2 : i32
      %eq3A_850 = arith.constant 0 : i32
      %eq3A_851 = arith.cmpi eq, %jit3A_849, %eq3A_850 : i32
      %jit3A_852 = arith.constant 1 : i32
      %select_n3A_853 = arith.select %eq3A_851, %jit3A_852, %jit3A_849 : i32
      %rem3A_854 = arith.remsi %add3A_752, %select_n3A_853 : i32
      %ne3A_855 = arith.constant 0 : i32
      %ne3A_856 = arith.cmpi ne, %rem3A_854, %ne3A_855 : i32
      %lt3A_857 = arith.constant 0 : i32
      %lt3A_858 = arith.cmpi slt, %rem3A_854, %lt3A_857 : i32
      %lt3A_859 = arith.constant 0 : i32
      %lt3A_860 = arith.cmpi slt, %select_n3A_853, %lt3A_859 : i32
      %ne3A_861 = arith.xori %lt3A_858, %lt3A_860 : i1
      %and3A_862 = arith.andi %ne3A_861, %ne3A_856 : i1
      %add3A_863 = arith.addi %rem3A_854, %select_n3A_853 : i32
      %select_n3A_864 = arith.select %and3A_862, %add3A_863, %rem3A_854 : i32
      %mul3A_865 = arith.constant 128 : i32
      %mul3A_866 = arith.muli %select_n3A_864, %mul3A_865 : i32
      %add3A_867 = arith.addi %add3A_848, %mul3A_866 : i32
      %dma_start3A_868 = arith.constant 4 : i32
      %dma_start3A_869 = arith.constant 0 : i32
      %dma_start3A_870 = arith.constant 0 : i32
      %dma_start3A_871 = tpu.memref_slice %arg5[%dma_start3A_868, %dma_start3A_869, %dma_start3A_870] : memref<6x128x64xf32, #tpu.memory_space<vmem>> -> memref<1x128x64xf32, #tpu.memory_space<vmem>>
      %dma_start3A_872 = tpu.memref_squeeze %dma_start3A_871 : memref<1x128x64xf32, #tpu.memory_space<vmem>> -> memref<128x64xf32, #tpu.memory_space<vmem>>
      %dma_start3A_873 = arith.constant 0 : i32
      %dma_start3A_874 = tpu.memref_slice %arg4[%add3A_867, %dma_start3A_873] : memref<524288x64xf32, #tpu.memory_space<hbm>> -> memref<128x64xf32, #tpu.memory_space<hbm>>
      %dma_start3A_875 = arith.constant 0 : i32
      %dma_start3A_876 = tpu.memref_slice %arg4[%add3A_867, %dma_start3A_875] : memref<524288x64xf32, #tpu.memory_space<hbm>> -> memref<128x64xf32, #tpu.memory_space<hbm>>
      %dma_start3A_877 = arith.constant 0 : i32
      %dma_start3A_878 = arith.constant 0 : i32
      %dma_start3A_879 = tpu.memref_slice %arg5[%dma_start3A_868, %dma_start3A_877, %dma_start3A_878] : memref<6x128x64xf32, #tpu.memory_space<vmem>> -> memref<1x128x64xf32, #tpu.memory_space<vmem>>
      %dma_start3A_880 = tpu.memref_squeeze %dma_start3A_879 : memref<1x128x64xf32, #tpu.memory_space<vmem>> -> memref<128x64xf32, #tpu.memory_space<vmem>>
      tpu.enqueue_dma source(%dma_start3A_880 : memref<128x64xf32, #tpu.memory_space<vmem>>) target(%dma_start3A_876 : memref<128x64xf32, #tpu.memory_space<hbm>>) target_semaphore(%arg17 : memref<!tpu.dma_semaphore, #tpu.memory_space<semaphore_mem>>)
      %mul3A_881 = arith.constant 6 : i32
      %mul3A_882 = arith.muli %scan3A_232, %mul3A_881 : i32
      %add3A_883 = arith.constant 5 : i32
      %add3A_884 = arith.addi %mul3A_882, %add3A_883 : i32
      %jit3A_885 = arith.constant 2 : i32
      %div3A_886 = arith.divsi %add3A_884, %jit3A_885 : i32
      %sign3A_887 = arith.constant 0 : i32
      %sign3A_888 = arith.cmpi sgt, %add3A_884, %sign3A_887 : i32
      %sign3A_889 = arith.extui %sign3A_888 : i1 to i32
      %sign3A_890 = arith.constant 0 : i32
      %sign3A_891 = arith.cmpi slt, %add3A_884, %sign3A_890 : i32
      %sign3A_892 = arith.extui %sign3A_891 : i1 to i32
      %sign3A_893 = arith.subi %sign3A_889, %sign3A_892 : i32
      %sign3A_894 = arith.constant 0 : i32
      %sign3A_895 = arith.cmpi sgt, %jit3A_885, %sign3A_894 : i32
      %sign3A_896 = arith.extui %sign3A_895 : i1 to i32
      %sign3A_897 = arith.constant 0 : i32
      %sign3A_898 = arith.cmpi slt, %jit3A_885, %sign3A_897 : i32
      %sign3A_899 = arith.extui %sign3A_898 : i1 to i32
      %sign3A_900 = arith.subi %sign3A_896, %sign3A_899 : i32
      %ne3A_901 = arith.cmpi ne, %sign3A_893, %sign3A_900 : i32
      %rem3A_902 = arith.remsi %add3A_884, %jit3A_885 : i32
      %ne3A_903 = arith.constant 0 : i32
      %ne3A_904 = arith.cmpi ne, %rem3A_902, %ne3A_903 : i32
      %and3A_905 = arith.andi %ne3A_901, %ne3A_904 : i1
      %sub3A_906 = arith.constant 1 : i32
      %sub3A_907 = arith.subi %div3A_886, %sub3A_906 : i32
      %select_n3A_908 = arith.select %and3A_905, %sub3A_907, %div3A_886 : i32
      %mul3A_909 = arith.constant 8192 : i32
      %mul3A_910 = arith.muli %select_n3A_908, %mul3A_909 : i32
      %add3A_911 = arith.addi %mul3A_910, %mul3A_2 : i32
      %jit3A_912 = arith.constant 2 : i32
      %eq3A_913 = arith.constant 0 : i32
      %eq3A_914 = arith.cmpi eq, %jit3A_912, %eq3A_913 : i32
      %jit3A_915 = arith.constant 1 : i32
      %select_n3A_916 = arith.select %eq3A_914, %jit3A_915, %jit3A_912 : i32
      %rem3A_917 = arith.remsi %add3A_884, %select_n3A_916 : i32
      %ne3A_918 = arith.constant 0 : i32
      %ne3A_919 = arith.cmpi ne, %rem3A_917, %ne3A_918 : i32
      %lt3A_920 = arith.constant 0 : i32
      %lt3A_921 = arith.cmpi slt, %rem3A_917, %lt3A_920 : i32
      %lt3A_922 = arith.constant 0 : i32
      %lt3A_923 = arith.cmpi slt, %select_n3A_916, %lt3A_922 : i32
      %ne3A_924 = arith.xori %lt3A_921, %lt3A_923 : i1
      %and3A_925 = arith.andi %ne3A_924, %ne3A_919 : i1
      %add3A_926 = arith.addi %rem3A_917, %select_n3A_916 : i32
      %select_n3A_927 = arith.select %and3A_925, %add3A_926, %rem3A_917 : i32
      %mul3A_928 = arith.constant 128 : i32
      %mul3A_929 = arith.muli %select_n3A_927, %mul3A_928 : i32
      %add3A_930 = arith.addi %add3A_911, %mul3A_929 : i32
      %dma_wait3A_931 = arith.constant 5 : i32
      %dma_wait3A_932 = arith.constant 0 : i32
      %dma_wait3A_933 = arith.constant 0 : i32
      %dma_wait3A_934 = tpu.memref_slice %arg5[%dma_wait3A_931, %dma_wait3A_932, %dma_wait3A_933] : memref<6x128x64xf32, #tpu.memory_space<vmem>> -> memref<1x128x64xf32, #tpu.memory_space<vmem>>
      %dma_wait3A_935 = tpu.memref_squeeze %dma_wait3A_934 : memref<1x128x64xf32, #tpu.memory_space<vmem>> -> memref<128x64xf32, #tpu.memory_space<vmem>>
      %dma_wait3A_936 = arith.constant 0 : i32
      %dma_wait3A_937 = tpu.memref_slice %arg2[%add3A_930, %dma_wait3A_936] : memref<524288x64xf32, #tpu.memory_space<hbm>> -> memref<128x64xf32, #tpu.memory_space<hbm>>
      %dma_wait3A_938 = arith.constant 0 : i32
      %dma_wait3A_939 = arith.constant 0 : i32
      %dma_wait3A_940 = tpu.memref_slice %arg5[%dma_wait3A_931, %dma_wait3A_938, %dma_wait3A_939] : memref<6x128x64xf32, #tpu.memory_space<vmem>> -> memref<1x128x64xf32, #tpu.memory_space<vmem>>
      %dma_wait3A_941 = tpu.memref_squeeze %dma_wait3A_940 : memref<1x128x64xf32, #tpu.memory_space<vmem>> -> memref<128x64xf32, #tpu.memory_space<vmem>>
      %dma_wait3A_942 = arith.constant 0 : i32
      %dma_wait3A_943 = tpu.memref_slice %arg2[%add3A_930, %dma_wait3A_942] : memref<524288x64xf32, #tpu.memory_space<hbm>> -> memref<128x64xf32, #tpu.memory_space<hbm>>
      tpu.wait_dma2 semaphore(%arg12 : memref<!tpu.dma_semaphore, #tpu.memory_space<semaphore_mem>>) src(%dma_wait3A_943 : memref<128x64xf32, #tpu.memory_space<hbm>>) dst(%dma_wait3A_941 : memref<128x64xf32, #tpu.memory_space<vmem>>)
      %add3A_944 = arith.constant 3 : i32
      %add3A_945 = arith.addi %add3A_884, %add3A_944 : i32
      %lt3A_946 = arith.constant 128 : i32
      %lt3A_947 = arith.cmpi slt, %add3A_945, %lt3A_946 : i32
      %convert_element_type3A_948 = arith.extui %lt3A_947 : i1 to i32
      %cond3A_949 = arith.constant 0 : i32
      %cond3A_950 = arith.cmpi ne, %convert_element_type3A_948, %cond3A_949 : i32
      scf.if %cond3A_950 {
        %ge3A = arith.constant 3 : i32
        %ge3A_1013 = arith.cmpi sge, %add3A_884, %ge3A : i32
        %convert_element_type3A_1014 = arith.extui %ge3A_1013 : i1 to i32
        %cond3A_1015 = arith.constant 0 : i32
        %cond3A_1016 = arith.cmpi ne, %convert_element_type3A_1014, %cond3A_1015 : i32
        scf.if %cond3A_1016 {
          %sub3A_1078 = arith.constant 3 : i32
          %sub3A_1079 = arith.subi %add3A_884, %sub3A_1078 : i32
          %jit3A_1080 = arith.constant 2 : i32
          %div3A_1081 = arith.divsi %sub3A_1079, %jit3A_1080 : i32
          %sign3A_1082 = arith.constant 0 : i32
          %sign3A_1083 = arith.cmpi sgt, %sub3A_1079, %sign3A_1082 : i32
          %sign3A_1084 = arith.extui %sign3A_1083 : i1 to i32
          %sign3A_1085 = arith.constant 0 : i32
          %sign3A_1086 = arith.cmpi slt, %sub3A_1079, %sign3A_1085 : i32
          %sign3A_1087 = arith.extui %sign3A_1086 : i1 to i32
          %sign3A_1088 = arith.subi %sign3A_1084, %sign3A_1087 : i32
          %sign3A_1089 = arith.constant 0 : i32
          %sign3A_1090 = arith.cmpi sgt, %jit3A_1080, %sign3A_1089 : i32
          %sign3A_1091 = arith.extui %sign3A_1090 : i1 to i32
          %sign3A_1092 = arith.constant 0 : i32
          %sign3A_1093 = arith.cmpi slt, %jit3A_1080, %sign3A_1092 : i32
          %sign3A_1094 = arith.extui %sign3A_1093 : i1 to i32
          %sign3A_1095 = arith.subi %sign3A_1091, %sign3A_1094 : i32
          %ne3A_1096 = arith.cmpi ne, %sign3A_1088, %sign3A_1095 : i32
          %rem3A_1097 = arith.remsi %sub3A_1079, %jit3A_1080 : i32
          %ne3A_1098 = arith.constant 0 : i32
          %ne3A_1099 = arith.cmpi ne, %rem3A_1097, %ne3A_1098 : i32
          %and3A_1100 = arith.andi %ne3A_1096, %ne3A_1099 : i1
          %sub3A_1101 = arith.constant 1 : i32
          %sub3A_1102 = arith.subi %div3A_1081, %sub3A_1101 : i32
          %select_n3A_1103 = arith.select %and3A_1100, %sub3A_1102, %div3A_1081 : i32
          %mul3A_1104 = arith.constant 8192 : i32
          %mul3A_1105 = arith.muli %select_n3A_1103, %mul3A_1104 : i32
          %add3A_1106 = arith.addi %mul3A_1105, %mul3A_2 : i32
          %jit3A_1107 = arith.constant 2 : i32
          %eq3A_1108 = arith.constant 0 : i32
          %eq3A_1109 = arith.cmpi eq, %jit3A_1107, %eq3A_1108 : i32
          %jit3A_1110 = arith.constant 1 : i32
          %select_n3A_1111 = arith.select %eq3A_1109, %jit3A_1110, %jit3A_1107 : i32
          %rem3A_1112 = arith.remsi %sub3A_1079, %select_n3A_1111 : i32
          %ne3A_1113 = arith.constant 0 : i32
          %ne3A_1114 = arith.cmpi ne, %rem3A_1112, %ne3A_1113 : i32
          %lt3A_1115 = arith.constant 0 : i32
          %lt3A_1116 = arith.cmpi slt, %rem3A_1112, %lt3A_1115 : i32
          %lt3A_1117 = arith.constant 0 : i32
          %lt3A_1118 = arith.cmpi slt, %select_n3A_1111, %lt3A_1117 : i32
          %ne3A_1119 = arith.xori %lt3A_1116, %lt3A_1118 : i1
          %and3A_1120 = arith.andi %ne3A_1119, %ne3A_1114 : i1
          %add3A_1121 = arith.addi %rem3A_1112, %select_n3A_1111 : i32
          %select_n3A_1122 = arith.select %and3A_1120, %add3A_1121, %rem3A_1112 : i32
          %mul3A_1123 = arith.constant 128 : i32
          %mul3A_1124 = arith.muli %select_n3A_1122, %mul3A_1123 : i32
          %add3A_1125 = arith.addi %add3A_1106, %mul3A_1124 : i32
          %dma_wait3A_1126 = arith.constant 2 : i32
          %dma_wait3A_1127 = arith.constant 0 : i32
          %dma_wait3A_1128 = arith.constant 0 : i32
          %dma_wait3A_1129 = tpu.memref_slice %arg5[%dma_wait3A_1126, %dma_wait3A_1127, %dma_wait3A_1128] : memref<6x128x64xf32, #tpu.memory_space<vmem>> -> memref<1x128x64xf32, #tpu.memory_space<vmem>>
          %dma_wait3A_1130 = tpu.memref_squeeze %dma_wait3A_1129 : memref<1x128x64xf32, #tpu.memory_space<vmem>> -> memref<128x64xf32, #tpu.memory_space<vmem>>
          %dma_wait3A_1131 = arith.constant 0 : i32
          %dma_wait3A_1132 = tpu.memref_slice %arg4[%add3A_1125, %dma_wait3A_1131] : memref<524288x64xf32, #tpu.memory_space<hbm>> -> memref<128x64xf32, #tpu.memory_space<hbm>>
          %dma_wait3A_1133 = arith.constant 0 : i32
          %dma_wait3A_1134 = tpu.memref_slice %arg4[%add3A_1125, %dma_wait3A_1133] : memref<524288x64xf32, #tpu.memory_space<hbm>> -> memref<128x64xf32, #tpu.memory_space<hbm>>
          %dma_wait3A_1135 = arith.constant 0 : i32
          %dma_wait3A_1136 = arith.constant 0 : i32
          %dma_wait3A_1137 = tpu.memref_slice %arg5[%dma_wait3A_1126, %dma_wait3A_1135, %dma_wait3A_1136] : memref<6x128x64xf32, #tpu.memory_space<vmem>> -> memref<1x128x64xf32, #tpu.memory_space<vmem>>
          %dma_wait3A_1138 = tpu.memref_squeeze %dma_wait3A_1137 : memref<1x128x64xf32, #tpu.memory_space<vmem>> -> memref<128x64xf32, #tpu.memory_space<vmem>>
          tpu.wait_dma2 semaphore(%arg15 : memref<!tpu.dma_semaphore, #tpu.memory_space<semaphore_mem>>) src(%dma_wait3A_1138 : memref<128x64xf32, #tpu.memory_space<vmem>>) dst(%dma_wait3A_1134 : memref<128x64xf32, #tpu.memory_space<hbm>>)
        } else {
        }
        %add3A_1017 = arith.constant 3 : i32
        %add3A_1018 = arith.addi %add3A_884, %add3A_1017 : i32
        %jit3A_1019 = arith.constant 2 : i32
        %div3A_1020 = arith.divsi %add3A_1018, %jit3A_1019 : i32
        %sign3A_1021 = arith.constant 0 : i32
        %sign3A_1022 = arith.cmpi sgt, %add3A_1018, %sign3A_1021 : i32
        %sign3A_1023 = arith.extui %sign3A_1022 : i1 to i32
        %sign3A_1024 = arith.constant 0 : i32
        %sign3A_1025 = arith.cmpi slt, %add3A_1018, %sign3A_1024 : i32
        %sign3A_1026 = arith.extui %sign3A_1025 : i1 to i32
        %sign3A_1027 = arith.subi %sign3A_1023, %sign3A_1026 : i32
        %sign3A_1028 = arith.constant 0 : i32
        %sign3A_1029 = arith.cmpi sgt, %jit3A_1019, %sign3A_1028 : i32
        %sign3A_1030 = arith.extui %sign3A_1029 : i1 to i32
        %sign3A_1031 = arith.constant 0 : i32
        %sign3A_1032 = arith.cmpi slt, %jit3A_1019, %sign3A_1031 : i32
        %sign3A_1033 = arith.extui %sign3A_1032 : i1 to i32
        %sign3A_1034 = arith.subi %sign3A_1030, %sign3A_1033 : i32
        %ne3A_1035 = arith.cmpi ne, %sign3A_1027, %sign3A_1034 : i32
        %rem3A_1036 = arith.remsi %add3A_1018, %jit3A_1019 : i32
        %ne3A_1037 = arith.constant 0 : i32
        %ne3A_1038 = arith.cmpi ne, %rem3A_1036, %ne3A_1037 : i32
        %and3A_1039 = arith.andi %ne3A_1035, %ne3A_1038 : i1
        %sub3A_1040 = arith.constant 1 : i32
        %sub3A_1041 = arith.subi %div3A_1020, %sub3A_1040 : i32
        %select_n3A_1042 = arith.select %and3A_1039, %sub3A_1041, %div3A_1020 : i32
        %mul3A_1043 = arith.constant 8192 : i32
        %mul3A_1044 = arith.muli %select_n3A_1042, %mul3A_1043 : i32
        %add3A_1045 = arith.addi %mul3A_1044, %mul3A_2 : i32
        %jit3A_1046 = arith.constant 2 : i32
        %eq3A_1047 = arith.constant 0 : i32
        %eq3A_1048 = arith.cmpi eq, %jit3A_1046, %eq3A_1047 : i32
        %jit3A_1049 = arith.constant 1 : i32
        %select_n3A_1050 = arith.select %eq3A_1048, %jit3A_1049, %jit3A_1046 : i32
        %rem3A_1051 = arith.remsi %add3A_1018, %select_n3A_1050 : i32
        %ne3A_1052 = arith.constant 0 : i32
        %ne3A_1053 = arith.cmpi ne, %rem3A_1051, %ne3A_1052 : i32
        %lt3A_1054 = arith.constant 0 : i32
        %lt3A_1055 = arith.cmpi slt, %rem3A_1051, %lt3A_1054 : i32
        %lt3A_1056 = arith.constant 0 : i32
        %lt3A_1057 = arith.cmpi slt, %select_n3A_1050, %lt3A_1056 : i32
        %ne3A_1058 = arith.xori %lt3A_1055, %lt3A_1057 : i1
        %and3A_1059 = arith.andi %ne3A_1058, %ne3A_1053 : i1
        %add3A_1060 = arith.addi %rem3A_1051, %select_n3A_1050 : i32
        %select_n3A_1061 = arith.select %and3A_1059, %add3A_1060, %rem3A_1051 : i32
        %mul3A_1062 = arith.constant 128 : i32
        %mul3A_1063 = arith.muli %select_n3A_1061, %mul3A_1062 : i32
        %add3A_1064 = arith.addi %add3A_1045, %mul3A_1063 : i32
        %dma_start3A_1065 = arith.constant 2 : i32
        %dma_start3A_1066 = arith.constant 0 : i32
        %dma_start3A_1067 = arith.constant 0 : i32
        %dma_start3A_1068 = tpu.memref_slice %arg5[%dma_start3A_1065, %dma_start3A_1066, %dma_start3A_1067] : memref<6x128x64xf32, #tpu.memory_space<vmem>> -> memref<1x128x64xf32, #tpu.memory_space<vmem>>
        %dma_start3A_1069 = tpu.memref_squeeze %dma_start3A_1068 : memref<1x128x64xf32, #tpu.memory_space<vmem>> -> memref<128x64xf32, #tpu.memory_space<vmem>>
        %dma_start3A_1070 = arith.constant 0 : i32
        %dma_start3A_1071 = tpu.memref_slice %arg2[%add3A_1064, %dma_start3A_1070] : memref<524288x64xf32, #tpu.memory_space<hbm>> -> memref<128x64xf32, #tpu.memory_space<hbm>>
        %dma_start3A_1072 = arith.constant 0 : i32
        %dma_start3A_1073 = arith.constant 0 : i32
        %dma_start3A_1074 = tpu.memref_slice %arg5[%dma_start3A_1065, %dma_start3A_1072, %dma_start3A_1073] : memref<6x128x64xf32, #tpu.memory_space<vmem>> -> memref<1x128x64xf32, #tpu.memory_space<vmem>>
        %dma_start3A_1075 = tpu.memref_squeeze %dma_start3A_1074 : memref<1x128x64xf32, #tpu.memory_space<vmem>> -> memref<128x64xf32, #tpu.memory_space<vmem>>
        %dma_start3A_1076 = arith.constant 0 : i32
        %dma_start3A_1077 = tpu.memref_slice %arg2[%add3A_1064, %dma_start3A_1076] : memref<524288x64xf32, #tpu.memory_space<hbm>> -> memref<128x64xf32, #tpu.memory_space<hbm>>
        tpu.enqueue_dma source(%dma_start3A_1077 : memref<128x64xf32, #tpu.memory_space<hbm>>) target(%dma_start3A_1075 : memref<128x64xf32, #tpu.memory_space<vmem>>) target_semaphore(%arg9 : memref<!tpu.dma_semaphore, #tpu.memory_space<semaphore_mem>>)
      } else {
      }
      %parallel_loop3A_951 = arith.constant 0 : i32
      %parallel_loop3A_952 = arith.constant 128 : i32
      %parallel_loop3A_953 = arith.constant 1 : i32
      scf.for %parallel_loop3A_1013 = %parallel_loop3A_951 to %parallel_loop3A_952 step %parallel_loop3A_953  : i32 {
        %parallel_loop3A_1014 = arith.index_cast %parallel_loop3A_1013 : i32 to index
        %parallel_loop3A_1015 = arith.constant 64 : index
        %parallel_loop3A_1016 = tpu.vector_load %arg6[%parallel_loop3A_1014, %parallel_loop3A_1015] {strides = array<i32>} : memref<128x128xf32, #tpu.memory_space<vmem>>, vector<1x16xf32>,
        %parallel_loop3A_1017 = vector.shape_cast %parallel_loop3A_1016 : vector<1x16xf32> to vector<16xf32>
        %parallel_loop3A_1018 = arith.constant 5 : i32
        %parallel_loop3A_1019 = arith.index_cast %parallel_loop3A_1018 : i32 to index
        %parallel_loop3A_1020 = arith.index_cast %parallel_loop3A_1013 : i32 to index
        %parallel_loop3A_1021 = arith.constant 0 : index
        %parallel_loop3A_1022 = tpu.vector_load %arg5[%parallel_loop3A_1019, %parallel_loop3A_1020, %parallel_loop3A_1021] {strides = array<i32>} : memref<6x128x64xf32, #tpu.memory_space<vmem>>, vector<1x1x16xf32>,
        %parallel_loop3A_1023 = vector.shape_cast %parallel_loop3A_1022 : vector<1x1x16xf32> to vector<16xf32>
        %parallel_loop3A_1024 = vector.shape_cast %parallel_loop3A_1017 : vector<16xf32> to vector<1x1x16xf32>
        tpu.vector_store %arg5[%parallel_loop3A_1019, %parallel_loop3A_1020, %parallel_loop3A_1021], %parallel_loop3A_1024 {add = true, strides = array<i32>} : memref<6x128x64xf32, #tpu.memory_space<vmem>>, vector<1x1x16xf32>,
        %parallel_loop3A_1025 = arith.index_cast %parallel_loop3A_1013 : i32 to index
        %parallel_loop3A_1026 = arith.constant 80 : index
        %parallel_loop3A_1027 = tpu.vector_load %arg6[%parallel_loop3A_1025, %parallel_loop3A_1026] {strides = array<i32>} : memref<128x128xf32, #tpu.memory_space<vmem>>, vector<1x16xf32>,
        %parallel_loop3A_1028 = vector.shape_cast %parallel_loop3A_1027 : vector<1x16xf32> to vector<16xf32>
        %parallel_loop3A_1029 = arith.constant 5 : i32
        %parallel_loop3A_1030 = arith.index_cast %parallel_loop3A_1029 : i32 to index
        %parallel_loop3A_1031 = arith.index_cast %parallel_loop3A_1013 : i32 to index
        %parallel_loop3A_1032 = arith.constant 16 : index
        %parallel_loop3A_1033 = tpu.vector_load %arg5[%parallel_loop3A_1030, %parallel_loop3A_1031, %parallel_loop3A_1032] {strides = array<i32>} : memref<6x128x64xf32, #tpu.memory_space<vmem>>, vector<1x1x16xf32>,
        %parallel_loop3A_1034 = vector.shape_cast %parallel_loop3A_1033 : vector<1x1x16xf32> to vector<16xf32>
        %parallel_loop3A_1035 = vector.shape_cast %parallel_loop3A_1028 : vector<16xf32> to vector<1x1x16xf32>
        tpu.vector_store %arg5[%parallel_loop3A_1030, %parallel_loop3A_1031, %parallel_loop3A_1032], %parallel_loop3A_1035 {add = true, strides = array<i32>} : memref<6x128x64xf32, #tpu.memory_space<vmem>>, vector<1x1x16xf32>,
        %parallel_loop3A_1036 = arith.index_cast %parallel_loop3A_1013 : i32 to index
        %parallel_loop3A_1037 = arith.constant 96 : index
        %parallel_loop3A_1038 = tpu.vector_load %arg6[%parallel_loop3A_1036, %parallel_loop3A_1037] {strides = array<i32>} : memref<128x128xf32, #tpu.memory_space<vmem>>, vector<1x16xf32>,
        %parallel_loop3A_1039 = vector.shape_cast %parallel_loop3A_1038 : vector<1x16xf32> to vector<16xf32>
        %parallel_loop3A_1040 = arith.constant 5 : i32
        %parallel_loop3A_1041 = arith.index_cast %parallel_loop3A_1040 : i32 to index
        %parallel_loop3A_1042 = arith.index_cast %parallel_loop3A_1013 : i32 to index
        %parallel_loop3A_1043 = arith.constant 32 : index
        %parallel_loop3A_1044 = tpu.vector_load %arg5[%parallel_loop3A_1041, %parallel_loop3A_1042, %parallel_loop3A_1043] {strides = array<i32>} : memref<6x128x64xf32, #tpu.memory_space<vmem>>, vector<1x1x16xf32>,
        %parallel_loop3A_1045 = vector.shape_cast %parallel_loop3A_1044 : vector<1x1x16xf32> to vector<16xf32>
        %parallel_loop3A_1046 = vector.shape_cast %parallel_loop3A_1039 : vector<16xf32> to vector<1x1x16xf32>
        tpu.vector_store %arg5[%parallel_loop3A_1041, %parallel_loop3A_1042, %parallel_loop3A_1043], %parallel_loop3A_1046 {add = true, strides = array<i32>} : memref<6x128x64xf32, #tpu.memory_space<vmem>>, vector<1x1x16xf32>,
        %parallel_loop3A_1047 = arith.index_cast %parallel_loop3A_1013 : i32 to index
        %parallel_loop3A_1048 = arith.constant 112 : index
        %parallel_loop3A_1049 = tpu.vector_load %arg6[%parallel_loop3A_1047, %parallel_loop3A_1048] {strides = array<i32>} : memref<128x128xf32, #tpu.memory_space<vmem>>, vector<1x16xf32>,
        %parallel_loop3A_1050 = vector.shape_cast %parallel_loop3A_1049 : vector<1x16xf32> to vector<16xf32>
        %parallel_loop3A_1051 = arith.constant 5 : i32
        %parallel_loop3A_1052 = arith.index_cast %parallel_loop3A_1051 : i32 to index
        %parallel_loop3A_1053 = arith.index_cast %parallel_loop3A_1013 : i32 to index
        %parallel_loop3A_1054 = arith.constant 48 : index
        %parallel_loop3A_1055 = tpu.vector_load %arg5[%parallel_loop3A_1052, %parallel_loop3A_1053, %parallel_loop3A_1054] {strides = array<i32>} : memref<6x128x64xf32, #tpu.memory_space<vmem>>, vector<1x1x16xf32>,
        %parallel_loop3A_1056 = vector.shape_cast %parallel_loop3A_1055 : vector<1x1x16xf32> to vector<16xf32>
        %parallel_loop3A_1057 = vector.shape_cast %parallel_loop3A_1050 : vector<16xf32> to vector<1x1x16xf32>
        tpu.vector_store %arg5[%parallel_loop3A_1052, %parallel_loop3A_1053, %parallel_loop3A_1054], %parallel_loop3A_1057 {add = true, strides = array<i32>} : memref<6x128x64xf32, #tpu.memory_space<vmem>>, vector<1x1x16xf32>,
      } {sc.loop_unroll_factor = 4 : i64, sc.parallel_access}
      %jit3A_954 = arith.constant 2 : i32
      %div3A_955 = arith.divsi %add3A_884, %jit3A_954 : i32
      %sign3A_956 = arith.constant 0 : i32
      %sign3A_957 = arith.cmpi sgt, %add3A_884, %sign3A_956 : i32
      %sign3A_958 = arith.extui %sign3A_957 : i1 to i32
      %sign3A_959 = arith.constant 0 : i32
      %sign3A_960 = arith.cmpi slt, %add3A_884, %sign3A_959 : i32
      %sign3A_961 = arith.extui %sign3A_960 : i1 to i32
      %sign3A_962 = arith.subi %sign3A_958, %sign3A_961 : i32
      %sign3A_963 = arith.constant 0 : i32
      %sign3A_964 = arith.cmpi sgt, %jit3A_954, %sign3A_963 : i32
      %sign3A_965 = arith.extui %sign3A_964 : i1 to i32
      %sign3A_966 = arith.constant 0 : i32
      %sign3A_967 = arith.cmpi slt, %jit3A_954, %sign3A_966 : i32
      %sign3A_968 = arith.extui %sign3A_967 : i1 to i32
      %sign3A_969 = arith.subi %sign3A_965, %sign3A_968 : i32
      %ne3A_970 = arith.cmpi ne, %sign3A_962, %sign3A_969 : i32
      %rem3A_971 = arith.remsi %add3A_884, %jit3A_954 : i32
      %ne3A_972 = arith.constant 0 : i32
      %ne3A_973 = arith.cmpi ne, %rem3A_971, %ne3A_972 : i32
      %and3A_974 = arith.andi %ne3A_970, %ne3A_973 : i1
      %sub3A_975 = arith.constant 1 : i32
      %sub3A_976 = arith.subi %div3A_955, %sub3A_975 : i32
      %select_n3A_977 = arith.select %and3A_974, %sub3A_976, %div3A_955 : i32
      %mul3A_978 = arith.constant 8192 : i32
      %mul3A_979 = arith.muli %select_n3A_977, %mul3A_978 : i32
      %add3A_980 = arith.addi %mul3A_979, %mul3A_2 : i32
      %jit3A_981 = arith.constant 2 : i32
      %eq3A_982 = arith.constant 0 : i32
      %eq3A_983 = arith.cmpi eq, %jit3A_981, %eq3A_982 : i32
      %jit3A_984 = arith.constant 1 : i32
      %select_n3A_985 = arith.select %eq3A_983, %jit3A_984, %jit3A_981 : i32
      %rem3A_986 = arith.remsi %add3A_884, %select_n3A_985 : i32
      %ne3A_987 = arith.constant 0 : i32
      %ne3A_988 = arith.cmpi ne, %rem3A_986, %ne3A_987 : i32
      %lt3A_989 = arith.constant 0 : i32
      %lt3A_990 = arith.cmpi slt, %rem3A_986, %lt3A_989 : i32
      %lt3A_991 = arith.constant 0 : i32
      %lt3A_992 = arith.cmpi slt, %select_n3A_985, %lt3A_991 : i32
      %ne3A_993 = arith.xori %lt3A_990, %lt3A_992 : i1
      %and3A_994 = arith.andi %ne3A_993, %ne3A_988 : i1
      %add3A_995 = arith.addi %rem3A_986, %select_n3A_985 : i32
      %select_n3A_996 = arith.select %and3A_994, %add3A_995, %rem3A_986 : i32
      %mul3A_997 = arith.constant 128 : i32
      %mul3A_998 = arith.muli %select_n3A_996, %mul3A_997 : i32
      %add3A_999 = arith.addi %add3A_980, %mul3A_998 : i32
      %dma_start3A_1000 = arith.constant 5 : i32
      %dma_start3A_1001 = arith.constant 0 : i32
      %dma_start3A_1002 = arith.constant 0 : i32
      %dma_start3A_1003 = tpu.memref_slice %arg5[%dma_start3A_1000, %dma_start3A_1001, %dma_start3A_1002] : memref<6x128x64xf32, #tpu.memory_space<vmem>> -> memref<1x128x64xf32, #tpu.memory_space<vmem>>
      %dma_start3A_1004 = tpu.memref_squeeze %dma_start3A_1003 : memref<1x128x64xf32, #tpu.memory_space<vmem>> -> memref<128x64xf32, #tpu.memory_space<vmem>>
      %dma_start3A_1005 = arith.constant 0 : i32
      %dma_start3A_1006 = tpu.memref_slice %arg4[%add3A_999, %dma_start3A_1005] : memref<524288x64xf32, #tpu.memory_space<hbm>> -> memref<128x64xf32, #tpu.memory_space<hbm>>
      %dma_start3A_1007 = arith.constant 0 : i32
      %dma_start3A_1008 = tpu.memref_slice %arg4[%add3A_999, %dma_start3A_1007] : memref<524288x64xf32, #tpu.memory_space<hbm>> -> memref<128x64xf32, #tpu.memory_space<hbm>>
      %dma_start3A_1009 = arith.constant 0 : i32
      %dma_start3A_1010 = arith.constant 0 : i32
      %dma_start3A_1011 = tpu.memref_slice %arg5[%dma_start3A_1000, %dma_start3A_1009, %dma_start3A_1010] : memref<6x128x64xf32, #tpu.memory_space<vmem>> -> memref<1x128x64xf32, #tpu.memory_space<vmem>>
      %dma_start3A_1012 = tpu.memref_squeeze %dma_start3A_1011 : memref<1x128x64xf32, #tpu.memory_space<vmem>> -> memref<128x64xf32, #tpu.memory_space<vmem>>
      tpu.enqueue_dma source(%dma_start3A_1012 : memref<128x64xf32, #tpu.memory_space<vmem>>) target(%dma_start3A_1008 : memref<128x64xf32, #tpu.memory_space<hbm>>) target_semaphore(%arg18 : memref<!tpu.dma_semaphore, #tpu.memory_space<semaphore_mem>>)
    }
    %scan3A_57 = arith.constant 21 : i32
    %add3A_58 = arith.constant 516096 : i32
    %add3A_59 = arith.addi %add3A_58, %mul3A_2 : i32
    %add3A_60 = arith.constant 0 : i32
    %add3A_61 = arith.addi %add3A_59, %add3A_60 : i32
    %dma_wait3A = arith.constant 0 : i32
    %dma_wait3A_62 = arith.constant 0 : i32
    %dma_wait3A_63 = arith.constant 0 : i32
    %dma_wait3A_64 = tpu.memref_slice %arg5[%dma_wait3A, %dma_wait3A_62, %dma_wait3A_63] : memref<6x128x64xf32, #tpu.memory_space<vmem>> -> memref<1x128x64xf32, #tpu.memory_space<vmem>>
    %dma_wait3A_65 = tpu.memref_squeeze %dma_wait3A_64 : memref<1x128x64xf32, #tpu.memory_space<vmem>> -> memref<128x64xf32, #tpu.memory_space<vmem>>
    %dma_wait3A_66 = arith.constant 0 : i32
    %dma_wait3A_67 = tpu.memref_slice %arg2[%add3A_61, %dma_wait3A_66] : memref<524288x64xf32, #tpu.memory_space<hbm>> -> memref<128x64xf32, #tpu.memory_space<hbm>>
    %dma_wait3A_68 = arith.constant 0 : i32
    %dma_wait3A_69 = arith.constant 0 : i32
    %dma_wait3A_70 = tpu.memref_slice %arg5[%dma_wait3A, %dma_wait3A_68, %dma_wait3A_69] : memref<6x128x64xf32, #tpu.memory_space<vmem>> -> memref<1x128x64xf32, #tpu.memory_space<vmem>>
    %dma_wait3A_71 = tpu.memref_squeeze %dma_wait3A_70 : memref<1x128x64xf32, #tpu.memory_space<vmem>> -> memref<128x64xf32, #tpu.memory_space<vmem>>
    %dma_wait3A_72 = arith.constant 0 : i32
    %dma_wait3A_73 = tpu.memref_slice %arg2[%add3A_61, %dma_wait3A_72] : memref<524288x64xf32, #tpu.memory_space<hbm>> -> memref<128x64xf32, #tpu.memory_space<hbm>>
    tpu.wait_dma2 semaphore(%arg7 : memref<!tpu.dma_semaphore, #tpu.memory_space<semaphore_mem>>) src(%dma_wait3A_73 : memref<128x64xf32, #tpu.memory_space<hbm>>) dst(%dma_wait3A_71 : memref<128x64xf32, #tpu.memory_space<vmem>>)
    %parallel_loop3A = arith.constant 0 : i32
    %parallel_loop3A_74 = arith.constant 128 : i32
    %parallel_loop3A_75 = arith.constant 1 : i32
    scf.for %parallel_loop3A_232 = %parallel_loop3A to %parallel_loop3A_74 step %parallel_loop3A_75  : i32 {
      %parallel_loop3A_233 = arith.index_cast %parallel_loop3A_232 : i32 to index
      %parallel_loop3A_234 = arith.constant 0 : index
      %parallel_loop3A_235 = tpu.vector_load %arg6[%parallel_loop3A_233, %parallel_loop3A_234] {strides = array<i32>} : memref<128x128xf32, #tpu.memory_space<vmem>>, vector<1x16xf32>,
      %parallel_loop3A_236 = vector.shape_cast %parallel_loop3A_235 : vector<1x16xf32> to vector<16xf32>
      %parallel_loop3A_237 = arith.constant 0 : i32
      %parallel_loop3A_238 = arith.index_cast %parallel_loop3A_237 : i32 to index
      %parallel_loop3A_239 = arith.index_cast %parallel_loop3A_232 : i32 to index
      %parallel_loop3A_240 = arith.constant 0 : index
      %parallel_loop3A_241 = tpu.vector_load %arg5[%parallel_loop3A_238, %parallel_loop3A_239, %parallel_loop3A_240] {strides = array<i32>} : memref<6x128x64xf32, #tpu.memory_space<vmem>>, vector<1x1x16xf32>,
      %parallel_loop3A_242 = vector.shape_cast %parallel_loop3A_241 : vector<1x1x16xf32> to vector<16xf32>
      %parallel_loop3A_243 = vector.shape_cast %parallel_loop3A_236 : vector<16xf32> to vector<1x1x16xf32>
      tpu.vector_store %arg5[%parallel_loop3A_238, %parallel_loop3A_239, %parallel_loop3A_240], %parallel_loop3A_243 {add = true, strides = array<i32>} : memref<6x128x64xf32, #tpu.memory_space<vmem>>, vector<1x1x16xf32>,
      %parallel_loop3A_244 = arith.index_cast %parallel_loop3A_232 : i32 to index
      %parallel_loop3A_245 = arith.constant 16 : index
      %parallel_loop3A_246 = tpu.vector_load %arg6[%parallel_loop3A_244, %parallel_loop3A_245] {strides = array<i32>} : memref<128x128xf32, #tpu.memory_space<vmem>>, vector<1x16xf32>,
      %parallel_loop3A_247 = vector.shape_cast %parallel_loop3A_246 : vector<1x16xf32> to vector<16xf32>
      %parallel_loop3A_248 = arith.constant 0 : i32
      %parallel_loop3A_249 = arith.index_cast %parallel_loop3A_248 : i32 to index
      %parallel_loop3A_250 = arith.index_cast %parallel_loop3A_232 : i32 to index
      %parallel_loop3A_251 = arith.constant 16 : index
      %parallel_loop3A_252 = tpu.vector_load %arg5[%parallel_loop3A_249, %parallel_loop3A_250, %parallel_loop3A_251] {strides = array<i32>} : memref<6x128x64xf32, #tpu.memory_space<vmem>>, vector<1x1x16xf32>,
      %parallel_loop3A_253 = vector.shape_cast %parallel_loop3A_252 : vector<1x1x16xf32> to vector<16xf32>
      %parallel_loop3A_254 = vector.shape_cast %parallel_loop3A_247 : vector<16xf32> to vector<1x1x16xf32>
      tpu.vector_store %arg5[%parallel_loop3A_249, %parallel_loop3A_250, %parallel_loop3A_251], %parallel_loop3A_254 {add = true, strides = array<i32>} : memref<6x128x64xf32, #tpu.memory_space<vmem>>, vector<1x1x16xf32>,
      %parallel_loop3A_255 = arith.index_cast %parallel_loop3A_232 : i32 to index
      %parallel_loop3A_256 = arith.constant 32 : index
      %parallel_loop3A_257 = tpu.vector_load %arg6[%parallel_loop3A_255, %parallel_loop3A_256] {strides = array<i32>} : memref<128x128xf32, #tpu.memory_space<vmem>>, vector<1x16xf32>,
      %parallel_loop3A_258 = vector.shape_cast %parallel_loop3A_257 : vector<1x16xf32> to vector<16xf32>
      %parallel_loop3A_259 = arith.constant 0 : i32
      %parallel_loop3A_260 = arith.index_cast %parallel_loop3A_259 : i32 to index
      %parallel_loop3A_261 = arith.index_cast %parallel_loop3A_232 : i32 to index
      %parallel_loop3A_262 = arith.constant 32 : index
      %parallel_loop3A_263 = tpu.vector_load %arg5[%parallel_loop3A_260, %parallel_loop3A_261, %parallel_loop3A_262] {strides = array<i32>} : memref<6x128x64xf32, #tpu.memory_space<vmem>>, vector<1x1x16xf32>,
      %parallel_loop3A_264 = vector.shape_cast %parallel_loop3A_263 : vector<1x1x16xf32> to vector<16xf32>
      %parallel_loop3A_265 = vector.shape_cast %parallel_loop3A_258 : vector<16xf32> to vector<1x1x16xf32>
      tpu.vector_store %arg5[%parallel_loop3A_260, %parallel_loop3A_261, %parallel_loop3A_262], %parallel_loop3A_265 {add = true, strides = array<i32>} : memref<6x128x64xf32, #tpu.memory_space<vmem>>, vector<1x1x16xf32>,
      %parallel_loop3A_266 = arith.index_cast %parallel_loop3A_232 : i32 to index
      %parallel_loop3A_267 = arith.constant 48 : index
      %parallel_loop3A_268 = tpu.vector_load %arg6[%parallel_loop3A_266, %parallel_loop3A_267] {strides = array<i32>} : memref<128x128xf32, #tpu.memory_space<vmem>>, vector<1x16xf32>,
      %parallel_loop3A_269 = vector.shape_cast %parallel_loop3A_268 : vector<1x16xf32> to vector<16xf32>
      %parallel_loop3A_270 = arith.constant 0 : i32
      %parallel_loop3A_271 = arith.index_cast %parallel_loop3A_270 : i32 to index
      %parallel_loop3A_272 = arith.index_cast %parallel_loop3A_232 : i32 to index
      %parallel_loop3A_273 = arith.constant 48 : index
      %parallel_loop3A_274 = tpu.vector_load %arg5[%parallel_loop3A_271, %parallel_loop3A_272, %parallel_loop3A_273] {strides = array<i32>} : memref<6x128x64xf32, #tpu.memory_space<vmem>>, vector<1x1x16xf32>,
      %parallel_loop3A_275 = vector.shape_cast %parallel_loop3A_274 : vector<1x1x16xf32> to vector<16xf32>
      %parallel_loop3A_276 = vector.shape_cast %parallel_loop3A_269 : vector<16xf32> to vector<1x1x16xf32>
      tpu.vector_store %arg5[%parallel_loop3A_271, %parallel_loop3A_272, %parallel_loop3A_273], %parallel_loop3A_276 {add = true, strides = array<i32>} : memref<6x128x64xf32, #tpu.memory_space<vmem>>, vector<1x1x16xf32>,
    } {sc.loop_unroll_factor = 4 : i64, sc.parallel_access}
    %add3A_76 = arith.constant 516096 : i32
    %add3A_77 = arith.addi %add3A_76, %mul3A_2 : i32
    %add3A_78 = arith.constant 0 : i32
    %add3A_79 = arith.addi %add3A_77, %add3A_78 : i32
    %dma_start3A_80 = arith.constant 0 : i32
    %dma_start3A_81 = arith.constant 0 : i32
    %dma_start3A_82 = arith.constant 0 : i32
    %dma_start3A_83 = tpu.memref_slice %arg5[%dma_start3A_80, %dma_start3A_81, %dma_start3A_82] : memref<6x128x64xf32, #tpu.memory_space<vmem>> -> memref<1x128x64xf32, #tpu.memory_space<vmem>>
    %dma_start3A_84 = tpu.memref_squeeze %dma_start3A_83 : memref<1x128x64xf32, #tpu.memory_space<vmem>> -> memref<128x64xf32, #tpu.memory_space<vmem>>
    %dma_start3A_85 = arith.constant 0 : i32
    %dma_start3A_86 = tpu.memref_slice %arg4[%add3A_79, %dma_start3A_85] : memref<524288x64xf32, #tpu.memory_space<hbm>> -> memref<128x64xf32, #tpu.memory_space<hbm>>
    %dma_start3A_87 = arith.constant 0 : i32
    %dma_start3A_88 = tpu.memref_slice %arg4[%add3A_79, %dma_start3A_87] : memref<524288x64xf32, #tpu.memory_space<hbm>> -> memref<128x64xf32, #tpu.memory_space<hbm>>
    %dma_start3A_89 = arith.constant 0 : i32
    %dma_start3A_90 = arith.constant 0 : i32
    %dma_start3A_91 = tpu.memref_slice %arg5[%dma_start3A_80, %dma_start3A_89, %dma_start3A_90] : memref<6x128x64xf32, #tpu.memory_space<vmem>> -> memref<1x128x64xf32, #tpu.memory_space<vmem>>
    %dma_start3A_92 = tpu.memref_squeeze %dma_start3A_91 : memref<1x128x64xf32, #tpu.memory_space<vmem>> -> memref<128x64xf32, #tpu.memory_space<vmem>>
    tpu.enqueue_dma source(%dma_start3A_92 : memref<128x64xf32, #tpu.memory_space<vmem>>) target(%dma_start3A_88 : memref<128x64xf32, #tpu.memory_space<hbm>>) target_semaphore(%arg13 : memref<!tpu.dma_semaphore, #tpu.memory_space<semaphore_mem>>)
    %add3A_93 = arith.constant 516096 : i32
    %add3A_94 = arith.addi %add3A_93, %mul3A_2 : i32
    %add3A_95 = arith.constant 128 : i32
    %add3A_96 = arith.addi %add3A_94, %add3A_95 : i32
    %dma_wait3A_97 = arith.constant 1 : i32
    %dma_wait3A_98 = arith.constant 0 : i32
    %dma_wait3A_99 = arith.constant 0 : i32
    %dma_wait3A_100 = tpu.memref_slice %arg5[%dma_wait3A_97, %dma_wait3A_98, %dma_wait3A_99] : memref<6x128x64xf32, #tpu.memory_space<vmem>> -> memref<1x128x64xf32, #tpu.memory_space<vmem>>
    %dma_wait3A_101 = tpu.memref_squeeze %dma_wait3A_100 : memref<1x128x64xf32, #tpu.memory_space<vmem>> -> memref<128x64xf32, #tpu.memory_space<vmem>>
    %dma_wait3A_102 = arith.constant 0 : i32
    %dma_wait3A_103 = tpu.memref_slice %arg2[%add3A_96, %dma_wait3A_102] : memref<524288x64xf32, #tpu.memory_space<hbm>> -> memref<128x64xf32, #tpu.memory_space<hbm>>
    %dma_wait3A_104 = arith.constant 0 : i32
    %dma_wait3A_105 = arith.constant 0 : i32
    %dma_wait3A_106 = tpu.memref_slice %arg5[%dma_wait3A_97, %dma_wait3A_104, %dma_wait3A_105] : memref<6x128x64xf32, #tpu.memory_space<vmem>> -> memref<1x128x64xf32, #tpu.memory_space<vmem>>
    %dma_wait3A_107 = tpu.memref_squeeze %dma_wait3A_106 : memref<1x128x64xf32, #tpu.memory_space<vmem>> -> memref<128x64xf32, #tpu.memory_space<vmem>>
    %dma_wait3A_108 = arith.constant 0 : i32
    %dma_wait3A_109 = tpu.memref_slice %arg2[%add3A_96, %dma_wait3A_108] : memref<524288x64xf32, #tpu.memory_space<hbm>> -> memref<128x64xf32, #tpu.memory_space<hbm>>
    tpu.wait_dma2 semaphore(%arg8 : memref<!tpu.dma_semaphore, #tpu.memory_space<semaphore_mem>>) src(%dma_wait3A_109 : memref<128x64xf32, #tpu.memory_space<hbm>>) dst(%dma_wait3A_107 : memref<128x64xf32, #tpu.memory_space<vmem>>)
    %parallel_loop3A_110 = arith.constant 0 : i32
    %parallel_loop3A_111 = arith.constant 128 : i32
    %parallel_loop3A_112 = arith.constant 1 : i32
    scf.for %parallel_loop3A_232 = %parallel_loop3A_110 to %parallel_loop3A_111 step %parallel_loop3A_112  : i32 {
      %parallel_loop3A_233 = arith.index_cast %parallel_loop3A_232 : i32 to index
      %parallel_loop3A_234 = arith.constant 64 : index
      %parallel_loop3A_235 = tpu.vector_load %arg6[%parallel_loop3A_233, %parallel_loop3A_234] {strides = array<i32>} : memref<128x128xf32, #tpu.memory_space<vmem>>, vector<1x16xf32>,
      %parallel_loop3A_236 = vector.shape_cast %parallel_loop3A_235 : vector<1x16xf32> to vector<16xf32>
      %parallel_loop3A_237 = arith.constant 1 : i32
      %parallel_loop3A_238 = arith.index_cast %parallel_loop3A_237 : i32 to index
      %parallel_loop3A_239 = arith.index_cast %parallel_loop3A_232 : i32 to index
      %parallel_loop3A_240 = arith.constant 0 : index
      %parallel_loop3A_241 = tpu.vector_load %arg5[%parallel_loop3A_238, %parallel_loop3A_239, %parallel_loop3A_240] {strides = array<i32>} : memref<6x128x64xf32, #tpu.memory_space<vmem>>, vector<1x1x16xf32>,
      %parallel_loop3A_242 = vector.shape_cast %parallel_loop3A_241 : vector<1x1x16xf32> to vector<16xf32>
      %parallel_loop3A_243 = vector.shape_cast %parallel_loop3A_236 : vector<16xf32> to vector<1x1x16xf32>
      tpu.vector_store %arg5[%parallel_loop3A_238, %parallel_loop3A_239, %parallel_loop3A_240], %parallel_loop3A_243 {add = true, strides = array<i32>} : memref<6x128x64xf32, #tpu.memory_space<vmem>>, vector<1x1x16xf32>,
      %parallel_loop3A_244 = arith.index_cast %parallel_loop3A_232 : i32 to index
      %parallel_loop3A_245 = arith.constant 80 : index
      %parallel_loop3A_246 = tpu.vector_load %arg6[%parallel_loop3A_244, %parallel_loop3A_245] {strides = array<i32>} : memref<128x128xf32, #tpu.memory_space<vmem>>, vector<1x16xf32>,
      %parallel_loop3A_247 = vector.shape_cast %parallel_loop3A_246 : vector<1x16xf32> to vector<16xf32>
      %parallel_loop3A_248 = arith.constant 1 : i32
      %parallel_loop3A_249 = arith.index_cast %parallel_loop3A_248 : i32 to index
      %parallel_loop3A_250 = arith.index_cast %parallel_loop3A_232 : i32 to index
      %parallel_loop3A_251 = arith.constant 16 : index
      %parallel_loop3A_252 = tpu.vector_load %arg5[%parallel_loop3A_249, %parallel_loop3A_250, %parallel_loop3A_251] {strides = array<i32>} : memref<6x128x64xf32, #tpu.memory_space<vmem>>, vector<1x1x16xf32>,
      %parallel_loop3A_253 = vector.shape_cast %parallel_loop3A_252 : vector<1x1x16xf32> to vector<16xf32>
      %parallel_loop3A_254 = vector.shape_cast %parallel_loop3A_247 : vector<16xf32> to vector<1x1x16xf32>
      tpu.vector_store %arg5[%parallel_loop3A_249, %parallel_loop3A_250, %parallel_loop3A_251], %parallel_loop3A_254 {add = true, strides = array<i32>} : memref<6x128x64xf32, #tpu.memory_space<vmem>>, vector<1x1x16xf32>,
      %parallel_loop3A_255 = arith.index_cast %parallel_loop3A_232 : i32 to index
      %parallel_loop3A_256 = arith.constant 96 : index
      %parallel_loop3A_257 = tpu.vector_load %arg6[%parallel_loop3A_255, %parallel_loop3A_256] {strides = array<i32>} : memref<128x128xf32, #tpu.memory_space<vmem>>, vector<1x16xf32>,
      %parallel_loop3A_258 = vector.shape_cast %parallel_loop3A_257 : vector<1x16xf32> to vector<16xf32>
      %parallel_loop3A_259 = arith.constant 1 : i32
      %parallel_loop3A_260 = arith.index_cast %parallel_loop3A_259 : i32 to index
      %parallel_loop3A_261 = arith.index_cast %parallel_loop3A_232 : i32 to index
      %parallel_loop3A_262 = arith.constant 32 : index
      %parallel_loop3A_263 = tpu.vector_load %arg5[%parallel_loop3A_260, %parallel_loop3A_261, %parallel_loop3A_262] {strides = array<i32>} : memref<6x128x64xf32, #tpu.memory_space<vmem>>, vector<1x1x16xf32>,
      %parallel_loop3A_264 = vector.shape_cast %parallel_loop3A_263 : vector<1x1x16xf32> to vector<16xf32>
      %parallel_loop3A_265 = vector.shape_cast %parallel_loop3A_258 : vector<16xf32> to vector<1x1x16xf32>
      tpu.vector_store %arg5[%parallel_loop3A_260, %parallel_loop3A_261, %parallel_loop3A_262], %parallel_loop3A_265 {add = true, strides = array<i32>} : memref<6x128x64xf32, #tpu.memory_space<vmem>>, vector<1x1x16xf32>,
      %parallel_loop3A_266 = arith.index_cast %parallel_loop3A_232 : i32 to index
      %parallel_loop3A_267 = arith.constant 112 : index
      %parallel_loop3A_268 = tpu.vector_load %arg6[%parallel_loop3A_266, %parallel_loop3A_267] {strides = array<i32>} : memref<128x128xf32, #tpu.memory_space<vmem>>, vector<1x16xf32>,
      %parallel_loop3A_269 = vector.shape_cast %parallel_loop3A_268 : vector<1x16xf32> to vector<16xf32>
      %parallel_loop3A_270 = arith.constant 1 : i32
      %parallel_loop3A_271 = arith.index_cast %parallel_loop3A_270 : i32 to index
      %parallel_loop3A_272 = arith.index_cast %parallel_loop3A_232 : i32 to index
      %parallel_loop3A_273 = arith.constant 48 : index
      %parallel_loop3A_274 = tpu.vector_load %arg5[%parallel_loop3A_271, %parallel_loop3A_272, %parallel_loop3A_273] {strides = array<i32>} : memref<6x128x64xf32, #tpu.memory_space<vmem>>, vector<1x1x16xf32>,
      %parallel_loop3A_275 = vector.shape_cast %parallel_loop3A_274 : vector<1x1x16xf32> to vector<16xf32>
      %parallel_loop3A_276 = vector.shape_cast %parallel_loop3A_269 : vector<16xf32> to vector<1x1x16xf32>
      tpu.vector_store %arg5[%parallel_loop3A_271, %parallel_loop3A_272, %parallel_loop3A_273], %parallel_loop3A_276 {add = true, strides = array<i32>} : memref<6x128x64xf32, #tpu.memory_space<vmem>>, vector<1x1x16xf32>,
    } {sc.loop_unroll_factor = 4 : i64, sc.parallel_access}
    %add3A_113 = arith.constant 516096 : i32
    %add3A_114 = arith.addi %add3A_113, %mul3A_2 : i32
    %add3A_115 = arith.constant 128 : i32
    %add3A_116 = arith.addi %add3A_114, %add3A_115 : i32
    %dma_start3A_117 = arith.constant 1 : i32
    %dma_start3A_118 = arith.constant 0 : i32
    %dma_start3A_119 = arith.constant 0 : i32
    %dma_start3A_120 = tpu.memref_slice %arg5[%dma_start3A_117, %dma_start3A_118, %dma_start3A_119] : memref<6x128x64xf32, #tpu.memory_space<vmem>> -> memref<1x128x64xf32, #tpu.memory_space<vmem>>
    %dma_start3A_121 = tpu.memref_squeeze %dma_start3A_120 : memref<1x128x64xf32, #tpu.memory_space<vmem>> -> memref<128x64xf32, #tpu.memory_space<vmem>>
    %dma_start3A_122 = arith.constant 0 : i32
    %dma_start3A_123 = tpu.memref_slice %arg4[%add3A_116, %dma_start3A_122] : memref<524288x64xf32, #tpu.memory_space<hbm>> -> memref<128x64xf32, #tpu.memory_space<hbm>>
    %dma_start3A_124 = arith.constant 0 : i32
    %dma_start3A_125 = tpu.memref_slice %arg4[%add3A_116, %dma_start3A_124] : memref<524288x64xf32, #tpu.memory_space<hbm>> -> memref<128x64xf32, #tpu.memory_space<hbm>>
    %dma_start3A_126 = arith.constant 0 : i32
    %dma_start3A_127 = arith.constant 0 : i32
    %dma_start3A_128 = tpu.memref_slice %arg5[%dma_start3A_117, %dma_start3A_126, %dma_start3A_127] : memref<6x128x64xf32, #tpu.memory_space<vmem>> -> memref<1x128x64xf32, #tpu.memory_space<vmem>>
    %dma_start3A_129 = tpu.memref_squeeze %dma_start3A_128 : memref<1x128x64xf32, #tpu.memory_space<vmem>> -> memref<128x64xf32, #tpu.memory_space<vmem>>
    tpu.enqueue_dma source(%dma_start3A_129 : memref<128x64xf32, #tpu.memory_space<vmem>>) target(%dma_start3A_125 : memref<128x64xf32, #tpu.memory_space<hbm>>) target_semaphore(%arg14 : memref<!tpu.dma_semaphore, #tpu.memory_space<semaphore_mem>>)
    %add3A_130 = arith.constant 499712 : i32
    %add3A_131 = arith.addi %add3A_130, %mul3A_2 : i32
    %add3A_132 = arith.constant 0 : i32
    %add3A_133 = arith.addi %add3A_131, %add3A_132 : i32
    %dma_wait3A_134 = arith.constant 2 : i32
    %dma_wait3A_135 = arith.constant 0 : i32
    %dma_wait3A_136 = arith.constant 0 : i32
    %dma_wait3A_137 = tpu.memref_slice %arg5[%dma_wait3A_134, %dma_wait3A_135, %dma_wait3A_136] : memref<6x128x64xf32, #tpu.memory_space<vmem>> -> memref<1x128x64xf32, #tpu.memory_space<vmem>>
    %dma_wait3A_138 = tpu.memref_squeeze %dma_wait3A_137 : memref<1x128x64xf32, #tpu.memory_space<vmem>> -> memref<128x64xf32, #tpu.memory_space<vmem>>
    %dma_wait3A_139 = arith.constant 0 : i32
    %dma_wait3A_140 = tpu.memref_slice %arg4[%add3A_133, %dma_wait3A_139] : memref<524288x64xf32, #tpu.memory_space<hbm>> -> memref<128x64xf32, #tpu.memory_space<hbm>>
    %dma_wait3A_141 = arith.constant 0 : i32
    %dma_wait3A_142 = tpu.memref_slice %arg4[%add3A_133, %dma_wait3A_141] : memref<524288x64xf32, #tpu.memory_space<hbm>> -> memref<128x64xf32, #tpu.memory_space<hbm>>
    %dma_wait3A_143 = arith.constant 0 : i32
    %dma_wait3A_144 = arith.constant 0 : i32
    %dma_wait3A_145 = tpu.memref_slice %arg5[%dma_wait3A_134, %dma_wait3A_143, %dma_wait3A_144] : memref<6x128x64xf32, #tpu.memory_space<vmem>> -> memref<1x128x64xf32, #tpu.memory_space<vmem>>
    %dma_wait3A_146 = tpu.memref_squeeze %dma_wait3A_145 : memref<1x128x64xf32, #tpu.memory_space<vmem>> -> memref<128x64xf32, #tpu.memory_space<vmem>>
    tpu.wait_dma2 semaphore(%arg15 : memref<!tpu.dma_semaphore, #tpu.memory_space<semaphore_mem>>) src(%dma_wait3A_146 : memref<128x64xf32, #tpu.memory_space<vmem>>) dst(%dma_wait3A_142 : memref<128x64xf32, #tpu.memory_space<hbm>>)
    %add3A_147 = arith.constant 499712 : i32
    %add3A_148 = arith.addi %add3A_147, %mul3A_2 : i32
    %add3A_149 = arith.constant 128 : i32
    %add3A_150 = arith.addi %add3A_148, %add3A_149 : i32
    %dma_wait3A_151 = arith.constant 3 : i32
    %dma_wait3A_152 = arith.constant 0 : i32
    %dma_wait3A_153 = arith.constant 0 : i32
    %dma_wait3A_154 = tpu.memref_slice %arg5[%dma_wait3A_151, %dma_wait3A_152, %dma_wait3A_153] : memref<6x128x64xf32, #tpu.memory_space<vmem>> -> memref<1x128x64xf32, #tpu.memory_space<vmem>>
    %dma_wait3A_155 = tpu.memref_squeeze %dma_wait3A_154 : memref<1x128x64xf32, #tpu.memory_space<vmem>> -> memref<128x64xf32, #tpu.memory_space<vmem>>
    %dma_wait3A_156 = arith.constant 0 : i32
    %dma_wait3A_157 = tpu.memref_slice %arg4[%add3A_150, %dma_wait3A_156] : memref<524288x64xf32, #tpu.memory_space<hbm>> -> memref<128x64xf32, #tpu.memory_space<hbm>>
    %dma_wait3A_158 = arith.constant 0 : i32
    %dma_wait3A_159 = tpu.memref_slice %arg4[%add3A_150, %dma_wait3A_158] : memref<524288x64xf32, #tpu.memory_space<hbm>> -> memref<128x64xf32, #tpu.memory_space<hbm>>
    %dma_wait3A_160 = arith.constant 0 : i32
    %dma_wait3A_161 = arith.constant 0 : i32
    %dma_wait3A_162 = tpu.memref_slice %arg5[%dma_wait3A_151, %dma_wait3A_160, %dma_wait3A_161] : memref<6x128x64xf32, #tpu.memory_space<vmem>> -> memref<1x128x64xf32, #tpu.memory_space<vmem>>
    %dma_wait3A_163 = tpu.memref_squeeze %dma_wait3A_162 : memref<1x128x64xf32, #tpu.memory_space<vmem>> -> memref<128x64xf32, #tpu.memory_space<vmem>>
    tpu.wait_dma2 semaphore(%arg16 : memref<!tpu.dma_semaphore, #tpu.memory_space<semaphore_mem>>) src(%dma_wait3A_163 : memref<128x64xf32, #tpu.memory_space<vmem>>) dst(%dma_wait3A_159 : memref<128x64xf32, #tpu.memory_space<hbm>>)
    %add3A_164 = arith.constant 507904 : i32
    %add3A_165 = arith.addi %add3A_164, %mul3A_2 : i32
    %add3A_166 = arith.constant 0 : i32
    %add3A_167 = arith.addi %add3A_165, %add3A_166 : i32
    %dma_wait3A_168 = arith.constant 4 : i32
    %dma_wait3A_169 = arith.constant 0 : i32
    %dma_wait3A_170 = arith.constant 0 : i32
    %dma_wait3A_171 = tpu.memref_slice %arg5[%dma_wait3A_168, %dma_wait3A_169, %dma_wait3A_170] : memref<6x128x64xf32, #tpu.memory_space<vmem>> -> memref<1x128x64xf32, #tpu.memory_space<vmem>>
    %dma_wait3A_172 = tpu.memref_squeeze %dma_wait3A_171 : memref<1x128x64xf32, #tpu.memory_space<vmem>> -> memref<128x64xf32, #tpu.memory_space<vmem>>
    %dma_wait3A_173 = arith.constant 0 : i32
    %dma_wait3A_174 = tpu.memref_slice %arg4[%add3A_167, %dma_wait3A_173] : memref<524288x64xf32, #tpu.memory_space<hbm>> -> memref<128x64xf32, #tpu.memory_space<hbm>>
    %dma_wait3A_175 = arith.constant 0 : i32
    %dma_wait3A_176 = tpu.memref_slice %arg4[%add3A_167, %dma_wait3A_175] : memref<524288x64xf32, #tpu.memory_space<hbm>> -> memref<128x64xf32, #tpu.memory_space<hbm>>
    %dma_wait3A_177 = arith.constant 0 : i32
    %dma_wait3A_178 = arith.constant 0 : i32
    %dma_wait3A_179 = tpu.memref_slice %arg5[%dma_wait3A_168, %dma_wait3A_177, %dma_wait3A_178] : memref<6x128x64xf32, #tpu.memory_space<vmem>> -> memref<1x128x64xf32, #tpu.memory_space<vmem>>
    %dma_wait3A_180 = tpu.memref_squeeze %dma_wait3A_179 : memref<1x128x64xf32, #tpu.memory_space<vmem>> -> memref<128x64xf32, #tpu.memory_space<vmem>>
    tpu.wait_dma2 semaphore(%arg17 : memref<!tpu.dma_semaphore, #tpu.memory_space<semaphore_mem>>) src(%dma_wait3A_180 : memref<128x64xf32, #tpu.memory_space<vmem>>) dst(%dma_wait3A_176 : memref<128x64xf32, #tpu.memory_space<hbm>>)
    %add3A_181 = arith.constant 507904 : i32
    %add3A_182 = arith.addi %add3A_181, %mul3A_2 : i32
    %add3A_183 = arith.constant 128 : i32
    %add3A_184 = arith.addi %add3A_182, %add3A_183 : i32
    %dma_wait3A_185 = arith.constant 5 : i32
    %dma_wait3A_186 = arith.constant 0 : i32
    %dma_wait3A_187 = arith.constant 0 : i32
    %dma_wait3A_188 = tpu.memref_slice %arg5[%dma_wait3A_185, %dma_wait3A_186, %dma_wait3A_187] : memref<6x128x64xf32, #tpu.memory_space<vmem>> -> memref<1x128x64xf32, #tpu.memory_space<vmem>>
    %dma_wait3A_189 = tpu.memref_squeeze %dma_wait3A_188 : memref<1x128x64xf32, #tpu.memory_space<vmem>> -> memref<128x64xf32, #tpu.memory_space<vmem>>
    %dma_wait3A_190 = arith.constant 0 : i32
    %dma_wait3A_191 = tpu.memref_slice %arg4[%add3A_184, %dma_wait3A_190] : memref<524288x64xf32, #tpu.memory_space<hbm>> -> memref<128x64xf32, #tpu.memory_space<hbm>>
    %dma_wait3A_192 = arith.constant 0 : i32
    %dma_wait3A_193 = tpu.memref_slice %arg4[%add3A_184, %dma_wait3A_192] : memref<524288x64xf32, #tpu.memory_space<hbm>> -> memref<128x64xf32, #tpu.memory_space<hbm>>
    %dma_wait3A_194 = arith.constant 0 : i32
    %dma_wait3A_195 = arith.constant 0 : i32
    %dma_wait3A_196 = tpu.memref_slice %arg5[%dma_wait3A_185, %dma_wait3A_194, %dma_wait3A_195] : memref<6x128x64xf32, #tpu.memory_space<vmem>> -> memref<1x128x64xf32, #tpu.memory_space<vmem>>
    %dma_wait3A_197 = tpu.memref_squeeze %dma_wait3A_196 : memref<1x128x64xf32, #tpu.memory_space<vmem>> -> memref<128x64xf32, #tpu.memory_space<vmem>>
    tpu.wait_dma2 semaphore(%arg18 : memref<!tpu.dma_semaphore, #tpu.memory_space<semaphore_mem>>) src(%dma_wait3A_197 : memref<128x64xf32, #tpu.memory_space<vmem>>) dst(%dma_wait3A_193 : memref<128x64xf32, #tpu.memory_space<hbm>>)
    %add3A_198 = arith.constant 516096 : i32
    %add3A_199 = arith.addi %add3A_198, %mul3A_2 : i32
    %add3A_200 = arith.constant 0 : i32
    %add3A_201 = arith.addi %add3A_199, %add3A_200 : i32
    %dma_wait3A_202 = arith.constant 0 : i32
    %dma_wait3A_203 = arith.constant 0 : i32
    %dma_wait3A_204 = arith.constant 0 : i32
    %dma_wait3A_205 = tpu.memref_slice %arg5[%dma_wait3A_202, %dma_wait3A_203, %dma_wait3A_204] : memref<6x128x64xf32, #tpu.memory_space<vmem>> -> memref<1x128x64xf32, #tpu.memory_space<vmem>>
    %dma_wait3A_206 = tpu.memref_squeeze %dma_wait3A_205 : memref<1x128x64xf32, #tpu.memory_space<vmem>> -> memref<128x64xf32, #tpu.memory_space<vmem>>
    %dma_wait3A_207 = arith.constant 0 : i32
    %dma_wait3A_208 = tpu.memref_slice %arg4[%add3A_201, %dma_wait3A_207] : memref<524288x64xf32, #tpu.memory_space<hbm>> -> memref<128x64xf32, #tpu.memory_space<hbm>>
    %dma_wait3A_209 = arith.constant 0 : i32
    %dma_wait3A_210 = tpu.memref_slice %arg4[%add3A_201, %dma_wait3A_209] : memref<524288x64xf32, #tpu.memory_space<hbm>> -> memref<128x64xf32, #tpu.memory_space<hbm>>
    %dma_wait3A_211 = arith.constant 0 : i32
    %dma_wait3A_212 = arith.constant 0 : i32
    %dma_wait3A_213 = tpu.memref_slice %arg5[%dma_wait3A_202, %dma_wait3A_211, %dma_wait3A_212] : memref<6x128x64xf32, #tpu.memory_space<vmem>> -> memref<1x128x64xf32, #tpu.memory_space<vmem>>
    %dma_wait3A_214 = tpu.memref_squeeze %dma_wait3A_213 : memref<1x128x64xf32, #tpu.memory_space<vmem>> -> memref<128x64xf32, #tpu.memory_space<vmem>>
    tpu.wait_dma2 semaphore(%arg13 : memref<!tpu.dma_semaphore, #tpu.memory_space<semaphore_mem>>) src(%dma_wait3A_214 : memref<128x64xf32, #tpu.memory_space<vmem>>) dst(%dma_wait3A_210 : memref<128x64xf32, #tpu.memory_space<hbm>>)
    %add3A_215 = arith.constant 516096 : i32
    %add3A_216 = arith.addi %add3A_215, %mul3A_2 : i32
    %add3A_217 = arith.constant 128 : i32
    %add3A_218 = arith.addi %add3A_216, %add3A_217 : i32
    %dma_wait3A_219 = arith.constant 1 : i32
    %dma_wait3A_220 = arith.constant 0 : i32
    %dma_wait3A_221 = arith.constant 0 : i32
    %dma_wait3A_222 = tpu.memref_slice %arg5[%dma_wait3A_219, %dma_wait3A_220, %dma_wait3A_221] : memref<6x128x64xf32, #tpu.memory_space<vmem>> -> memref<1x128x64xf32, #tpu.memory_space<vmem>>
    %dma_wait3A_223 = tpu.memref_squeeze %dma_wait3A_222 : memref<1x128x64xf32, #tpu.memory_space<vmem>> -> memref<128x64xf32, #tpu.memory_space<vmem>>
    %dma_wait3A_224 = arith.constant 0 : i32
    %dma_wait3A_225 = tpu.memref_slice %arg4[%add3A_218, %dma_wait3A_224] : memref<524288x64xf32, #tpu.memory_space<hbm>> -> memref<128x64xf32, #tpu.memory_space<hbm>>
    %dma_wait3A_226 = arith.constant 0 : i32
    %dma_wait3A_227 = tpu.memref_slice %arg4[%add3A_218, %dma_wait3A_226] : memref<524288x64xf32, #tpu.memory_space<hbm>> -> memref<128x64xf32, #tpu.memory_space<hbm>>
    %dma_wait3A_228 = arith.constant 0 : i32
    %dma_wait3A_229 = arith.constant 0 : i32
    %dma_wait3A_230 = tpu.memref_slice %arg5[%dma_wait3A_219, %dma_wait3A_228, %dma_wait3A_229] : memref<6x128x64xf32, #tpu.memory_space<vmem>> -> memref<1x128x64xf32, #tpu.memory_space<vmem>>
    %dma_wait3A_231 = tpu.memref_squeeze %dma_wait3A_230 : memref<1x128x64xf32, #tpu.memory_space<vmem>> -> memref<128x64xf32, #tpu.memory_space<vmem>>
    tpu.wait_dma2 semaphore(%arg14 : memref<!tpu.dma_semaphore, #tpu.memory_space<semaphore_mem>>) src(%dma_wait3A_231 : memref<128x64xf32, #tpu.memory_space<vmem>>) dst(%dma_wait3A_227 : memref<128x64xf32, #tpu.memory_space<hbm>>)
    return
  }
}

</mosaic_0001>

<sc_bundles>
// kernel: kernel.3.cloned.1.call-start
scs
__scs_entry_jumppad:
0x0: {  	(pc) =	sbr.rel $0x88, $3  }
0x1: {  	(tag) =	ssettag $0x0;
	lr =	simm.s32 $0x1  }
0x2: {  	[smem:$0x3F9F] =	sst lr;
	_ =	strace $0xD0000000  }
0x3: {  	_ = 	snop  }
0x4: {  	_ = 	snop  }
0x5: {  	_ = 	snop  }
0x6: {  	_ = 	snop  }
0x7: {  	_ = 	snop  }
__scs_overlays_trampoline_lowered:
0x8: {  	[smem:$0x3FAE] =	sst s0  }
0x9: {  	[smem:$0x3FAF] =	sst s1  }
0xa: {  	[smem:$0x3FB0] =	sst s2  }
0xb: {  	[smem:$0x3FB1] =	sst s3  }
0xc: {  	[smem:$0x3FB2] =	sst s4  }
0xd: {  	[smem:$0x3FB3] =	sst s5  }
0xe: {  	[smem:$0x3FB4] =	sst s6  }
0xf: {  	[smem:$0x3FB5] =	sst s7  }
0x10: {  	[smem:$0x3FB6] =	sst s8  }
0x11: {  	[smem:$0x3FB7] =	sst s9;
	s0 =	simm.s32 @!p0 $0x0  }
0x12: {  	s1 =	sld [smem:$0x3F9D];
	s0 =	simm.s32 @p0 $0x1  }
0x13: {  	[smem:$0x3FB8] =	sst s0;
	s0 =	simm.s32 @!p1 $0x0  }
0x14: {  	s2 =	sld [smem:$0x3F9C];
	s0 =	simm.s32 @p1 $0x1  }
0x15: {  	[smem:$0x3FB9] =	sst s0;
	s0 =	simm.s32 @!p2 $0x0  }
0x16: {  	s3 =	sld [smem:$0x3FDB];
	s0 =	simm.s32 @p2 $0x1  }
0x17: {  	s4 =	simm.s32 $0x1BF5;
	[smem:$0x3FBB] =	sst s0  }
0x18: {  	s0 =	sld [smem:$0x3F9E];
	_ =	swait.ge [sflag:s4], $0x0  }
0x19: {  	s7 =	sld [smem:$0x3F9F]  }
0x1a: {  	s8 =	sadd.s32 $0xFFFFE003, lr  }
0x1b: {  	s9 =	sadd.s32 $0xFFFFFEF7, lr;
	s5 =	simm.s32 $0xFFFFFFFF;
	p2 =	slt.u32 s8, $0xFFFFF086  }
0x1c: {  	p1 =	slt.u32 s9, $0xF7A;
	s5 =	simm.s32 @!p2 $0x0  }
0x1d: {  	s5 =	simm.s32 @p1 $0x1;
	p0 =	seq.s32 s7, s2  }
0x1e: {  	s7 =	smul.u32 @!p0 $0xF7A, s2;
	p2 =	seq.s32 @!p0 s5, $0x0  }
0x1f: {  	s9 =	smul.u32 $0xF7A, s1;
	s8 =	simm.s32 @!p0 $0x1BF5;
	p2 =	por !p2, p0  }
0x20: {  	[sflag:s8] =	ssyncset.s32 @!p0 $0xFFFFF086;
	s6 =	sadd.s32 @!p0 s3, s7;
	s7 =	simm.s32 @!p0 $0x108  }
0x21: {  	s3 =	sadd.s32 s3, s9;
	s6 =	sadd.s32 @!p0 $0x88, s6;
	s7 =	simm.s32 @p2 $0x1082  }
0x22: {  	[simem:s7], [sflag:s8] =	dma.local @!p0 [hbm:s6], $0xF7A  }
0x23: {  	s9 =	sor.u32 $0xD0000000, s2;
	s6 =	simm.s32 $0x108;
	_ =	swait.ge @!p0 [sflag:s8], $0x0  }
0x24: {  	s3 =	sadd.s32 $0x88, s3;
	s6 =	simm.s32 @!p1 $0x1082;
	[sflag:s4] =	ssyncset.s32 $0xFFFFF086  }
0x25: {  	[simem:s6], [sflag:s4] =	dma.local [hbm:s3], $0xF7A  }
0x26: {  	[smem:$0x3F9F] =	sst s1;
	(tag) =	ssettag s2;
	_ =	strace s9  }
0x27: {  	s1 =	sld [smem:$0x3FAF]  }
0x28: {  	s2 =	sld [smem:$0x3FB0]  }
0x29: {  	s4 =	sld [smem:$0x3FB2]  }
0x2a: {  	p0 =	seq.s32 s5, $0x0;
	s5 =	sld [smem:$0x3FB3]  }
0x2b: {  	s6 =	sld [smem:$0x3FB4]  }
0x2c: {  	s7 =	sld [smem:$0x3FB5]  }
0x2d: {  	s3 =	simm.s32 $0x108;
	s8 =	sld [smem:$0x3FB6]  }
0x2e: {  	s3 =	simm.s32 @!p0 $0x1082;
	s9 =	sld [smem:$0x3FB7]  }
0x2f: {  	lr =	sadd.s32 s0, s3;
	s0 =	sld [smem:$0x3FAE]  }
0x30: {  	s3 =	sld [smem:$0x3FB1]  }
0x31: {  	[smem:$0x3FBA] =	sst s10  }
0x32: {  	s10 =	sld [smem:$0x3FB8];
	_ =	sdelay $0x3  }
0x33: {  	p0 =	seq.s32 s10, $0x1;
	s10 =	sld [smem:$0x3FBA];
	_ =	sdelay $0x3  }
0x34: {  	[smem:$0x3FBA] =	sst s10  }
0x35: {  	s10 =	sld [smem:$0x3FB9];
	_ =	sdelay $0x3  }
0x36: {  	p1 =	seq.s32 s10, $0x1;
	s10 =	sld [smem:$0x3FBA];
	_ =	sdelay $0x3  }
0x37: {  	[smem:$0x3FBA] =	sst s10  }
0x38: {  	s10 =	sld [smem:$0x3FBB]  }
0x39: {  	_ = 	snop;
	(pc) =	sbr.ind lr, $3  }
0x3a: {  	_ = 	snop  }
0x3b: {  	_ = 	snop  }
0x3c: {  	p2 =	seq.s32 s10, $0x1;
	s10 =	sld [smem:$0x3FBA]  }
0x3d: {  	_ =	shalt  }
0x3e: {  	_ =	shalt  }
0x3f: {  	_ =	shalt  }
0x40: {  	_ =	shalt  }
0x41: {  	_ =	shalt  }
0x42: {  	_ =	shalt  }
0x43: {  	_ =	shalt  }
0x44: {  	_ =	shalt  }
0x45: {  	_ =	shalt  }
0x46: {  	_ =	shalt  }
0x47: {  	_ =	shalt  }
0x48: {  	_ =	shalt  }
0x49: {  	_ =	shalt  }
0x4a: {  	_ =	shalt  }
0x4b: {  	_ =	shalt  }
0x4c: {  	_ =	shalt  }
0x4d: {  	_ =	shalt  }
0x4e: {  	_ =	shalt  }
0x4f: {  	_ =	shalt  }
0x50: {  	_ =	shalt  }
0x51: {  	_ =	shalt  }
0x52: {  	_ =	shalt  }
0x53: {  	_ =	shalt  }
0x54: {  	_ =	shalt  }
0x55: {  	_ =	shalt  }
0x56: {  	_ =	shalt  }
0x57: {  	_ =	shalt  }
0x58: {  	_ =	shalt  }
0x59: {  	_ =	shalt  }
0x5a: {  	_ =	shalt  }
0x5b: {  	_ =	shalt  }
0x5c: {  	_ =	shalt  }
0x5d: {  	_ =	shalt  }
0x5e: {  	_ =	shalt  }
0x5f: {  	_ =	shalt  }
0x60: {  	_ =	shalt  }
0x61: {  	_ =	shalt  }
0x62: {  	_ =	shalt  }
0x63: {  	_ =	shalt  }
0x64: {  	_ =	shalt  }
0x65: {  	_ =	shalt  }
0x66: {  	_ =	shalt  }
0x67: {  	_ =	shalt  }
0x68: {  	_ =	shalt  }
0x69: {  	_ =	shalt  }
0x6a: {  	_ =	shalt  }
0x6b: {  	_ =	shalt  }
0x6c: {  	_ =	shalt  }
0x6d: {  	_ =	shalt  }
0x6e: {  	_ =	shalt  }
0x6f: {  	_ =	shalt  }
0x70: {  	_ =	shalt  }
0x71: {  	_ =	shalt  }
0x72: {  	_ =	shalt  }
0x73: {  	_ =	shalt  }
0x74: {  	_ =	shalt  }
0x75: {  	_ =	shalt  }
0x76: {  	_ =	shalt  }
0x77: {  	_ =	shalt  }
0x78: {  	_ =	shalt  }
0x79: {  	_ =	shalt  }
0x7a: {  	_ =	shalt  }
0x7b: {  	_ =	shalt  }
0x7c: {  	_ =	shalt  }
0x7d: {  	_ =	shalt  }
0x7e: {  	_ =	shalt  }
0x7f: {  	_ =	shalt  }
0x80: {  	_ =	shalt  }
0x81: {  	_ =	shalt  }
0x82: {  	_ =	shalt  }
0x83: {  	_ =	shalt  }
0x84: {  	_ =	shalt  }
0x85: {  	_ =	shalt  }
0x86: {  	_ =	shalt  }
0x87: {  	_ =	shalt  }
.Lfunc_end0:
.L_simem_size_0:
called_computation.1_lowered:
.L_overlay_start_0:
0x88: {  	s2 =	sld [smem:$0x3FD9]  }
0x89: {  	s3 =	sld [smem:$0x3FFE];
	_ =	sdelay $0x1  }
0x8a: {  	s1 =	srdreg.scid  }
0x8b: {  	s0 =	sand.u32 $0x1, s1  }
0x8c: {  	s17 =	sshll.u32 s0, $0xA;
	s2 =	sadd.s32 s3, s2  }
0x8d: {  	s2 =	sadd.s32 s2, s17  }
0x8e: {  	[smem:$0x3FC6] =	sst s2  }
0x8f: {  	_ = 	snop  }
0x90: {  	s2 =	sld [smem:$0x3FD0];
	(tm) =	ssettm $0x1  }
0x91: {  	s18 =	sld [smem:$0x3FFB];
	_ =	sdelay $0x3  }
0x92: {  	_ =	strace s18  }
0x93: {  	s3 =	sld [smem:$0x3FFC];
	_ =	sdelay $0x3  }
0x94: {  	_ =	strace s3  }
0x95: {  	s3 =	sld [smem:$0x3FFD];
	_ =	sdelay $0x3  }
0x96: {  	_ =	strace s3  }
0x97: {  	_ =	strace $0x8FFFFFFF  }
0x98: {  	s19 =	sld [smem:$0x3FDB];
	_ =	sdelay $0x1  }
0x99: {  	s4 =	simm.s32 $_scs_section_size  }
0x9a: {  	s5 =	simm.s32 $_size__tile_overlayer_lowered;
	s6 =	simm.s32 $_tile_overlayer_lowered  }
0x9b: {  	s22 =	simm.s32 $0x1BFF;
	s21 =	sshll.u32 s6, $0x1;
	s3 =	sadd.s32 s4, s19  }
0x9c: {  	s7 =	simm.s32 $0x0;
	s20 =	sshll.u32 s5, $0x1;
	s5 =	sadd.s32 s21, s3  }
0x9d: {  	[timem:s7], [sflag:s22] =	dma.local [hbm:s5], s20  }
0x9e: {  	_ =	swait.ge [sflag:s22], s20  }
0x9f: {  	s4 =	ssub.s32 $0x0, s20;
	[sflag:s22] =	ssyncset.done $0x0  }
0xa0: {  	[sflag:s22] =	ssyncadd.s32 s4;
	_ =	sdelay $0x1  }
0xa1: {  	s23 =	simm.s32 $0x1B8B  }
0xa2: {  	_ =	swait.ge [sflag:s23], $0x1  }
0xa3: {  	[sflag:s23] =	ssyncset.done $0x0  }
0xa4: {  	s25 =	simm.s32 $0x1B8E;
	s24 =	sld [smem:$0x3FFE];
	[sflag:s23] =	ssyncadd.s32 $0xFFFFFFFF  }
0xa5: {  	s26 =	simm.s32 $execute0_lowered;
	[smem:$0x3FD2] =	sst s25  }
0xa6: {  	s5 =	sshll.u32 s26, $0x1;
	_ =	strace $0x80000046;
	[dreg:$0x1] =	wrdreg $0xFFFFFFFF  }
0xa7: {  	s28 =	simm.s32 $_size_execute0_lowered;
	s3 =	sadd.s32 s3, s5;
	[dreg:$0x0] =	wrdreg $0x0  }
0xa8: {  	s5 =	sshll.u32 s28, $0x1;
	[dreg:$0x2] =	wrdreg s3  }
0xa9: {  	[dreg:$0x3] =	wrdreg s5  }
0xaa: {  	[dreg:$0x4] =	wrdreg $0xC0  }
0xab: {  	_ =	task [dreg:s7], $0x5FFFF  }
0xac: {  	[dreg:$0x1] =	wrdreg $0xFFFFFFFF  }
0xad: {  	[dreg:$0x0] =	wrdreg $0x60  }
0xae: {  	[dreg:$0x2] =	wrdreg s24  }
0xaf: {  	[dreg:$0x3] =	wrdreg s2  }
0xb0: {  	[dreg:$0x4] =	wrdreg $0x9  }
0xb1: {  	_ =	task.clear_ibuf [dreg:s7], $0x5FFFF;
	_ =	strace $0x90000046  }
0xb2: {  	s29 =	simm.s32 $0x9;
	_ =	strace $0x80000048  }
0xb3: {  	_ =	swait.ge [sflag:s29], $0x1  }
0xb4: {  	[sflag:s29] =	ssyncadd.s32 $0xFFFFFFFF  }
0xb5: {  	_ =	strace $0x90000048  }
0xb6: {  	_ =	sfence  }
0xb7: {  	s30 =	sld [smem:$0x0];
	_ =	sdelay $0x2  }
0xb8: {  	s31 =	sshll.u32 s1, $0xD;
	s1 =	sshrl.u32 s1, $0x2  }
0xb9: {  	s3 =	sand.u32 $0x4000, s31;
	s1 =	sadd.s32 s1, s30  }
0xba: {  	s0 =	sor.u32 s3, s0;
	s1 =	sshll.u32 s1, $0x11  }
0xbb: {  	s0 =	sor.u32 s1, s0  }
0xbc: {  	s0 =	sadd.s32 $0x8F2B, s0  }
0xbd: {  	[sflag:s0] =	ssyncadd.remote.s32 $0x1  }
0xbe: {  	_ =	sfence.sel $0xFFFF  }
0xbf: {  	[dreg:$0x0] =	wrdreg $0xFFFFFFFF;
	(pc) =	sbr.abs _section_cstart, $3  }
0xc0: {  	[dreg:$0x1] =	wrdreg $0xFFFFFFFF  }
0xc1: {  	_ =	task.clear_ibuf [dreg:s7], $0x2FFFF;
	_ =	strace $0x9FFFFFFF  }
0xc2: {  	(tm) =	ssettm $0x7FFFFFFF  }
0xc3: {  	_ =	shalt  }
tec
execute0_lowered:
.L_overlay_start_1:
0x0: {  	(tag) =	ssettag $0x1  }
0x1: {  	s0 =	rddreg [dreg:$0x0]  }
0x2: {  	s2 =	rddreg [dreg:$0x1]  }
0x3: {  	s1 =	simm.s32 $0x0;
	s3 =	srdreg.scid;
	s4 =	stileid.u32  }
0x4: {  	s28 =	simm.s32 $0xC000;
	s29 =	simm.s32 $0x2;
	s30 =	simm.s32 $0x10000  }
0x5: {  	s31 =	simm.s32 $0x3;
	[smem:$0x7FF] =	sst s1;
	s5 =	sand.u32 $0x1, s3  }
0x6: {  	s3 =	sadd.s32 $0xA00, s0;
	s8 =	sshll.u32 s4, $0x1;
	s4 =	sadd.s32 $0x800A00, s0  }
0x7: {  	s10 =	sadd.s32 $0x1200, s0;
	s17 =	sadd.s32 $0x801200, s0;
	s0 =	simm.s32 $0x14000  }
0x8: {  	_ =	strace $0x80000047;
	s6 =	ssub.s32 $0x2, s5;
	s5 =	sor.u32 s5, s8  }
0x9: {  	s9 =	smov.u32 s10;
	s7 =	sshrl.u32 s6, $0x1;
	s18 =	sshll.u32 s5, $0xB  }
0xa: {  	s8 =	sshll.u32 s5, $0xC;
	s5 =	sshll.u32 s5, $0xF;
	s2 =	sadd.s32 s2, s18  }
0xb: {  	s6 =	ssub.s32 s6, s7;
	s20 =	sadd.s32 s8, s10;
	[dreg:$0x3] =	wrdreg s2  }
0xc: {  	s19 =	sadd.s32 s3, s8;
	s21 =	sor.u32 $0x20800, s8;
	[dreg:$0x5] =	wrdreg s20  }
0xd: {  	s22 =	sor.u32 $0x40000, s8;
	s23 =	sor.u32 $0x40800, s8;
	[dreg:$0x4] =	wrdreg s19  }
0xe: {  	s14 =	sor.u32 $0x100000, s5;
	s15 =	sor.u32 $0x300000, s5;
	[dreg:$0x7] =	wrdreg s21  }
0xf: {  	s16 =	sadd.s32 s4, s8;
	s13 =	smov.u32 s5;
	[dreg:$0x8] =	wrdreg s22  }
0x10: {  	s18 =	sor.u32 $0x400000, s5;
	s2 =	sadd.s32 $0x20000, s19;
	[dreg:$0x9] =	wrdreg s23  }
0x11: {  	s8 =	simm.s32 $0x8;
	s24 =	sadd.s32 $0x7E0000, s16;
	[dreg:$0x6] =	wrdreg s2  }
0x12: {  	s10 =	simm.s32 $0x6;
	s25 =	sadd.s32 $0x7E0800, s16;
	[dreg:$0xa] =	wrdreg s24  }
0x13: {  	s7 =	simm.s32 $0x0;
	s26 =	smax.u32 s6, $0x1;
	[dreg:$0xb] =	wrdreg s25  }
0x14: {  	s22 =	simm.s32 $0x7;
	s6 =	simm.s32 $0x5;
	[dreg:$0xc] =	wrdreg s26  }
0x15: {  	s24 =	simm.s32 $0x4000;
	s26 =	simm.s32 $0x1;
	s2 =	simm.s32 $0x4  }
.LBB2_1:
0x16: {  	[dreg:$0xd] =	wrdreg s7  }
0x17: {  	s5 =	rddreg [dreg:$0x3];
	s12 =	simm.s32 $0x18000;
	s19 =	simm.s32 $0xD  }
0x18: {  	[tilespmem:s12], [sflag:$0xD] =	stream.linear.gather [hbm4b:s5+s1], $0x4000, $0x38;
	[tilespmem:$0x1C000] =	vst v63  }
0x19: {  	_ =	swait.ge [sflag:s19], $0x4000  }
0x1a: {  	[sflag:s19] =	ssyncset.done $0x0  }
0x1b: {  	s20 =	rddreg [dreg:$0x4];
	[sflag:s19] =	ssyncadd.s32 $0xFFFFC000  }
0x1c: {  	[tilespmem:s1], [sflag:$0x1] =	stream.linear.gather [hbm4b:s20+s1], $0x4000, $0x38;
	[tilespmem:$0x1C000] =	vst v63  }
0x1d: {  	s21 =	rddreg [dreg:$0x5]  }
0x1e: {  	[tilespmem:s24], [sflag:$0x2] =	stream.linear.gather [hbm4b:s21+s1], $0x4000, $0x38;
	[tilespmem:$0x1C000] =	vst v63  }
0x1f: {  	s25 =	simm.s32 $0x8000;
	s23 =	rddreg [dreg:$0x6];
	s19 =	simm.s32 $0x0  }
0x20: {  	[tilespmem:s25], [sflag:$0x3] =	stream.linear.gather [hbm4b:s23+s1], $0x4000, $0x38;
	[tilespmem:$0x1C000] =	vst v63  }
.LBB2_2:
0x21: {  	_ =	swait.ge [sflag:s26], $0x4000  }
0x22: {  	p0 =	seq.s32 s19, $0x0;
	[sflag:s26] =	ssyncset.done $0x0  }
0x23: {  	s5 =	simm.s32 @!p0 $0xA;
	[sflag:s26] =	ssyncadd.s32 $0xFFFFC000  }
0x24: {  	s7 =	smul.u32 $0x60000, s19;
	_ =	swait.ge @!p0 [sflag:s5], $0x4000  }
0x25: {  	s11 =	rddreg [dreg:$0x7]  }
0x26: {  	s25 =	simm.s32 $0x0;
	[sflag:s5] =	ssyncset.done @!p0 $0x0;
	s20 =	sadd.s32 s11, s7  }
0x27: {  	s21 =	simm.s32 $0x0;
	[sflag:s5] =	ssyncadd.s32 @!p0 $0xFFFFC000;
	s23 =	sadd.s32 s3, s20  }
0x28: {  	[tilespmem:s28], [sflag:$0x4] =	stream.linear.gather [hbm4b:s23+s25], $0x4000, $0x38;
	[tilespmem:$0x1C000] =	vst v63  }
0x29: {  	v0 =	vld [tilespmem:s21+$0x181B0]  }
0x2a: {  	v1 =	vld [tilespmem:s21+$0x18000]  }
0x2b: {  	v2 =	vld [tilespmem:s21+$0x18010]  }
0x2c: {  	v3 =	vld [tilespmem:s21+$0x18020]  }
0x2d: {  	v4 =	vld [tilespmem:s21+$0x18030]  }
0x2e: {  	v5 =	vld [tilespmem:s21+$0x18080]  }
0x2f: {  	v6 =	vld [tilespmem:s21+$0x18090]  }
0x30: {  	v7 =	vld [tilespmem:s21+$0x180A0]  }
0x31: {  	v8 =	vld [tilespmem:s21+$0x180B0]  }
0x32: {  	v9 =	vld [tilespmem:s21+$0x18100]  }
0x33: {  	v10 =	vld [tilespmem:s21+$0x18110]  }
0x34: {  	v11 =	vld [tilespmem:s21+$0x18120]  }
0x35: {  	v12 =	vld [tilespmem:s21+$0x18130]  }
0x36: {  	v13 =	vld [tilespmem:s21+$0x18180]  }
0x37: {  	v14 =	vld [tilespmem:s21+$0x18190]  }
0x38: {  	[tilespmem:s21+$0x1B0] =	vst.add.f32.msk $0xffff, v0  }
0x39: {  	v0 =	vld [tilespmem:s21+$0x181A0]  }
0x3a: {  	[tilespmem:s21+$0x0] =	vst.add.f32.msk $0xffff, v1  }
0x3b: {  	[tilespmem:s21+$0x10] =	vst.add.f32.msk $0xffff, v2  }
0x3c: {  	[tilespmem:s21+$0x20] =	vst.add.f32.msk $0xffff, v3  }
0x3d: {  	[tilespmem:s21+$0x30] =	vst.add.f32.msk $0xffff, v4  }
0x3e: {  	[tilespmem:s21+$0x80] =	vst.add.f32.msk $0xffff, v5  }
0x3f: {  	[tilespmem:s21+$0x90] =	vst.add.f32.msk $0xffff, v6  }
0x40: {  	[tilespmem:s21+$0xA0] =	vst.add.f32.msk $0xffff, v7  }
0x41: {  	[tilespmem:s21+$0xB0] =	vst.add.f32.msk $0xffff, v8  }
0x42: {  	[tilespmem:s21+$0x100] =	vst.add.f32.msk $0xffff, v9  }
0x43: {  	[tilespmem:s21+$0x110] =	vst.add.f32.msk $0xffff, v10  }
0x44: {  	[tilespmem:s21+$0x120] =	vst.add.f32.msk $0xffff, v11  }
0x45: {  	[tilespmem:s21+$0x130] =	vst.add.f32.msk $0xffff, v12  }
0x46: {  	[tilespmem:s21+$0x180] =	vst.add.f32.msk $0xffff, v13  }
0x47: {  	s5 =	simm.s32 $0x0;
	s11 =	simm.s32 $0x800;
	[tilespmem:s21+$0x190] =	vst.add.f32.msk $0xffff, v14  }
.LBB2_3:
0x48: {  	s5 =	sadd.s32 $0x4, s5;
	[tilespmem:s21+$0x1A0] =	vst.add.f32.msk $0xffff, v0;
	s21 =	sshra.s32 s11, $0x2  }
0x49: {  	v0 =	vld [tilespmem:s21+$0x181B0];
	p1 =	slt.u32 s5, $0x7C  }
0x4a: {  	v1 =	vld [tilespmem:s21+$0x18000]  }
0x4b: {  	v2 =	vld [tilespmem:s21+$0x18010]  }
0x4c: {  	v3 =	vld [tilespmem:s21+$0x18020]  }
0x4d: {  	v4 =	vld [tilespmem:s21+$0x18030]  }
0x4e: {  	[tilespmem:s21+$0x1B0] =	vst.add.f32.msk $0xffff, v0  }
0x4f: {  	v5 =	vld [tilespmem:s21+$0x18080]  }
0x50: {  	v6 =	vld [tilespmem:s21+$0x18090]  }
0x51: {  	v7 =	vld [tilespmem:s21+$0x180A0]  }
0x52: {  	v8 =	vld [tilespmem:s21+$0x180B0]  }
0x53: {  	v9 =	vld [tilespmem:s21+$0x18100]  }
0x54: {  	v10 =	vld [tilespmem:s21+$0x18110]  }
0x55: {  	v11 =	vld [tilespmem:s21+$0x18120]  }
0x56: {  	v12 =	vld [tilespmem:s21+$0x18130]  }
0x57: {  	v13 =	vld [tilespmem:s21+$0x18180]  }
0x58: {  	v14 =	vld [tilespmem:s21+$0x18190]  }
0x59: {  	v0 =	vld [tilespmem:s21+$0x181A0]  }
0x5a: {  	[tilespmem:s21+$0x0] =	vst.add.f32.msk $0xffff, v1  }
0x5b: {  	[tilespmem:s21+$0x10] =	vst.add.f32.msk $0xffff, v2  }
0x5c: {  	[tilespmem:s21+$0x20] =	vst.add.f32.msk $0xffff, v3  }
0x5d: {  	[tilespmem:s21+$0x30] =	vst.add.f32.msk $0xffff, v4  }
0x5e: {  	[tilespmem:s21+$0x80] =	vst.add.f32.msk $0xffff, v5  }
0x5f: {  	[tilespmem:s21+$0x90] =	vst.add.f32.msk $0xffff, v6  }
0x60: {  	[tilespmem:s21+$0xA0] =	vst.add.f32.msk $0xffff, v7  }
0x61: {  	[tilespmem:s21+$0xB0] =	vst.add.f32.msk $0xffff, v8  }
0x62: {  	[tilespmem:s21+$0x100] =	vst.add.f32.msk $0xffff, v9  }
.Ltmp0:
0x63: {  	[tilespmem:s21+$0x110] =	vst.add.f32.msk $0xffff, v10;
	(pc) =	sbr.rel @p1 .LBB2_3-.Ltmp0, $4  }
0x64: {  	[tilespmem:s21+$0x120] =	vst.add.f32.msk $0xffff, v11  }
0x65: {  	[tilespmem:s21+$0x130] =	vst.add.f32.msk $0xffff, v12  }
0x66: {  	[tilespmem:s21+$0x180] =	vst.add.f32.msk $0xffff, v13  }
0x67: {  	s11 =	sadd.s32 $0x800, s11;
	[tilespmem:s21+$0x190] =	vst.add.f32.msk $0xffff, v14  }
0x68: {  	[tilespmem:s21+$0x1A0] =	vst.add.f32.msk $0xffff, v0;
	s5 =	sadd.s32 s7, s16  }
0x69: {  	[hbm4b:s5+s1] =	stream.linear.scatter [tilespmem:s1], [sflag:$0x7], $0x4000, $0x38;
	[tilespmem:$0x1C000] =	vst v63  }
0x6a: {  	_ =	swait.ge [sflag:s29], $0x4000  }
0x6b: {  	[sflag:s29] =	ssyncset.done $0x0  }
0x6c: {  	s5 =	simm.s32 @!p0 $0xB;
	[sflag:s29] =	ssyncadd.s32 $0xFFFFC000  }
0x6d: {  	_ =	swait.ge @!p0 [sflag:s5], $0x4000  }
0x6e: {  	s11 =	rddreg [dreg:$0x8]  }
0x6f: {  	[sflag:s5] =	ssyncset.done @!p0 $0x0;
	s21 =	sadd.s32 s11, s7  }
0x70: {  	s25 =	simm.s32 $0x0;
	[sflag:s5] =	ssyncadd.s32 @!p0 $0xFFFFC000;
	s23 =	sadd.s32 s3, s21  }
0x71: {  	[tilespmem:s30], [sflag:$0x5] =	stream.linear.gather [hbm4b:s23+s25], $0x4000, $0x38;
	[tilespmem:$0x1C000] =	vst v63  }
0x72: {  	s25 =	simm.s32 $0x0  }
0x73: {  	v0 =	vld [tilespmem:s25+$0x181F0]  }
0x74: {  	v1 =	vld [tilespmem:s25+$0x18040]  }
0x75: {  	v2 =	vld [tilespmem:s25+$0x18050]  }
0x76: {  	v3 =	vld [tilespmem:s25+$0x18060]  }
0x77: {  	v4 =	vld [tilespmem:s25+$0x18070]  }
0x78: {  	v5 =	vld [tilespmem:s25+$0x180C0]  }
0x79: {  	v6 =	vld [tilespmem:s25+$0x180D0]  }
0x7a: {  	v7 =	vld [tilespmem:s25+$0x180E0]  }
0x7b: {  	v8 =	vld [tilespmem:s25+$0x180F0]  }
0x7c: {  	v9 =	vld [tilespmem:s25+$0x18140]  }
0x7d: {  	v10 =	vld [tilespmem:s25+$0x18150]  }
0x7e: {  	v11 =	vld [tilespmem:s25+$0x18160]  }
0x7f: {  	v12 =	vld [tilespmem:s25+$0x18170]  }
0x80: {  	v13 =	vld [tilespmem:s25+$0x181C0]  }
0x81: {  	v14 =	vld [tilespmem:s25+$0x181D0]  }
0x82: {  	[tilespmem:s25+$0x41B0] =	vst.add.f32.msk $0xffff, v0  }
0x83: {  	v0 =	vld [tilespmem:s25+$0x181E0]  }
0x84: {  	[tilespmem:s25+$0x4000] =	vst.add.f32.msk $0xffff, v1  }
0x85: {  	[tilespmem:s25+$0x4010] =	vst.add.f32.msk $0xffff, v2  }
0x86: {  	[tilespmem:s25+$0x4020] =	vst.add.f32.msk $0xffff, v3  }
0x87: {  	[tilespmem:s25+$0x4030] =	vst.add.f32.msk $0xffff, v4  }
0x88: {  	[tilespmem:s25+$0x4080] =	vst.add.f32.msk $0xffff, v5  }
0x89: {  	[tilespmem:s25+$0x4090] =	vst.add.f32.msk $0xffff, v6  }
0x8a: {  	[tilespmem:s25+$0x40A0] =	vst.add.f32.msk $0xffff, v7  }
0x8b: {  	[tilespmem:s25+$0x40B0] =	vst.add.f32.msk $0xffff, v8  }
0x8c: {  	[tilespmem:s25+$0x4100] =	vst.add.f32.msk $0xffff, v9  }
0x8d: {  	[tilespmem:s25+$0x4110] =	vst.add.f32.msk $0xffff, v10  }
0x8e: {  	[tilespmem:s25+$0x4120] =	vst.add.f32.msk $0xffff, v11  }
0x8f: {  	[tilespmem:s25+$0x4130] =	vst.add.f32.msk $0xffff, v12  }
0x90: {  	[tilespmem:s25+$0x4180] =	vst.add.f32.msk $0xffff, v13  }
0x91: {  	s5 =	simm.s32 $0x0;
	s11 =	simm.s32 $0x800;
	[tilespmem:s25+$0x4190] =	vst.add.f32.msk $0xffff, v14  }
.LBB2_5:
0x92: {  	s5 =	sadd.s32 $0x4, s5;
	[tilespmem:s25+$0x41A0] =	vst.add.f32.msk $0xffff, v0;
	s25 =	sshra.s32 s11, $0x2  }
0x93: {  	v0 =	vld [tilespmem:s25+$0x181F0];
	p1 =	slt.u32 s5, $0x7C  }
0x94: {  	v1 =	vld [tilespmem:s25+$0x18040]  }
0x95: {  	v2 =	vld [tilespmem:s25+$0x18050]  }
0x96: {  	v3 =	vld [tilespmem:s25+$0x18060]  }
0x97: {  	v4 =	vld [tilespmem:s25+$0x18070]  }
0x98: {  	[tilespmem:s25+$0x41B0] =	vst.add.f32.msk $0xffff, v0  }
0x99: {  	v5 =	vld [tilespmem:s25+$0x180C0]  }
0x9a: {  	v6 =	vld [tilespmem:s25+$0x180D0]  }
0x9b: {  	v7 =	vld [tilespmem:s25+$0x180E0]  }
0x9c: {  	v8 =	vld [tilespmem:s25+$0x180F0]  }
0x9d: {  	v9 =	vld [tilespmem:s25+$0x18140]  }
0x9e: {  	v10 =	vld [tilespmem:s25+$0x18150]  }
0x9f: {  	v11 =	vld [tilespmem:s25+$0x18160]  }
0xa0: {  	v12 =	vld [tilespmem:s25+$0x18170]  }
0xa1: {  	v13 =	vld [tilespmem:s25+$0x181C0]  }
0xa2: {  	v14 =	vld [tilespmem:s25+$0x181D0]  }
0xa3: {  	v0 =	vld [tilespmem:s25+$0x181E0]  }
0xa4: {  	[tilespmem:s25+$0x4000] =	vst.add.f32.msk $0xffff, v1  }
0xa5: {  	[tilespmem:s25+$0x4010] =	vst.add.f32.msk $0xffff, v2  }
0xa6: {  	[tilespmem:s25+$0x4020] =	vst.add.f32.msk $0xffff, v3  }
0xa7: {  	[tilespmem:s25+$0x4030] =	vst.add.f32.msk $0xffff, v4  }
0xa8: {  	[tilespmem:s25+$0x4080] =	vst.add.f32.msk $0xffff, v5  }
0xa9: {  	[tilespmem:s25+$0x4090] =	vst.add.f32.msk $0xffff, v6  }
0xaa: {  	[tilespmem:s25+$0x40A0] =	vst.add.f32.msk $0xffff, v7  }
0xab: {  	[tilespmem:s25+$0x40B0] =	vst.add.f32.msk $0xffff, v8  }
0xac: {  	[tilespmem:s25+$0x4100] =	vst.add.f32.msk $0xffff, v9  }
.Ltmp1:
0xad: {  	[tilespmem:s25+$0x4110] =	vst.add.f32.msk $0xffff, v10;
	(pc) =	sbr.rel @p1 .LBB2_5-.Ltmp1, $4  }
0xae: {  	[tilespmem:s25+$0x4120] =	vst.add.f32.msk $0xffff, v11  }
0xaf: {  	[tilespmem:s25+$0x4130] =	vst.add.f32.msk $0xffff, v12  }
0xb0: {  	[tilespmem:s25+$0x4180] =	vst.add.f32.msk $0xffff, v13  }
0xb1: {  	s11 =	sadd.s32 $0x800, s11;
	[tilespmem:s25+$0x4190] =	vst.add.f32.msk $0xffff, v14  }
0xb2: {  	s23 =	smul.u32 $0x300000, s19;
	_ =	sdelay $0x1  }
0xb3: {  	s5 =	sor.u32 s13, s23  }
0xb4: {  	s5 =	sshrl.u32 s5, $0x3  }
0xb5: {  	[tilespmem:s25+$0x41A0] =	vst.add.f32.msk $0xffff, v0;
	s5 =	sadd.s32 s5, s17  }
0xb6: {  	[hbm4b:s5+s1] =	stream.linear.scatter [tilespmem:s24], [sflag:$0x8], $0x4000, $0x38;
	[tilespmem:$0x1C000] =	vst v63  }
0xb7: {  	_ =	swait.ge [sflag:s31], $0x4000  }
0xb8: {  	[sflag:s31] =	ssyncset.done $0x0  }
0xb9: {  	s5 =	simm.s32 @!p0 $0xC;
	[sflag:s31] =	ssyncadd.s32 $0xFFFFC000  }
0xba: {  	_ =	swait.ge @!p0 [sflag:s5], $0x4000  }
0xbb: {  	s11 =	rddreg [dreg:$0x9]  }
0xbc: {  	[sflag:s5] =	ssyncset.done @!p0 $0x0;
	s7 =	sadd.s32 s11, s7  }
0xbd: {  	s25 =	simm.s32 $0x0;
	[sflag:s5] =	ssyncadd.s32 @!p0 $0xFFFFC000;
	s12 =	sadd.s32 s3, s7  }
0xbe: {  	[tilespmem:s0], [sflag:$0x6] =	stream.linear.gather [hbm4b:s12+s25], $0x4000, $0x38;
	[tilespmem:$0x1C000] =	vst v63  }
0xbf: {  	s25 =	simm.s32 $0x0  }
0xc0: {  	v0 =	vld [tilespmem:s25+$0x181B0]  }
0xc1: {  	v1 =	vld [tilespmem:s25+$0x18000]  }
0xc2: {  	v2 =	vld [tilespmem:s25+$0x18010]  }
0xc3: {  	v3 =	vld [tilespmem:s25+$0x18020]  }
0xc4: {  	v4 =	vld [tilespmem:s25+$0x18030]  }
0xc5: {  	v5 =	vld [tilespmem:s25+$0x18080]  }
0xc6: {  	v6 =	vld [tilespmem:s25+$0x18090]  }
0xc7: {  	v7 =	vld [tilespmem:s25+$0x180A0]  }
0xc8: {  	v8 =	vld [tilespmem:s25+$0x180B0]  }
0xc9: {  	v9 =	vld [tilespmem:s25+$0x18100]  }
0xca: {  	v10 =	vld [tilespmem:s25+$0x18110]  }
0xcb: {  	v11 =	vld [tilespmem:s25+$0x18120]  }
0xcc: {  	v12 =	vld [tilespmem:s25+$0x18130]  }
0xcd: {  	v13 =	vld [tilespmem:s25+$0x18180]  }
0xce: {  	v14 =	vld [tilespmem:s25+$0x18190]  }
0xcf: {  	[tilespmem:s25+$0x81B0] =	vst.add.f32.msk $0xffff, v0  }
0xd0: {  	v0 =	vld [tilespmem:s25+$0x181A0]  }
0xd1: {  	[tilespmem:s25+$0x8000] =	vst.add.f32.msk $0xffff, v1  }
0xd2: {  	[tilespmem:s25+$0x8010] =	vst.add.f32.msk $0xffff, v2  }
0xd3: {  	[tilespmem:s25+$0x8020] =	vst.add.f32.msk $0xffff, v3  }
0xd4: {  	[tilespmem:s25+$0x8030] =	vst.add.f32.msk $0xffff, v4  }
0xd5: {  	[tilespmem:s25+$0x8080] =	vst.add.f32.msk $0xffff, v5  }
0xd6: {  	[tilespmem:s25+$0x8090] =	vst.add.f32.msk $0xffff, v6  }
0xd7: {  	[tilespmem:s25+$0x80A0] =	vst.add.f32.msk $0xffff, v7  }
0xd8: {  	[tilespmem:s25+$0x80B0] =	vst.add.f32.msk $0xffff, v8  }
0xd9: {  	[tilespmem:s25+$0x8100] =	vst.add.f32.msk $0xffff, v9  }
0xda: {  	[tilespmem:s25+$0x8110] =	vst.add.f32.msk $0xffff, v10  }
0xdb: {  	[tilespmem:s25+$0x8120] =	vst.add.f32.msk $0xffff, v11  }
0xdc: {  	[tilespmem:s25+$0x8130] =	vst.add.f32.msk $0xffff, v12  }
0xdd: {  	[tilespmem:s25+$0x8180] =	vst.add.f32.msk $0xffff, v13  }
0xde: {  	s5 =	simm.s32 $0x0;
	s11 =	simm.s32 $0x800;
	[tilespmem:s25+$0x8190] =	vst.add.f32.msk $0xffff, v14  }
.LBB2_7:
0xdf: {  	s5 =	sadd.s32 $0x4, s5;
	[tilespmem:s25+$0x81A0] =	vst.add.f32.msk $0xffff, v0;
	s25 =	sshra.s32 s11, $0x2  }
0xe0: {  	v0 =	vld [tilespmem:s25+$0x181B0];
	p0 =	slt.u32 s5, $0x7C  }
0xe1: {  	v1 =	vld [tilespmem:s25+$0x18000]  }
0xe2: {  	v2 =	vld [tilespmem:s25+$0x18010]  }
0xe3: {  	v3 =	vld [tilespmem:s25+$0x18020]  }
0xe4: {  	v4 =	vld [tilespmem:s25+$0x18030]  }
0xe5: {  	[tilespmem:s25+$0x81B0] =	vst.add.f32.msk $0xffff, v0  }
0xe6: {  	v5 =	vld [tilespmem:s25+$0x18080]  }
0xe7: {  	v6 =	vld [tilespmem:s25+$0x18090]  }
0xe8: {  	v7 =	vld [tilespmem:s25+$0x180A0]  }
0xe9: {  	v8 =	vld [tilespmem:s25+$0x180B0]  }
0xea: {  	v9 =	vld [tilespmem:s25+$0x18100]  }
0xeb: {  	v10 =	vld [tilespmem:s25+$0x18110]  }
0xec: {  	v11 =	vld [tilespmem:s25+$0x18120]  }
0xed: {  	v12 =	vld [tilespmem:s25+$0x18130]  }
0xee: {  	v13 =	vld [tilespmem:s25+$0x18180]  }
0xef: {  	v14 =	vld [tilespmem:s25+$0x18190]  }
0xf0: {  	v0 =	vld [tilespmem:s25+$0x181A0]  }
0xf1: {  	[tilespmem:s25+$0x8000] =	vst.add.f32.msk $0xffff, v1  }
0xf2: {  	[tilespmem:s25+$0x8010] =	vst.add.f32.msk $0xffff, v2  }
0xf3: {  	[tilespmem:s25+$0x8020] =	vst.add.f32.msk $0xffff, v3  }
0xf4: {  	[tilespmem:s25+$0x8030] =	vst.add.f32.msk $0xffff, v4  }
0xf5: {  	[tilespmem:s25+$0x8080] =	vst.add.f32.msk $0xffff, v5  }
0xf6: {  	[tilespmem:s25+$0x8090] =	vst.add.f32.msk $0xffff, v6  }
0xf7: {  	[tilespmem:s25+$0x80A0] =	vst.add.f32.msk $0xffff, v7  }
0xf8: {  	[tilespmem:s25+$0x80B0] =	vst.add.f32.msk $0xffff, v8  }
0xf9: {  	[tilespmem:s25+$0x8100] =	vst.add.f32.msk $0xffff, v9  }
.Ltmp2:
0xfa: {  	[tilespmem:s25+$0x8110] =	vst.add.f32.msk $0xffff, v10;
	(pc) =	sbr.rel @p0 .LBB2_7-.Ltmp2, $4  }
0xfb: {  	[tilespmem:s25+$0x8120] =	vst.add.f32.msk $0xffff, v11  }
0xfc: {  	[tilespmem:s25+$0x8130] =	vst.add.f32.msk $0xffff, v12  }
0xfd: {  	[tilespmem:s25+$0x8180] =	vst.add.f32.msk $0xffff, v13  }
0xfe: {  	s11 =	sadd.s32 $0x800, s11;
	[tilespmem:s25+$0x8190] =	vst.add.f32.msk $0xffff, v14  }
0xff: {  	s5 =	sadd.s32 s14, s23  }
0x100: {  	s5 =	sshrl.u32 s5, $0x3  }
0x101: {  	[tilespmem:s25+$0x81A0] =	vst.add.f32.msk $0xffff, v0;
	s11 =	simm.s32 $0x0;
	s12 =	simm.s32 $0x8000;
	s5 =	sadd.s32 s4, s5  }
0x102: {  	[hbm4b:s5+s11] =	stream.linear.scatter [tilespmem:s12], [sflag:$0x9], $0x4000, $0x38;
	[tilespmem:$0x1C000] =	vst v63  }
0x103: {  	_ =	swait.ge [sflag:s2], $0x4000  }
0x104: {  	[sflag:s2] =	ssyncset.done $0x0  }
0x105: {  	[sflag:s2] =	ssyncadd.s32 $0xFFFFC000  }
0x106: {  	s25 =	sadd.s32 s15, s23;
	_ =	swait.ge [sflag:s22], $0x4000  }
0x107: {  	s25 =	sshrl.u32 s25, $0x3;
	[sflag:s22] =	ssyncset.done $0x0  }
0x108: {  	s5 =	sadd.s32 s3, s25;
	[sflag:s22] =	ssyncadd.s32 $0xFFFFC000  }
0x109: {  	[tilespmem:s11], [sflag:$0x1] =	stream.linear.gather [hbm4b:s5+s11], $0x4000, $0x38;
	[tilespmem:$0x1C000] =	vst v63  }
0x10a: {  	s5 =	simm.s32 $0x0  }
0x10b: {  	v0 =	vld [tilespmem:s5+$0x181F0]  }
0x10c: {  	v1 =	vld [tilespmem:s5+$0x18040]  }
0x10d: {  	v2 =	vld [tilespmem:s5+$0x18050]  }
0x10e: {  	v3 =	vld [tilespmem:s5+$0x18060]  }
0x10f: {  	v4 =	vld [tilespmem:s5+$0x18070]  }
0x110: {  	v5 =	vld [tilespmem:s5+$0x180C0]  }
0x111: {  	v6 =	vld [tilespmem:s5+$0x180D0]  }
0x112: {  	v7 =	vld [tilespmem:s5+$0x180E0]  }
0x113: {  	v8 =	vld [tilespmem:s5+$0x180F0]  }
0x114: {  	v9 =	vld [tilespmem:s5+$0x18140]  }
0x115: {  	v10 =	vld [tilespmem:s5+$0x18150]  }
0x116: {  	v11 =	vld [tilespmem:s5+$0x18160]  }
0x117: {  	v12 =	vld [tilespmem:s5+$0x18170]  }
0x118: {  	v13 =	vld [tilespmem:s5+$0x181C0]  }
0x119: {  	v14 =	vld [tilespmem:s5+$0x181D0]  }
0x11a: {  	[tilespmem:s5+$0xC1B0] =	vst.add.f32.msk $0xffff, v0  }
0x11b: {  	v0 =	vld [tilespmem:s5+$0x181E0]  }
0x11c: {  	[tilespmem:s5+$0xC000] =	vst.add.f32.msk $0xffff, v1  }
0x11d: {  	[tilespmem:s5+$0xC010] =	vst.add.f32.msk $0xffff, v2  }
0x11e: {  	[tilespmem:s5+$0xC020] =	vst.add.f32.msk $0xffff, v3  }
0x11f: {  	[tilespmem:s5+$0xC030] =	vst.add.f32.msk $0xffff, v4  }
0x120: {  	[tilespmem:s5+$0xC080] =	vst.add.f32.msk $0xffff, v5  }
0x121: {  	[tilespmem:s5+$0xC090] =	vst.add.f32.msk $0xffff, v6  }
0x122: {  	[tilespmem:s5+$0xC0A0] =	vst.add.f32.msk $0xffff, v7  }
0x123: {  	[tilespmem:s5+$0xC0B0] =	vst.add.f32.msk $0xffff, v8  }
0x124: {  	[tilespmem:s5+$0xC100] =	vst.add.f32.msk $0xffff, v9  }
0x125: {  	[tilespmem:s5+$0xC110] =	vst.add.f32.msk $0xffff, v10  }
0x126: {  	[tilespmem:s5+$0xC120] =	vst.add.f32.msk $0xffff, v11  }
0x127: {  	[tilespmem:s5+$0xC130] =	vst.add.f32.msk $0xffff, v12  }
0x128: {  	[tilespmem:s5+$0xC180] =	vst.add.f32.msk $0xffff, v13  }
0x129: {  	s12 =	simm.s32 $0x800;
	s11 =	simm.s32 $0x0;
	[tilespmem:s5+$0xC190] =	vst.add.f32.msk $0xffff, v14  }
.LBB2_9:
0x12a: {  	s11 =	sadd.s32 $0x4, s11;
	[tilespmem:s5+$0xC1A0] =	vst.add.f32.msk $0xffff, v0;
	s5 =	sshra.s32 s12, $0x2  }
0x12b: {  	v0 =	vld [tilespmem:s5+$0x181F0];
	p0 =	slt.u32 s11, $0x7C  }
0x12c: {  	v1 =	vld [tilespmem:s5+$0x18040]  }
0x12d: {  	v2 =	vld [tilespmem:s5+$0x18050]  }
0x12e: {  	v3 =	vld [tilespmem:s5+$0x18060]  }
0x12f: {  	v4 =	vld [tilespmem:s5+$0x18070]  }
0x130: {  	[tilespmem:s5+$0xC1B0] =	vst.add.f32.msk $0xffff, v0  }
0x131: {  	v5 =	vld [tilespmem:s5+$0x180C0]  }
0x132: {  	v6 =	vld [tilespmem:s5+$0x180D0]  }
0x133: {  	v7 =	vld [tilespmem:s5+$0x180E0]  }
0x134: {  	v8 =	vld [tilespmem:s5+$0x180F0]  }
0x135: {  	v9 =	vld [tilespmem:s5+$0x18140]  }
0x136: {  	v10 =	vld [tilespmem:s5+$0x18150]  }
0x137: {  	v11 =	vld [tilespmem:s5+$0x18160]  }
0x138: {  	v12 =	vld [tilespmem:s5+$0x18170]  }
0x139: {  	v13 =	vld [tilespmem:s5+$0x181C0]  }
0x13a: {  	v14 =	vld [tilespmem:s5+$0x181D0]  }
0x13b: {  	v0 =	vld [tilespmem:s5+$0x181E0]  }
0x13c: {  	[tilespmem:s5+$0xC000] =	vst.add.f32.msk $0xffff, v1  }
0x13d: {  	[tilespmem:s5+$0xC010] =	vst.add.f32.msk $0xffff, v2  }
0x13e: {  	[tilespmem:s5+$0xC020] =	vst.add.f32.msk $0xffff, v3  }
0x13f: {  	[tilespmem:s5+$0xC030] =	vst.add.f32.msk $0xffff, v4  }
0x140: {  	[tilespmem:s5+$0xC080] =	vst.add.f32.msk $0xffff, v5  }
0x141: {  	[tilespmem:s5+$0xC090] =	vst.add.f32.msk $0xffff, v6  }
0x142: {  	[tilespmem:s5+$0xC0A0] =	vst.add.f32.msk $0xffff, v7  }
0x143: {  	[tilespmem:s5+$0xC0B0] =	vst.add.f32.msk $0xffff, v8  }
0x144: {  	[tilespmem:s5+$0xC100] =	vst.add.f32.msk $0xffff, v9  }
.Ltmp3:
0x145: {  	[tilespmem:s5+$0xC110] =	vst.add.f32.msk $0xffff, v10;
	(pc) =	sbr.rel @p0 .LBB2_9-.Ltmp3, $4  }
0x146: {  	[tilespmem:s5+$0xC120] =	vst.add.f32.msk $0xffff, v11  }
0x147: {  	[tilespmem:s5+$0xC130] =	vst.add.f32.msk $0xffff, v12  }
0x148: {  	[tilespmem:s5+$0xC180] =	vst.add.f32.msk $0xffff, v13  }
0x149: {  	s12 =	sadd.s32 $0x800, s12;
	[tilespmem:s5+$0xC190] =	vst.add.f32.msk $0xffff, v14  }
0x14a: {  	[tilespmem:s5+$0xC1A0] =	vst.add.f32.msk $0xffff, v0;
	s20 =	sadd.s32 s4, s20;
	s11 =	simm.s32 $0x0  }
0x14b: {  	[hbm4b:s20+s11] =	stream.linear.scatter [tilespmem:s28], [sflag:$0xA], $0x4000, $0x38;
	[tilespmem:$0x1C000] =	vst v63  }
0x14c: {  	_ =	swait.ge [sflag:s6], $0x4000  }
0x14d: {  	[sflag:s6] =	ssyncset.done $0x0  }
0x14e: {  	[sflag:s6] =	ssyncadd.s32 $0xFFFFC000  }
0x14f: {  	_ =	swait.ge [sflag:s8], $0x4000  }
0x150: {  	[sflag:s8] =	ssyncset.done $0x0  }
0x151: {  	s25 =	sadd.s32 s25, s9;
	s5 =	simm.s32 $0x0;
	[sflag:s8] =	ssyncadd.s32 $0xFFFFC000  }
0x152: {  	[tilespmem:s24], [sflag:$0x2] =	stream.linear.gather [hbm4b:s25+s11], $0x4000, $0x38;
	[tilespmem:$0x1C000] =	vst v63  }
0x153: {  	v0 =	vld [tilespmem:s5+$0x181B0]  }
0x154: {  	v1 =	vld [tilespmem:s5+$0x18000]  }
0x155: {  	v2 =	vld [tilespmem:s5+$0x18010]  }
0x156: {  	v3 =	vld [tilespmem:s5+$0x18020]  }
0x157: {  	v4 =	vld [tilespmem:s5+$0x18030]  }
0x158: {  	v5 =	vld [tilespmem:s5+$0x18080]  }
0x159: {  	v6 =	vld [tilespmem:s5+$0x18090]  }
0x15a: {  	v7 =	vld [tilespmem:s5+$0x180A0]  }
0x15b: {  	v8 =	vld [tilespmem:s5+$0x180B0]  }
0x15c: {  	v9 =	vld [tilespmem:s5+$0x18100]  }
0x15d: {  	v10 =	vld [tilespmem:s5+$0x18110]  }
0x15e: {  	v11 =	vld [tilespmem:s5+$0x18120]  }
0x15f: {  	v12 =	vld [tilespmem:s5+$0x18130]  }
0x160: {  	v13 =	vld [tilespmem:s5+$0x18180]  }
0x161: {  	v14 =	vld [tilespmem:s5+$0x18190]  }
0x162: {  	[tilespmem:s5+$0x101B0] =	vst.add.f32.msk $0xffff, v0  }
0x163: {  	v0 =	vld [tilespmem:s5+$0x181A0]  }
0x164: {  	[tilespmem:s5+$0x10000] =	vst.add.f32.msk $0xffff, v1  }
0x165: {  	[tilespmem:s5+$0x10010] =	vst.add.f32.msk $0xffff, v2  }
0x166: {  	[tilespmem:s5+$0x10020] =	vst.add.f32.msk $0xffff, v3  }
0x167: {  	[tilespmem:s5+$0x10030] =	vst.add.f32.msk $0xffff, v4  }
0x168: {  	[tilespmem:s5+$0x10080] =	vst.add.f32.msk $0xffff, v5  }
0x169: {  	[tilespmem:s5+$0x10090] =	vst.add.f32.msk $0xffff, v6  }
0x16a: {  	[tilespmem:s5+$0x100A0] =	vst.add.f32.msk $0xffff, v7  }
0x16b: {  	[tilespmem:s5+$0x100B0] =	vst.add.f32.msk $0xffff, v8  }
0x16c: {  	[tilespmem:s5+$0x10100] =	vst.add.f32.msk $0xffff, v9  }
0x16d: {  	[tilespmem:s5+$0x10110] =	vst.add.f32.msk $0xffff, v10  }
0x16e: {  	[tilespmem:s5+$0x10120] =	vst.add.f32.msk $0xffff, v11  }
0x16f: {  	[tilespmem:s5+$0x10130] =	vst.add.f32.msk $0xffff, v12  }
0x170: {  	[tilespmem:s5+$0x10180] =	vst.add.f32.msk $0xffff, v13  }
0x171: {  	s12 =	simm.s32 $0x800;
	s11 =	simm.s32 $0x0;
	[tilespmem:s5+$0x10190] =	vst.add.f32.msk $0xffff, v14  }
.LBB2_11:
0x172: {  	s11 =	sadd.s32 $0x4, s11;
	[tilespmem:s5+$0x101A0] =	vst.add.f32.msk $0xffff, v0;
	s5 =	sshra.s32 s12, $0x2  }
0x173: {  	v0 =	vld [tilespmem:s5+$0x181B0];
	p0 =	slt.u32 s11, $0x7C  }
0x174: {  	v1 =	vld [tilespmem:s5+$0x18000]  }
0x175: {  	v2 =	vld [tilespmem:s5+$0x18010]  }
0x176: {  	v3 =	vld [tilespmem:s5+$0x18020]  }
0x177: {  	v4 =	vld [tilespmem:s5+$0x18030]  }
0x178: {  	[tilespmem:s5+$0x101B0] =	vst.add.f32.msk $0xffff, v0  }
0x179: {  	v5 =	vld [tilespmem:s5+$0x18080]  }
0x17a: {  	v6 =	vld [tilespmem:s5+$0x18090]  }
0x17b: {  	v7 =	vld [tilespmem:s5+$0x180A0]  }
0x17c: {  	v8 =	vld [tilespmem:s5+$0x180B0]  }
0x17d: {  	v9 =	vld [tilespmem:s5+$0x18100]  }
0x17e: {  	v10 =	vld [tilespmem:s5+$0x18110]  }
0x17f: {  	v11 =	vld [tilespmem:s5+$0x18120]  }
0x180: {  	v12 =	vld [tilespmem:s5+$0x18130]  }
0x181: {  	v13 =	vld [tilespmem:s5+$0x18180]  }
0x182: {  	v14 =	vld [tilespmem:s5+$0x18190]  }
0x183: {  	v0 =	vld [tilespmem:s5+$0x181A0]  }
0x184: {  	[tilespmem:s5+$0x10000] =	vst.add.f32.msk $0xffff, v1  }
0x185: {  	[tilespmem:s5+$0x10010] =	vst.add.f32.msk $0xffff, v2  }
0x186: {  	[tilespmem:s5+$0x10020] =	vst.add.f32.msk $0xffff, v3  }
0x187: {  	[tilespmem:s5+$0x10030] =	vst.add.f32.msk $0xffff, v4  }
0x188: {  	[tilespmem:s5+$0x10080] =	vst.add.f32.msk $0xffff, v5  }
0x189: {  	[tilespmem:s5+$0x10090] =	vst.add.f32.msk $0xffff, v6  }
0x18a: {  	[tilespmem:s5+$0x100A0] =	vst.add.f32.msk $0xffff, v7  }
0x18b: {  	[tilespmem:s5+$0x100B0] =	vst.add.f32.msk $0xffff, v8  }
0x18c: {  	[tilespmem:s5+$0x10100] =	vst.add.f32.msk $0xffff, v9  }
.Ltmp4:
0x18d: {  	[tilespmem:s5+$0x10110] =	vst.add.f32.msk $0xffff, v10;
	(pc) =	sbr.rel @p0 .LBB2_11-.Ltmp4, $4  }
0x18e: {  	[tilespmem:s5+$0x10120] =	vst.add.f32.msk $0xffff, v11  }
0x18f: {  	[tilespmem:s5+$0x10130] =	vst.add.f32.msk $0xffff, v12  }
0x190: {  	[tilespmem:s5+$0x10180] =	vst.add.f32.msk $0xffff, v13  }
0x191: {  	s12 =	sadd.s32 $0x800, s12;
	[tilespmem:s5+$0x10190] =	vst.add.f32.msk $0xffff, v14  }
0x192: {  	[tilespmem:s5+$0x101A0] =	vst.add.f32.msk $0xffff, v0;
	s25 =	sadd.s32 s4, s21  }
0x193: {  	[hbm4b:s25+s1] =	stream.linear.scatter [tilespmem:s30], [sflag:$0xB], $0x4000, $0x38;
	[tilespmem:$0x1C000] =	vst v63  }
0x194: {  	_ =	swait.ge [sflag:s10], $0x4000  }
0x195: {  	p0 =	seq.s32 s19, $0x14;
	[sflag:s10] =	ssyncset.done $0x0  }
0x196: {  	s5 =	simm.s32 @!p0 $0x9;
	[sflag:s10] =	ssyncadd.s32 $0xFFFFC000  }
0x197: {  	_ =	swait.ge @!p0 [sflag:s5], $0x4000  }
0x198: {  	s11 =	sadd.s32 @!p0 s18, s23;
	[sflag:s5] =	ssyncset.done @!p0 $0x0  }
0x199: {  	[sflag:s5] =	ssyncadd.s32 @!p0 $0xFFFFC000;
	s5 =	sshrl.u32 @!p0 s11, $0x3  }
0x19a: {  	s12 =	simm.s32 @!p0 $0x8000;
	s11 =	simm.s32 @!p0 $0x0;
	s5 =	sadd.s32 @!p0 s3, s5  }
0x19b: {  	[tilespmem:s12], [sflag:$0x3] =	stream.linear.gather @!p0 [hbm4b:s5+s11], $0x4000, $0x38;
	[tilespmem:$0x1C000] =	vst v63  }
0x19c: {  	s5 =	simm.s32 $0x0  }
0x19d: {  	v0 =	vld [tilespmem:s5+$0x181F0]  }
0x19e: {  	v1 =	vld [tilespmem:s5+$0x18040]  }
0x19f: {  	v2 =	vld [tilespmem:s5+$0x18050]  }
0x1a0: {  	v3 =	vld [tilespmem:s5+$0x18060]  }
0x1a1: {  	v4 =	vld [tilespmem:s5+$0x18070]  }
0x1a2: {  	v5 =	vld [tilespmem:s5+$0x180C0]  }
0x1a3: {  	v6 =	vld [tilespmem:s5+$0x180D0]  }
0x1a4: {  	v7 =	vld [tilespmem:s5+$0x180E0]  }
0x1a5: {  	v8 =	vld [tilespmem:s5+$0x180F0]  }
0x1a6: {  	v9 =	vld [tilespmem:s5+$0x18140]  }
0x1a7: {  	v10 =	vld [tilespmem:s5+$0x18150]  }
0x1a8: {  	v11 =	vld [tilespmem:s5+$0x18160]  }
0x1a9: {  	v12 =	vld [tilespmem:s5+$0x18170]  }
0x1aa: {  	v13 =	vld [tilespmem:s5+$0x181C0]  }
0x1ab: {  	v14 =	vld [tilespmem:s5+$0x181D0]  }
0x1ac: {  	[tilespmem:s5+$0x141B0] =	vst.add.f32.msk $0xffff, v0  }
0x1ad: {  	v0 =	vld [tilespmem:s5+$0x181E0]  }
0x1ae: {  	[tilespmem:s5+$0x14000] =	vst.add.f32.msk $0xffff, v1  }
0x1af: {  	[tilespmem:s5+$0x14010] =	vst.add.f32.msk $0xffff, v2  }
0x1b0: {  	[tilespmem:s5+$0x14020] =	vst.add.f32.msk $0xffff, v3  }
0x1b1: {  	[tilespmem:s5+$0x14030] =	vst.add.f32.msk $0xffff, v4  }
0x1b2: {  	[tilespmem:s5+$0x14080] =	vst.add.f32.msk $0xffff, v5  }
0x1b3: {  	[tilespmem:s5+$0x14090] =	vst.add.f32.msk $0xffff, v6  }
0x1b4: {  	[tilespmem:s5+$0x140A0] =	vst.add.f32.msk $0xffff, v7  }
0x1b5: {  	[tilespmem:s5+$0x140B0] =	vst.add.f32.msk $0xffff, v8  }
0x1b6: {  	[tilespmem:s5+$0x14100] =	vst.add.f32.msk $0xffff, v9  }
0x1b7: {  	[tilespmem:s5+$0x14110] =	vst.add.f32.msk $0xffff, v10  }
0x1b8: {  	[tilespmem:s5+$0x14120] =	vst.add.f32.msk $0xffff, v11  }
0x1b9: {  	[tilespmem:s5+$0x14130] =	vst.add.f32.msk $0xffff, v12  }
0x1ba: {  	[tilespmem:s5+$0x14180] =	vst.add.f32.msk $0xffff, v13  }
0x1bb: {  	s11 =	simm.s32 $0x0;
	s12 =	simm.s32 $0x800;
	[tilespmem:s5+$0x14190] =	vst.add.f32.msk $0xffff, v14  }
.LBB2_13:
0x1bc: {  	s11 =	sadd.s32 $0x4, s11;
	[tilespmem:s5+$0x141A0] =	vst.add.f32.msk $0xffff, v0;
	s5 =	sshra.s32 s12, $0x2  }
0x1bd: {  	v0 =	vld [tilespmem:s5+$0x181F0];
	p0 =	slt.u32 s11, $0x7C  }
0x1be: {  	v1 =	vld [tilespmem:s5+$0x18040]  }
0x1bf: {  	v2 =	vld [tilespmem:s5+$0x18050]  }
0x1c0: {  	v3 =	vld [tilespmem:s5+$0x18060]  }
0x1c1: {  	v4 =	vld [tilespmem:s5+$0x18070]  }
0x1c2: {  	[tilespmem:s5+$0x141B0] =	vst.add.f32.msk $0xffff, v0  }
0x1c3: {  	v5 =	vld [tilespmem:s5+$0x180C0]  }
0x1c4: {  	v6 =	vld [tilespmem:s5+$0x180D0]  }
0x1c5: {  	v7 =	vld [tilespmem:s5+$0x180E0]  }
0x1c6: {  	v8 =	vld [tilespmem:s5+$0x180F0]  }
0x1c7: {  	v9 =	vld [tilespmem:s5+$0x18140]  }
0x1c8: {  	v10 =	vld [tilespmem:s5+$0x18150]  }
0x1c9: {  	v11 =	vld [tilespmem:s5+$0x18160]  }
0x1ca: {  	v12 =	vld [tilespmem:s5+$0x18170]  }
0x1cb: {  	v13 =	vld [tilespmem:s5+$0x181C0]  }
0x1cc: {  	v14 =	vld [tilespmem:s5+$0x181D0]  }
0x1cd: {  	v0 =	vld [tilespmem:s5+$0x181E0]  }
0x1ce: {  	[tilespmem:s5+$0x14000] =	vst.add.f32.msk $0xffff, v1  }
0x1cf: {  	[tilespmem:s5+$0x14010] =	vst.add.f32.msk $0xffff, v2  }
0x1d0: {  	[tilespmem:s5+$0x14020] =	vst.add.f32.msk $0xffff, v3  }
0x1d1: {  	[tilespmem:s5+$0x14030] =	vst.add.f32.msk $0xffff, v4  }
0x1d2: {  	[tilespmem:s5+$0x14080] =	vst.add.f32.msk $0xffff, v5  }
0x1d3: {  	[tilespmem:s5+$0x14090] =	vst.add.f32.msk $0xffff, v6  }
0x1d4: {  	[tilespmem:s5+$0x140A0] =	vst.add.f32.msk $0xffff, v7  }
0x1d5: {  	[tilespmem:s5+$0x140B0] =	vst.add.f32.msk $0xffff, v8  }
0x1d6: {  	[tilespmem:s5+$0x14100] =	vst.add.f32.msk $0xffff, v9  }
.Ltmp5:
0x1d7: {  	[tilespmem:s5+$0x14110] =	vst.add.f32.msk $0xffff, v10;
	(pc) =	sbr.rel @p0 .LBB2_13-.Ltmp5, $4  }
0x1d8: {  	[tilespmem:s5+$0x14120] =	vst.add.f32.msk $0xffff, v11  }
0x1d9: {  	[tilespmem:s5+$0x14130] =	vst.add.f32.msk $0xffff, v12  }
0x1da: {  	[tilespmem:s5+$0x14180] =	vst.add.f32.msk $0xffff, v13  }
0x1db: {  	s12 =	sadd.s32 $0x800, s12;
	[tilespmem:s5+$0x14190] =	vst.add.f32.msk $0xffff, v14  }
0x1dc: {  	s19 =	sadd.s32 $0x1, s19  }
0x1dd: {  	p0 =	sne.s32 s19, $0x15  }
.Ltmp6:
0x1de: {  	_ = 	snop;
	(pc) =	sbr.rel @p0 .LBB2_2-.Ltmp6, $3  }
0x1df: {  	_ =	sdelay $0x1  }
0x1e0: {  	[tilespmem:s5+$0x141A0] =	vst.add.f32.msk $0xffff, v0;
	s25 =	sadd.s32 s4, s7  }
0x1e1: {  	[hbm4b:s25+s1] =	stream.linear.scatter [tilespmem:s0], [sflag:$0xC], $0x4000, $0x38;
	[tilespmem:$0x1C000] =	vst v63  }
0x1e2: {  	_ =	swait.ge [sflag:s26], $0x4000  }
0x1e3: {  	[sflag:s26] =	ssyncset.done $0x0  }
0x1e4: {  	s5 =	simm.s32 $0x0;
	[sflag:s26] =	ssyncadd.s32 $0xFFFFC000  }
0x1e5: {  	v0 =	vld [tilespmem:s5+$0x181B0]  }
0x1e6: {  	v1 =	vld [tilespmem:s5+$0x18000]  }
0x1e7: {  	v2 =	vld [tilespmem:s5+$0x18010]  }
0x1e8: {  	v3 =	vld [tilespmem:s5+$0x18020]  }
0x1e9: {  	v4 =	vld [tilespmem:s5+$0x18030]  }
0x1ea: {  	v5 =	vld [tilespmem:s5+$0x18080]  }
0x1eb: {  	v6 =	vld [tilespmem:s5+$0x18090]  }
0x1ec: {  	v7 =	vld [tilespmem:s5+$0x180A0]  }
0x1ed: {  	v8 =	vld [tilespmem:s5+$0x180B0]  }
0x1ee: {  	v9 =	vld [tilespmem:s5+$0x18100]  }
0x1ef: {  	v10 =	vld [tilespmem:s5+$0x18110]  }
0x1f0: {  	v11 =	vld [tilespmem:s5+$0x18120]  }
0x1f1: {  	v12 =	vld [tilespmem:s5+$0x18130]  }
0x1f2: {  	v13 =	vld [tilespmem:s5+$0x18180]  }
0x1f3: {  	v14 =	vld [tilespmem:s5+$0x18190]  }
0x1f4: {  	[tilespmem:s5+$0x1B0] =	vst.add.f32.msk $0xffff, v0  }
0x1f5: {  	v0 =	vld [tilespmem:s5+$0x181A0]  }
0x1f6: {  	[tilespmem:s5+$0x0] =	vst.add.f32.msk $0xffff, v1  }
0x1f7: {  	[tilespmem:s5+$0x10] =	vst.add.f32.msk $0xffff, v2  }
0x1f8: {  	[tilespmem:s5+$0x20] =	vst.add.f32.msk $0xffff, v3  }
0x1f9: {  	[tilespmem:s5+$0x30] =	vst.add.f32.msk $0xffff, v4  }
0x1fa: {  	[tilespmem:s5+$0x80] =	vst.add.f32.msk $0xffff, v5  }
0x1fb: {  	[tilespmem:s5+$0x90] =	vst.add.f32.msk $0xffff, v6  }
0x1fc: {  	[tilespmem:s5+$0xA0] =	vst.add.f32.msk $0xffff, v7  }
0x1fd: {  	[tilespmem:s5+$0xB0] =	vst.add.f32.msk $0xffff, v8  }
0x1fe: {  	[tilespmem:s5+$0x100] =	vst.add.f32.msk $0xffff, v9  }
0x1ff: {  	[tilespmem:s5+$0x110] =	vst.add.f32.msk $0xffff, v10  }
0x200: {  	[tilespmem:s5+$0x120] =	vst.add.f32.msk $0xffff, v11  }
0x201: {  	[tilespmem:s5+$0x130] =	vst.add.f32.msk $0xffff, v12  }
0x202: {  	[tilespmem:s5+$0x180] =	vst.add.f32.msk $0xffff, v13  }
0x203: {  	s7 =	simm.s32 $0x0;
	s11 =	simm.s32 $0x800;
	[tilespmem:s5+$0x190] =	vst.add.f32.msk $0xffff, v14  }
.LBB2_16:
0x204: {  	s7 =	sadd.s32 $0x4, s7;
	[tilespmem:s5+$0x1A0] =	vst.add.f32.msk $0xffff, v0;
	s5 =	sshra.s32 s11, $0x2  }
0x205: {  	v0 =	vld [tilespmem:s5+$0x181B0];
	p0 =	slt.u32 s7, $0x7C  }
0x206: {  	v1 =	vld [tilespmem:s5+$0x18000]  }
0x207: {  	v2 =	vld [tilespmem:s5+$0x18010]  }
0x208: {  	v3 =	vld [tilespmem:s5+$0x18020]  }
0x209: {  	v4 =	vld [tilespmem:s5+$0x18030]  }
0x20a: {  	[tilespmem:s5+$0x1B0] =	vst.add.f32.msk $0xffff, v0  }
0x20b: {  	v5 =	vld [tilespmem:s5+$0x18080]  }
0x20c: {  	v6 =	vld [tilespmem:s5+$0x18090]  }
0x20d: {  	v7 =	vld [tilespmem:s5+$0x180A0]  }
0x20e: {  	v8 =	vld [tilespmem:s5+$0x180B0]  }
0x20f: {  	v9 =	vld [tilespmem:s5+$0x18100]  }
0x210: {  	v10 =	vld [tilespmem:s5+$0x18110]  }
0x211: {  	v11 =	vld [tilespmem:s5+$0x18120]  }
0x212: {  	v12 =	vld [tilespmem:s5+$0x18130]  }
0x213: {  	v13 =	vld [tilespmem:s5+$0x18180]  }
0x214: {  	v14 =	vld [tilespmem:s5+$0x18190]  }
0x215: {  	v0 =	vld [tilespmem:s5+$0x181A0]  }
0x216: {  	[tilespmem:s5+$0x0] =	vst.add.f32.msk $0xffff, v1  }
0x217: {  	[tilespmem:s5+$0x10] =	vst.add.f32.msk $0xffff, v2  }
0x218: {  	[tilespmem:s5+$0x20] =	vst.add.f32.msk $0xffff, v3  }
0x219: {  	[tilespmem:s5+$0x30] =	vst.add.f32.msk $0xffff, v4  }
0x21a: {  	[tilespmem:s5+$0x80] =	vst.add.f32.msk $0xffff, v5  }
0x21b: {  	[tilespmem:s5+$0x90] =	vst.add.f32.msk $0xffff, v6  }
0x21c: {  	[tilespmem:s5+$0xA0] =	vst.add.f32.msk $0xffff, v7  }
0x21d: {  	[tilespmem:s5+$0xB0] =	vst.add.f32.msk $0xffff, v8  }
0x21e: {  	[tilespmem:s5+$0x100] =	vst.add.f32.msk $0xffff, v9  }
.Ltmp7:
0x21f: {  	[tilespmem:s5+$0x110] =	vst.add.f32.msk $0xffff, v10;
	(pc) =	sbr.rel @p0 .LBB2_16-.Ltmp7, $4  }
0x220: {  	[tilespmem:s5+$0x120] =	vst.add.f32.msk $0xffff, v11  }
0x221: {  	[tilespmem:s5+$0x130] =	vst.add.f32.msk $0xffff, v12  }
0x222: {  	[tilespmem:s5+$0x180] =	vst.add.f32.msk $0xffff, v13  }
0x223: {  	s11 =	sadd.s32 $0x800, s11;
	[tilespmem:s5+$0x190] =	vst.add.f32.msk $0xffff, v14  }
0x224: {  	[tilespmem:s5+$0x1A0] =	vst.add.f32.msk $0xffff, v0  }
0x225: {  	s25 =	simm.s32 $0x0;
	s7 =	rddreg [dreg:$0xa]  }
0x226: {  	[hbm4b:s7+s25] =	stream.linear.scatter [tilespmem:s25], [sflag:$0x7], $0x4000, $0x38;
	[tilespmem:$0x1C000] =	vst v63  }
0x227: {  	_ =	swait.ge [sflag:s29], $0x4000  }
0x228: {  	[sflag:s29] =	ssyncset.done $0x0  }
0x229: {  	s5 =	simm.s32 $0x0;
	[sflag:s29] =	ssyncadd.s32 $0xFFFFC000  }
0x22a: {  	v0 =	vld [tilespmem:s5+$0x181F0]  }
0x22b: {  	v1 =	vld [tilespmem:s5+$0x18040]  }
0x22c: {  	v2 =	vld [tilespmem:s5+$0x18050]  }
0x22d: {  	v3 =	vld [tilespmem:s5+$0x18060]  }
0x22e: {  	v4 =	vld [tilespmem:s5+$0x18070]  }
0x22f: {  	v5 =	vld [tilespmem:s5+$0x180C0]  }
0x230: {  	v6 =	vld [tilespmem:s5+$0x180D0]  }
0x231: {  	v7 =	vld [tilespmem:s5+$0x180E0]  }
0x232: {  	v8 =	vld [tilespmem:s5+$0x180F0]  }
0x233: {  	v9 =	vld [tilespmem:s5+$0x18140]  }
0x234: {  	v10 =	vld [tilespmem:s5+$0x18150]  }
0x235: {  	v11 =	vld [tilespmem:s5+$0x18160]  }
0x236: {  	v12 =	vld [tilespmem:s5+$0x18170]  }
0x237: {  	v13 =	vld [tilespmem:s5+$0x181C0]  }
0x238: {  	v14 =	vld [tilespmem:s5+$0x181D0]  }
0x239: {  	[tilespmem:s5+$0x41B0] =	vst.add.f32.msk $0xffff, v0  }
0x23a: {  	v0 =	vld [tilespmem:s5+$0x181E0]  }
0x23b: {  	[tilespmem:s5+$0x4000] =	vst.add.f32.msk $0xffff, v1  }
0x23c: {  	[tilespmem:s5+$0x4010] =	vst.add.f32.msk $0xffff, v2  }
0x23d: {  	[tilespmem:s5+$0x4020] =	vst.add.f32.msk $0xffff, v3  }
0x23e: {  	[tilespmem:s5+$0x4030] =	vst.add.f32.msk $0xffff, v4  }
0x23f: {  	[tilespmem:s5+$0x4080] =	vst.add.f32.msk $0xffff, v5  }
0x240: {  	[tilespmem:s5+$0x4090] =	vst.add.f32.msk $0xffff, v6  }
0x241: {  	[tilespmem:s5+$0x40A0] =	vst.add.f32.msk $0xffff, v7  }
0x242: {  	[tilespmem:s5+$0x40B0] =	vst.add.f32.msk $0xffff, v8  }
0x243: {  	[tilespmem:s5+$0x4100] =	vst.add.f32.msk $0xffff, v9  }
0x244: {  	[tilespmem:s5+$0x4110] =	vst.add.f32.msk $0xffff, v10  }
0x245: {  	[tilespmem:s5+$0x4120] =	vst.add.f32.msk $0xffff, v11  }
0x246: {  	[tilespmem:s5+$0x4130] =	vst.add.f32.msk $0xffff, v12  }
0x247: {  	[tilespmem:s5+$0x4180] =	vst.add.f32.msk $0xffff, v13  }
0x248: {  	s11 =	simm.s32 $0x800;
	s7 =	simm.s32 $0x0;
	[tilespmem:s5+$0x4190] =	vst.add.f32.msk $0xffff, v14  }
.LBB2_18:
0x249: {  	s7 =	sadd.s32 $0x4, s7;
	[tilespmem:s5+$0x41A0] =	vst.add.f32.msk $0xffff, v0;
	s5 =	sshra.s32 s11, $0x2  }
0x24a: {  	v0 =	vld [tilespmem:s5+$0x181F0];
	p0 =	slt.u32 s7, $0x7C  }
0x24b: {  	v1 =	vld [tilespmem:s5+$0x18040]  }
0x24c: {  	v2 =	vld [tilespmem:s5+$0x18050]  }
0x24d: {  	v3 =	vld [tilespmem:s5+$0x18060]  }
0x24e: {  	v4 =	vld [tilespmem:s5+$0x18070]  }
0x24f: {  	[tilespmem:s5+$0x41B0] =	vst.add.f32.msk $0xffff, v0  }
0x250: {  	v5 =	vld [tilespmem:s5+$0x180C0]  }
0x251: {  	v6 =	vld [tilespmem:s5+$0x180D0]  }
0x252: {  	v7 =	vld [tilespmem:s5+$0x180E0]  }
0x253: {  	v8 =	vld [tilespmem:s5+$0x180F0]  }
0x254: {  	v9 =	vld [tilespmem:s5+$0x18140]  }
0x255: {  	v10 =	vld [tilespmem:s5+$0x18150]  }
0x256: {  	v11 =	vld [tilespmem:s5+$0x18160]  }
0x257: {  	v12 =	vld [tilespmem:s5+$0x18170]  }
0x258: {  	v13 =	vld [tilespmem:s5+$0x181C0]  }
0x259: {  	v14 =	vld [tilespmem:s5+$0x181D0]  }
0x25a: {  	v0 =	vld [tilespmem:s5+$0x181E0]  }
0x25b: {  	[tilespmem:s5+$0x4000] =	vst.add.f32.msk $0xffff, v1  }
0x25c: {  	[tilespmem:s5+$0x4010] =	vst.add.f32.msk $0xffff, v2  }
0x25d: {  	[tilespmem:s5+$0x4020] =	vst.add.f32.msk $0xffff, v3  }
0x25e: {  	[tilespmem:s5+$0x4030] =	vst.add.f32.msk $0xffff, v4  }
0x25f: {  	[tilespmem:s5+$0x4080] =	vst.add.f32.msk $0xffff, v5  }
0x260: {  	[tilespmem:s5+$0x4090] =	vst.add.f32.msk $0xffff, v6  }
0x261: {  	[tilespmem:s5+$0x40A0] =	vst.add.f32.msk $0xffff, v7  }
0x262: {  	[tilespmem:s5+$0x40B0] =	vst.add.f32.msk $0xffff, v8  }
0x263: {  	[tilespmem:s5+$0x4100] =	vst.add.f32.msk $0xffff, v9  }
.Ltmp8:
0x264: {  	[tilespmem:s5+$0x4110] =	vst.add.f32.msk $0xffff, v10;
	(pc) =	sbr.rel @p0 .LBB2_18-.Ltmp8, $4  }
0x265: {  	[tilespmem:s5+$0x4120] =	vst.add.f32.msk $0xffff, v11  }
0x266: {  	[tilespmem:s5+$0x4130] =	vst.add.f32.msk $0xffff, v12  }
0x267: {  	[tilespmem:s5+$0x4180] =	vst.add.f32.msk $0xffff, v13  }
0x268: {  	s11 =	sadd.s32 $0x800, s11;
	[tilespmem:s5+$0x4190] =	vst.add.f32.msk $0xffff, v14  }
0x269: {  	[tilespmem:s5+$0x41A0] =	vst.add.f32.msk $0xffff, v0  }
0x26a: {  	s19 =	simm.s32 $0x9;
	s5 =	rddreg [dreg:$0xb]  }
0x26b: {  	[hbm4b:s5+s1] =	stream.linear.scatter [tilespmem:s24], [sflag:$0x8], $0x4000, $0x38;
	[tilespmem:$0x1C000] =	vst v63  }
0x26c: {  	_ =	swait.ge [sflag:s19], $0x4000  }
0x26d: {  	[sflag:s19] =	ssyncset.done $0x0  }
0x26e: {  	s20 =	simm.s32 $0xA;
	[sflag:s19] =	ssyncadd.s32 $0xFFFFC000  }
0x26f: {  	_ =	swait.ge [sflag:s20], $0x4000  }
0x270: {  	[sflag:s20] =	ssyncset.done $0x0  }
0x271: {  	s21 =	simm.s32 $0xB;
	[sflag:s20] =	ssyncadd.s32 $0xFFFFC000  }
0x272: {  	_ =	swait.ge [sflag:s21], $0x4000  }
0x273: {  	[sflag:s21] =	ssyncset.done $0x0  }
0x274: {  	s23 =	simm.s32 $0xC;
	[sflag:s21] =	ssyncadd.s32 $0xFFFFC000  }
0x275: {  	_ =	swait.ge [sflag:s23], $0x4000  }
0x276: {  	[sflag:s23] =	ssyncset.done $0x0  }
0x277: {  	[sflag:s23] =	ssyncadd.s32 $0xFFFFC000  }
0x278: {  	_ =	swait.ge [sflag:s22], $0x4000  }
0x279: {  	[sflag:s22] =	ssyncset.done $0x0  }
0x27a: {  	[sflag:s22] =	ssyncadd.s32 $0xFFFFC000  }
0x27b: {  	_ =	swait.ge [sflag:s8], $0x4000  }
0x27c: {  	s7 =	rddreg [dreg:$0xd]  }
0x27d: {  	s25 =	rddreg [dreg:$0xc];
	s7 =	sadd.s32 $0x1, s7  }
0x27e: {  	p0 =	sne.s32 s7, s25  }
.Ltmp9:
0x27f: {  	_ = 	snop;
	(pc) =	sbr.rel @p0 .LBB2_1-.Ltmp9, $3  }
0x280: {  	_ =	sdelay $0x1  }
0x281: {  	[sflag:s8] =	ssyncset.done $0x0  }
0x282: {  	[sflag:s8] =	ssyncadd.s32 $0xFFFFC000  }
0x283: {  	_ =	sfence.sel $0x180000  }
0x284: {  	[bflag:$0x0] =	sbarrier.arrive $0xFFFF  }
0x285: {  	_ =	strace $0x90000047  }
0x286: {  	s0 =	stileid.u32;
	[bflag:$0x2] =	sbarrier.arrive $0xFFFF  }
0x287: {  	p0 =	sne.s32 s0, $0x0;
	s0 =	rddreg [dreg:$0x2]  }
0x288: {  	s0 =	sadd.s32 @!p0 $0x100000, s0  }
0x289: {  	[sflag:s0] =	ssyncadd.tile.s32 @!p0 $0x1;
	_ =	shalt  }
.Lfunc_end2:
_tile_overlayer_lowered:
.L_overlay_start_2:
0x28a: {  	(tag) =	ssettag $0x2  }
0x28b: {  	s0 =	rddreg [dreg:$0x0];
	s2 =	stileid.u32  }
0x28c: {  	s1 =	rddreg [dreg:$0x1];
	p0 =	sne.s32 s2, $0x0  }
0x28d: {  	s3 =	rddreg [dreg:$0x2];
	[bflag:$0x3] =	sbarrier.arrive $0xFFFF;
	s2 =	simm.s32 @!p0 $0x1C0D  }
0x28e: {  	[timem:s3], [sflag:s2] =	dma.local @!p0 [hbm:s0], s1  }
0x28f: {  	s0 =	simm.s32 @!p0 $0xD  }
0x290: {  	_ =	swait.ge @!p0 [sflag:s0], s1  }
0x291: {  	s1 =	ssub.s32 @!p0 $0x0, s1;
	[sflag:s0] =	ssyncset.done @!p0 $0x0  }
0x292: {  	[sflag:s0] =	ssyncadd.s32 @!p0 s1  }
0x293: {  	[bflag:$0x3] =	sbarrier.arrive $0xFFFF  }
0x294: {  	_ =	shalt  }

// kernel: sparse-core-data-format-call.cloned.1.call-start
scs
called_computation_lowered:
.L_overlay_start_0:
0x0: {  	s2 =	sld [smem:$0x3FD9]  }
0x1: {  	s3 =	sld [smem:$0x3FFE];
	_ =	sdelay $0x1  }
0x2: {  	s1 =	srdreg.scid  }
0x3: {  	s0 =	sand.u32 $0x1, s1  }
0x4: {  	s18 =	sshll.u32 s0, $0xA;
	s2 =	sadd.s32 s3, s2  }
0x5: {  	s2 =	sadd.s32 s2, s18  }
0x6: {  	[smem:$0x3FC6] =	sst s2  }
0x7: {  	_ = 	snop  }
0x8: {  	s2 =	sld [smem:$0x3FD0];
	(tm) =	ssettm $0x1  }
0x9: {  	s19 =	sld [smem:$0x3FFB];
	_ =	sdelay $0x3  }
0xa: {  	_ =	strace s19  }
0xb: {  	s3 =	sld [smem:$0x3FFC];
	_ =	sdelay $0x3  }
0xc: {  	_ =	strace s3  }
0xd: {  	s3 =	sld [smem:$0x3FFD];
	_ =	sdelay $0x3  }
0xe: {  	_ =	strace s3  }
0xf: {  	_ =	strace $0x8FFFFFFF  }
0x10: {  	s20 =	sld [smem:$0x3FDB];
	_ =	sdelay $0x1  }
0x11: {  	s4 =	simm.s32 $_scs_section_size  }
0x12: {  	s5 =	simm.s32 $_size__tile_overlayer_lowered;
	s6 =	simm.s32 $_tile_overlayer_lowered  }
0x13: {  	s23 =	simm.s32 $0x1BFF;
	s22 =	sshll.u32 s6, $0x1;
	s3 =	sadd.s32 s4, s20  }
0x14: {  	s7 =	simm.s32 $0x0;
	s21 =	sshll.u32 s5, $0x1;
	s5 =	sadd.s32 s22, s3  }
0x15: {  	[timem:s7], [sflag:s23] =	dma.local [hbm:s5], s21  }
0x16: {  	_ =	swait.ge [sflag:s23], s21  }
0x17: {  	s4 =	ssub.s32 $0x0, s21;
	[sflag:s23] =	ssyncset.done $0x0  }
0x18: {  	[sflag:s23] =	ssyncadd.s32 s4;
	_ =	sdelay $0x1  }
0x19: {  	s24 =	simm.s32 $0x1B8B  }
0x1a: {  	_ =	swait.ge [sflag:s24], $0x1  }
0x1b: {  	[sflag:s24] =	ssyncset.done $0x0  }
0x1c: {  	s26 =	simm.s32 $0x1B8E;
	s25 =	sld [smem:$0x3FFE];
	[sflag:s24] =	ssyncadd.s32 $0xFFFFFFFF  }
0x1d: {  	s27 =	simm.s32 $execute0_lowered;
	[smem:$0x3FD2] =	sst s26  }
0x1e: {  	s5 =	sshll.u32 s27, $0x1;
	_ =	strace $0x80000049;
	[dreg:$0x1] =	wrdreg $0xFFFFFFFF  }
0x1f: {  	s28 =	simm.s32 $_size_execute0_lowered;
	s3 =	sadd.s32 s3, s5;
	[dreg:$0x0] =	wrdreg $0x0  }
0x20: {  	s5 =	sshll.u32 s28, $0x1;
	[dreg:$0x2] =	wrdreg s3  }
0x21: {  	[dreg:$0x3] =	wrdreg s5  }
0x22: {  	[dreg:$0x4] =	wrdreg $0xC0  }
0x23: {  	_ =	task [dreg:s7], $0x5FFFF  }
0x24: {  	[dreg:$0x1] =	wrdreg $0xFFFFFFFF  }
0x25: {  	[dreg:$0x0] =	wrdreg $0x60  }
0x26: {  	[dreg:$0x2] =	wrdreg s25  }
0x27: {  	[dreg:$0x3] =	wrdreg s2  }
0x28: {  	[dreg:$0x4] =	wrdreg $0x9  }
0x29: {  	_ =	task.clear_ibuf [dreg:s7], $0x5FFFF;
	_ =	strace $0x90000049  }
0x2a: {  	s29 =	simm.s32 $0x9;
	_ =	strace $0x8000004B  }
0x2b: {  	_ =	swait.ge [sflag:s29], $0x1  }
0x2c: {  	[sflag:s29] =	ssyncadd.s32 $0xFFFFFFFF  }
0x2d: {  	_ =	strace $0x9000004B  }
0x2e: {  	_ =	sfence  }
0x2f: {  	s30 =	sld [smem:$0x0];
	_ =	sdelay $0x2  }
0x30: {  	s31 =	sshll.u32 s1, $0xD;
	s1 =	sshrl.u32 s1, $0x2  }
0x31: {  	s3 =	sand.u32 $0x4000, s31;
	s1 =	sadd.s32 s1, s30  }
0x32: {  	s0 =	sor.u32 s3, s0;
	s1 =	sshll.u32 s1, $0x11  }
0x33: {  	s0 =	sor.u32 s1, s0  }
0x34: {  	s0 =	sadd.s32 $0x8F2B, s0  }
0x35: {  	[sflag:s0] =	ssyncadd.remote.s32 $0x1  }
0x36: {  	_ =	sfence.sel $0xFFFF  }
0x37: {  	[dreg:$0x0] =	wrdreg $0xFFFFFFFF;
	(pc) =	sbr.abs _section_cstart, $3  }
0x38: {  	[dreg:$0x1] =	wrdreg $0xFFFFFFFF  }
0x39: {  	_ =	task.clear_ibuf [dreg:s7], $0x2FFFF;
	_ =	strace $0x9FFFFFFF  }
0x3a: {  	(tm) =	ssettm $0x7FFFFFFF  }
0x3b: {  	_ =	shalt  }
tec
execute0_lowered:
.L_overlay_start_1:
0x0: {  	(tag) =	ssettag $0x1  }
0x1: {  	s0 =	srdreg.scid  }
0x2: {  	s1 =	sshll.u32 s0, $0x4  }
0x3: {  	s7 =	rddreg [dreg:$0x0];
	s0 =	stileid.u32;
	s1 =	sand.u32 $0x10, s1  }
0x4: {  	s2 =	rddreg [dreg:$0x1];
	s4 =	simm.s32 $0x1;
	s1 =	sor.u32 s0, s1  }
0x5: {  	s8 =	simm.s32 $0x0;
	s9 =	simm.s32 $0x2;
	s3 =	sshll.u32 s1, $0x1  }
0x6: {  	s13 =	simm.s32 $0x0;
	s14 =	simm.s32 $0x0;
	s6 =	ssub.s32 $0x40, s3  }
0x7: {  	s10 =	simm.s32 $0x0;
	s1 =	rddreg [dreg:$0x2];
	s5 =	sand.u32 $0x3E, s6  }
.Ltmp0:
0x8: {  	_ =	strace $0x8000004A;
	p0 =	seq.s32 s5, $0x0;
	(pc) =	sbr.rel .LBB1_1-.Ltmp0, $4  }
0x9: {  	s12 =	simm.s32 $0x0;
	[sflag:s4] =	ssyncpa.u1 $0x0;
	s8 =	simm.s32 @!p0 $0x40  }
0xa: {  	s11 =	smov.u32 s3;
	[sflag:s9] =	ssyncpa.u1 $0x0;
	s6 =	sadd.s32 s6, s8  }
0xb: {  	s9 =	simm.s32 $0x10000;
	s5 =	sadd.s32 $0x800A00, s7;
	s6 =	sand.u32 $0xC0, s6  }
0xc: {  	s7 =	sadd.s32 $0x820A00, s7;
	p0 =	por $0x0, $0x0;
	s8 =	sor.u32 $0x1, s6  }
.LBB1_7:
0xd: {  	s15 =	sadd.s32 $0x80, s10  }
0xe: {  	s13 =	sadd.s32 $0x40, s11;
	s17 =	smov.u32 s11;
	p2 =	sgt.s32 s15, $0x1FFF  }
0xf: {  	s17 =	smov.u32 @p2 s13  }
0x10: {  	s15 =	simm.s32 @p2 $0x0;
	p2 =	sgt.s32 s17, $0x3F  }
0x11: {  	s17 =	smov.u32 @p2 s3;
	p2 =	sne.s32 s12, s8  }
.Ltmp1:
0x12: {  	p1 =	slt.u32 s12, $0x2;
	(pc) =	sbr.rel @!p2 .LBB1_8-.Ltmp1, $4  }
0x13: {  	s16 =	simm.s32 @!p1 $0x2  }
0x14: {  	s14 =	smov.u32 s11;
	p0 =	por !p0, !p0;
	_ =	swait.ge @!p1 [sflag:s16], $0x4000  }
0x15: {  	s13 =	smov.u32 s10;
	[sflag:s16] =	ssyncset.done @!p1 $0x0;
	s10 =	smov.u32 s15  }
0x16: {  	s12 =	sadd.s32 $0x1, s12;
	[sflag:s16] =	ssyncadd.s32 @!p1 $0xFFFFC000;
	s11 =	smov.u32 s17  }
.LBB1_1:
0x17: {  	p1 =	sge.u32 s12, s6  }
0x18: {  	s15 =	sxor.u32 @!p1 $0xFFFFFFFF, s12;
	s16 =	sshll.u32 @!p1 s11, $0x11  }
0x19: {  	s17 =	sshll.u32 @!p1 s10, $0x4;
	s19 =	simm.s32 @!p1 $0x40;
	s20 =	simm.s32 @!p1 $0x80  }
0x1a: {  	s15 =	sshll.u32 @!p1 s15, $0xE;
	s17 =	sand.u32 @!p1 $0x1FFF0, s17;
	s18 =	sadd.s32 @!p1 s5, s16  }
0x1b: {  	s16 =	sadd.s32 @!p1 s16, s7;
	s15 =	sand.u32 @!p1 $0x4000, s15;
	s18 =	sadd.s32 @!p1 s17, s18  }
0x1c: {  	[tilespmem:s15], [sflag:$0x1] =	stream.strided.gather @!p1 [hbm4b:s18+s19], $0x2000, s20, s19, $0x38;
	[tilespmem:$0x10100] =	vst v63  }
0x1d: {  	s31 =	sadd.s32 $0xFFFFFFFF, s12;
	s16 =	sadd.s32 @!p1 s17, s16;
	s15 =	sor.u32 @!p1 $0x2000, s15  }
0x1e: {  	[tilespmem:s15], [sflag:$0x1] =	stream.strided.gather @!p1 [hbm4b:s16+s19], $0x2000, s20, s19, $0x38;
	[tilespmem:$0x10100] =	vst v63  }
0x1f: {  	p1 =	sge.u32 s31, s6  }
.Ltmp2:
0x20: {  	_ = 	snop;
	(pc) =	sbr.rel @p1 .LBB1_7-.Ltmp2, $1  }
0x21: {  	_ =	sdelay $0x3  }
0x22: {  	s15 =	simm.s32 $0x1;
	s17 =	sand.u32 $0x1, s12  }
0x23: {  	_ =	swait.ge [sflag:s4], $0x4000;
	s15 =	simm.s32 @!p0 $0x0;
	s17 =	smul.u32 $0x10200, s17  }
0x24: {  	p2 =	por $0x1, $0x1;
	[sflag:s4] =	ssyncset.done $0x0;
	s16 =	smul.u32 $0x10200, s15  }
0x25: {  	s18 =	sshll.u32 s15, $0x10;
	[sflag:s4] =	ssyncadd.s32 $0xFFFFC000;
	s30 =	sshrl.u32 s17, $0x2  }
0x26: {  	s31 =	sshrl.u32 s18, $0x2;
	s18 =	simm.s32 $0x0;
	s16 =	sshrl.u32 s16, $0x2  }
0x27: {  	s15 =	sor.u32 $0x8000, s30;
	s17 =	sadd.s32 $0x20, s31;
	s16 =	sor.u32 $0x8000, s16  }
.LBB1_3:
0x28: {  	s19 =	sshll.u32 s18, $0xD  }
0x29: {  	s19 =	sand.u32 $0x3FFFE000, s19  }
0x2a: {  	s21 =	sadd.s32 s19, s17  }
0x2b: {  	s31 =	smul.u32 $0x8100, s18;
	v3 =	vld [tilespmem:s21+$0x10]  }
0x2c: {  	v1 =	vld [tilespmem:s21+$0xFFFFFFF0]  }
0x2d: {  	s18 =	sshra.s32 s31, $0x2;
	v0 =	vld [tilespmem:s21+$0x0]  }
0x2e: {  	s18 =	sadd.s32 s18, s16;
	v2 =	vld [tilespmem:s21+$0xFFFFFFE0]  }
0x2f: {  	s19 =	sadd.s32 $0x0, s18  }
0x30: {  	p1 =	por p2, p2;
	s20 =	simm.s32 $0x4;
	s21 =	sadd.s32 $0x40, s21;
	[tilespmem:s19+$0x1830 ss:$0x81] =	vst.msk $0xffff, v3  }
.LBB1_4:
0x31: {  	v3 =	vld [tilespmem:s21+$0x10];
	p2 =	sne.s32 s20, $0x1FC;
	[tilespmem:s19+$0x810 ss:$0x81] =	vst.msk $0xffff, v1;
	s22 =	smov.u32 s20;
	s20 =	sadd.s32 $0x4, s20  }
.Ltmp3:
0x32: {  	v1 =	vld [tilespmem:s21+$0xFFFFFFF0];
	[tilespmem:s19+$0x1020 ss:$0x81] =	vst.msk $0xffff, v0;
	(pc) =	sbr.rel @p2 .LBB1_4-.Ltmp3, $4  }
0x33: {  	v0 =	vld [tilespmem:s21+$0x0];
	[tilespmem:s19+$0x0 ss:$0x81] =	vst.msk $0xffff, v2  }
0x34: {  	s19 =	sshra.s32 s22, $0x2;
	v2 =	vld [tilespmem:s21+$0xFFFFFFE0]  }
0x35: {  	s19 =	sadd.s32 s19, s18  }
0x36: {  	s21 =	sadd.s32 $0x40, s21;
	[tilespmem:s19+$0x1830 ss:$0x81] =	vst.msk $0xffff, v3  }
.Ltmp4:
0x37: {  	(pc) =	sbr.rel @p1 .LBB1_3-.Ltmp4, $4  }
0x38: {  	_ = 	snop  }
0x39: {  	[tilespmem:s19+$0x810 ss:$0x81] =	vst.msk $0xffff, v1  }
0x3a: {  	[tilespmem:s19+$0x1020 ss:$0x81] =	vst.msk $0xffff, v0  }
0x3b: {  	s18 =	simm.s32 $0x1;
	p2 =	por $0x0, $0x0;
	[tilespmem:s19+$0x0 ss:$0x81] =	vst.msk $0xffff, v2  }
0x3c: {  	s16 =	sshll.u32 s13, $0x3;
	s17 =	sand.u32 $0x78, s13;
	s14 =	sshll.u32 s14, $0x10  }
.Ltmp5:
0x3d: {  	s30 =	sand.u32 $0xFC00, s13;
	s16 =	sand.u32 $0x1C00, s16;
	(pc) =	sbr.rel .LBB1_7-.Ltmp5, $4  }
0x3e: {  	s31 =	sand.u32 $0x7, s13;
	s14 =	sadd.s32 s2, s14;
	s16 =	sor.u32 s17, s16  }
0x3f: {  	s13 =	sshll.u32 s31, $0x12;
	s14 =	sadd.s32 s30, s14;
	s16 =	sshrl.u32 s16, $0x3  }
0x40: {  	s13 =	sor.u32 $0x400, s13;
	s14 =	sadd.s32 s16, s14  }
0x41: {  	[hbm4b:s14+s13] =	stream.strided.scatter [tilespmem:s15], [sflag:$0x2], $0x4000, s9, s13, $0x20;
	[tilespmem:$0x10100] =	vst v63  }
.LBB1_8:
0x42: {  	_ =	sfence.sel $0x180000  }
0x43: {  	s2 =	simm.s32 $0x1;
	[bflag:$0x0] =	sbarrier.arrive $0xFFFF  }
0x44: {  	s31 =	simm.s32 $0x2;
	[sflag:s2] =	ssyncpa.u1 $0x1  }
0x45: {  	[sflag:s31] =	ssyncpa.u1 $0x1  }
0x46: {  	p0 =	sne.s32 s0, $0x0;
	_ =	strace $0x9000004A  }
0x47: {  	s0 =	sadd.s32 @!p0 $0x100000, s1;
	[bflag:$0x2] =	sbarrier.arrive $0xFFFF  }
0x48: {  	[sflag:s0] =	ssyncadd.tile.s32 @!p0 $0x1;
	_ =	shalt  }
.Lfunc_end1:
_tile_overlayer_lowered:
.L_overlay_start_2:
0x49: {  	(tag) =	ssettag $0x2  }
0x4a: {  	s0 =	rddreg [dreg:$0x0];
	s2 =	stileid.u32  }
0x4b: {  	s1 =	rddreg [dreg:$0x1];
	p0 =	sne.s32 s2, $0x0  }
0x4c: {  	s3 =	rddreg [dreg:$0x2];
	[bflag:$0x3] =	sbarrier.arrive $0xFFFF;
	s2 =	simm.s32 @!p0 $0x1C01  }
0x4d: {  	[timem:s3], [sflag:s2] =	dma.local @!p0 [hbm:s0], s1  }
0x4e: {  	s0 =	simm.s32 @!p0 $0x1  }
0x4f: {  	_ =	swait.ge @!p0 [sflag:s0], s1  }
0x50: {  	s1 =	ssub.s32 @!p0 $0x0, s1;
	[sflag:s0] =	ssyncset.done @!p0 $0x0  }
0x51: {  	[sflag:s0] =	ssyncadd.s32 @!p0 s1  }
0x52: {  	[bflag:$0x3] =	sbarrier.arrive $0xFFFF  }
0x53: {  	_ =	shalt  }

</sc_bundles>
